<compile_context>
chip_gen: v7x
topology: tpu7x:2x2x1
jax: 0.10.2.dev20260603
libtpu: 0.0.44.dev20260713+nightly
codegen_flags: <defaults>
</compile_context>

<pallas_src>
import functools

import jax
import jax.numpy as jnp
import numpy as np
from jax import lax
from jax.experimental import pallas as pl
from jax.experimental.pallas import tpu as pltpu
from jax.experimental.pallas import tpu_sc as plsc

N_NODES = 10000
N_EDGES = 320000
D_IN = 128
D_H1 = 64
D_H2 = 32

NC = 2
NS = 16
NW = NC * NS
E_PER_W = N_EDGES // NW
BLK = 200
NB = E_PER_W // BLK
ROWS_PER_SUB = 632
N_PAD = ROWS_PER_SUB * NS
NSLOT = 4
LOOKAHEAD = 3

_MESH = plsc.VectorSubcoreMesh(core_axis_name="c", subcore_axis_name="s")

_F32 = jnp.float32

_ONES_BLK = np.ones((BLK, 16), np.float32)
NB_MAIN = (NB // NSLOT) * NSLOT

_Z64 = np.zeros((N_PAD, D_H1), np.float32)
_Z32 = np.zeros((N_PAD, D_H2), np.float32)
_Z16 = np.zeros((N_PAD, 16), np.float32)


def _sc_segsum(y, e_r):
    d = y.shape[1]
    zD = _Z64 if d == D_H1 else _Z32
    out_type = jax.ShapeDtypeStruct((NC, N_PAD, d), _F32)
    scratch = [
        pltpu.VMEM((NB, BLK), jnp.int32),
        pltpu.VMEM((NB, BLK), jnp.int32),
        pltpu.VMEM((NSLOT, BLK, d), _F32),
        pltpu.VMEM_SHARED((N_PAD, d), _F32),
        pltpu.SemaphoreType.DMA((NSLOT,)),
        pltpu.SemaphoreType.DMA((NSLOT,)),
    ]

    @functools.partial(
        pl.kernel,
        out_type=out_type,
        mesh=_MESH,
        scratch_types=tuple(scratch),
        compiler_params=pltpu.CompilerParams(use_tc_tiling_on_sc=False),
    )
    def k(y_hbm, e_hbm, zD_hbm, out_hbm, src_v, dst_v, buf_v, acc_sh,
          gsem, ssem):
        c = lax.axis_index("c")
        s = lax.axis_index("s")
        wid = s * NC + c
        r0 = s * ROWS_PER_SUB
        pltpu.sync_copy(zD_hbm.at[pl.ds(r0, ROWS_PER_SUB)],
                        acc_sh.at[pl.ds(r0, ROWS_PER_SUB)])
        pltpu.sync_copy(e_hbm.at[wid], src_v)
        pltpu.sync_copy(e_hbm.at[NW + wid], dst_v)
        plsc.subcore_barrier()

        def wait_scatter(j, b):
            pltpu.make_async_copy(buf_v.at[j],
                                  acc_sh.at[dst_v.at[b]], ssem.at[j]).wait()

        def visit(b, j, first):
            pltpu.make_async_copy(y_hbm.at[src_v.at[b]], buf_v.at[j],
                                  gsem.at[j]).wait()
            jp = (j - 1) % NSLOT
            if not first:
                wait_scatter(jp, b)
            pltpu.async_copy(buf_v.at[j], acc_sh.at[dst_v.at[b]],
                             ssem.at[j], add=True)
            jf = (j + LOOKAHEAD) % NSLOT
            f = b + LOOKAHEAD

            @pl.when(f < NB)
            def _():
                pltpu.async_copy(y_hbm.at[src_v.at[f]], buf_v.at[jf],
                                 gsem.at[jf])

        for b0 in range(LOOKAHEAD):
            pltpu.async_copy(y_hbm.at[src_v.at[b0]], buf_v.at[b0],
                             gsem.at[b0])

        @pl.loop(0, NB_MAIN // NSLOT)
        def _(t):
            for j in range(NSLOT):
                b = t * NSLOT + j
                if j == 0:
                    @pl.when(t > 0)
                    def _():
                        visit(b, j, False)

                    @pl.when(t == 0)
                    def _():
                        visit(b, j, True)
                else:
                    visit(b, j, False)

        for b in range(NB_MAIN, NB):
            visit(b, b % NSLOT, False)

        wait_scatter((NB - 1) % NSLOT, 0)
        plsc.subcore_barrier()
        pltpu.sync_copy(acc_sh.at[pl.ds(r0, ROWS_PER_SUB)],
                        out_hbm.at[c, pl.ds(r0, ROWS_PER_SUB)])

    return k(y, e_r, zD)


def _sc_deg(e_r):

    @functools.partial(
        pl.kernel,
        out_type=jax.ShapeDtypeStruct((NC, N_PAD, 16), _F32),
        mesh=_MESH,
        scratch_types=(
            pltpu.VMEM((NB, BLK), jnp.int32),
            pltpu.VMEM((BLK, 16), _F32),
            pltpu.VMEM_SHARED((N_PAD, 16), _F32),
            pltpu.SemaphoreType.DMA((2,)),
        ),
        compiler_params=pltpu.CompilerParams(use_tc_tiling_on_sc=False),
    )
    def k(e_hbm, ones_hbm, z16_hbm, deg_hbm, dst_v, ones_v, deg_sh, dsem):
        c = lax.axis_index("c")
        s = lax.axis_index("s")
        wid = s * NC + c
        r0 = s * ROWS_PER_SUB
        pltpu.sync_copy(z16_hbm.at[pl.ds(r0, ROWS_PER_SUB)],
                        deg_sh.at[pl.ds(r0, ROWS_PER_SUB)])
        pltpu.sync_copy(ones_hbm, ones_v)
        pltpu.sync_copy(e_hbm.at[NW + wid], dst_v)
        plsc.subcore_barrier()

        def dwait(j, b):
            pltpu.make_async_copy(ones_v, deg_sh.at[dst_v.at[b]],
                                  dsem.at[j]).wait()

        @pl.loop(0, NB // 2)
        def _(t):
            for j in range(2):
                b = t * 2 + j
                if j == 0:
                    @pl.when(t > 0)
                    def _():
                        dwait(1, b)
                else:
                    dwait(0, b)
                pltpu.async_copy(ones_v, deg_sh.at[dst_v.at[b]],
                                 dsem.at[j], add=True)

        dwait((NB - 1) % 2, 0)
        plsc.subcore_barrier()
        pltpu.sync_copy(deg_sh.at[pl.ds(r0, ROWS_PER_SUB)],
                        deg_hbm.at[c, pl.ds(r0, ROWS_PER_SUB)])

    return k(e_r, _ONES_BLK, _Z16)


def _dot(a, b):
    return lax.dot_general(a, b, (((1,), (0,)), ((), ())),
                           preferred_element_type=_F32,
                           precision=lax.Precision.HIGHEST)


RG = 5
RB = N_NODES // RG

_TC_PARAMS = pltpu.CompilerParams(dimension_semantics=("parallel",))


def _tc_y1(x, W_l):
    def body(x_ref, wl_ref, y_ref):
        y_ref[...] = _dot(x_ref[...], wl_ref[...])

    return pl.pallas_call(
        body,
        grid=(RG,),
        in_specs=[pl.BlockSpec((RB, D_IN), lambda i: (i, 0)),
                  pl.BlockSpec((D_IN, D_H1), lambda i: (0, 0))],
        out_specs=pl.BlockSpec((RB, D_H1), lambda i: (i, 0)),
        out_shape=jax.ShapeDtypeStruct((N_NODES, D_H1), _F32),
        compiler_params=_TC_PARAMS,
    )(x, W_l)


def _tc_root(x, W_r, b, d):
    din = x.shape[1]

    def body(x_ref, wr_ref, b_ref, r_ref):
        r_ref[...] = _dot(x_ref[...], wr_ref[...]) + b_ref[...]

    return pl.pallas_call(
        body,
        grid=(RG,),
        in_specs=[pl.BlockSpec((RB, din), lambda i: (i, 0)),
                  pl.BlockSpec((din, d), lambda i: (0, 0)),
                  pl.BlockSpec((1, d), lambda i: (0, 0))],
        out_specs=pl.BlockSpec((RB, d), lambda i: (i, 0)),
        out_shape=jax.ShapeDtypeStruct((N_NODES, d), _F32),
        compiler_params=_TC_PARAMS,
    )(x, W_r, b)


def _tc_mid(p1, pdeg, r1, W2_l):
    def body(p1_ref, pdeg_ref, r1_ref, wl_ref, h_ref, y2_ref):
        deg = pdeg_ref[0, :, 0:1] + pdeg_ref[1, :, 0:1]
        degc = jnp.maximum(deg, 1.0)
        h = jnp.maximum((p1_ref[0] + p1_ref[1]) / degc + r1_ref[...], 0.0)
        h_ref[...] = h
        y2_ref[...] = _dot(h, wl_ref[...])

    return pl.pallas_call(
        body,
        grid=(RG,),
        in_specs=[pl.BlockSpec((NC, RB, D_H1), lambda i: (0, i, 0)),
                  pl.BlockSpec((NC, RB, 16), lambda i: (0, i, 0)),
                  pl.BlockSpec((RB, D_H1), lambda i: (i, 0)),
                  pl.BlockSpec((D_H1, D_H2), lambda i: (0, 0))],
        out_specs=(pl.BlockSpec((RB, D_H1), lambda i: (i, 0)),
                   pl.BlockSpec((RB, D_H2), lambda i: (i, 0))),
        out_shape=(jax.ShapeDtypeStruct((N_NODES, D_H1), _F32),
                   jax.ShapeDtypeStruct((N_NODES, D_H2), _F32)),
        compiler_params=_TC_PARAMS,
    )(p1, pdeg, r1, W2_l)


def _tc_final(p2, pdeg, r2):
    def body(p2_ref, pdeg_ref, r2_ref, o_ref):
        deg = pdeg_ref[0, :, 0:1] + pdeg_ref[1, :, 0:1]
        degc = jnp.maximum(deg, 1.0)
        o_ref[...] = (p2_ref[0] + p2_ref[1]) / degc + r2_ref[...]

    return pl.pallas_call(
        body,
        grid=(RG,),
        in_specs=[pl.BlockSpec((NC, RB, D_H2), lambda i: (0, i, 0)),
                  pl.BlockSpec((NC, RB, 16), lambda i: (0, i, 0)),
                  pl.BlockSpec((RB, D_H2), lambda i: (i, 0))],
        out_specs=pl.BlockSpec((RB, D_H2), lambda i: (i, 0)),
        out_shape=jax.ShapeDtypeStruct((N_NODES, D_H2), _F32),
        compiler_params=_TC_PARAMS,
    )(p2, pdeg, r2)


def kernel(x, edge_index, W1_l, W1_r, b1, W2_l, W2_r, b2):
    e_r = edge_index.reshape(2 * NW, NB, BLK)

    pdeg = _sc_deg(e_r)
    y1 = _tc_y1(x, W1_l)
    r1 = _tc_root(x, W1_r, b1.reshape(1, D_H1), D_H1)
    p1 = _sc_segsum(y1, e_r)
    h, y2 = _tc_mid(p1, pdeg, r1, W2_l)
    r2 = _tc_root(h, W2_r, b2.reshape(1, D_H2), D_H2)
    p2 = _sc_segsum(y2, e_r)
    return _tc_final(p2, pdeg, r2)

# --- scband reference (transcript-rebuilt; emitter-appended) ---
"""Pipeline reference for scband-graph-sage-50766513439525 (READ-ONLY COPY).

The authoritative reference and input builder live on the scoring server;
editing this copy changes nothing except your own understanding.
"""

import jax, jax.numpy as jnp
import numpy as np

N_NODES = 10000
N_EDGES = 320000
D_IN = 128
D_H1 = 64
D_H2 = 32


def _glorot(key, shape):
    fan_in, fan_out = shape[0], shape[1]
    limit = np.sqrt(6.0 / (fan_in + fan_out))
    return jax.random.uniform(key, shape, jnp.float32, -limit, limit)


def setup_inputs(seed: int = 0) -> dict:
    key = jax.random.key(seed)
    ks = jax.random.split(key, 8)
    x = jax.random.normal(ks[0], (N_NODES, D_IN), jnp.float32)
    edge_index = jax.random.randint(ks[1], (2, N_EDGES), 0, N_NODES, jnp.int32)
    # SAGEConv layer 1: lin_l (aggregated neighbors), lin_r (root), bias
    W1_l = _glorot(ks[2], (D_IN, D_H1))
    W1_r = _glorot(ks[3], (D_IN, D_H1))
    b1 = jnp.zeros((D_H1,), jnp.float32)
    # SAGEConv layer 2
    W2_l = _glorot(ks[4], (D_H1, D_H2))
    W2_r = _glorot(ks[5], (D_H1, D_H2))
    b2 = jnp.zeros((D_H2,), jnp.float32)
    return {"x": x, "edge_index": edge_index, "W1_l": W1_l, "W1_r": W1_r, "b1": b1,
            "W2_l": W2_l, "W2_r": W2_r, "b2": b2}


def _sage_conv(x, src, dst, W_l, W_r, b):
    # PyG SAGEConv with aggr='mean', root_weight=True, bias=True:
    # out = lin_l(mean_{j in N(i)} x_j) + lin_r(x_i) + b
    n = x.shape[0]
    msgs = jnp.take(x, src, axis=0)
    agg = jax.ops.segment_sum(msgs, dst, num_segments=n)
    deg = jax.ops.segment_sum(jnp.ones((src.shape[0],), x.dtype), dst, num_segments=n)
    agg = agg / jnp.clip(deg, 1.0, None)[:, None]
    return agg @ W_l + x @ W_r + b


def reference(x, edge_index, W1_l, W1_r, b1, W2_l, W2_r, b2):
    src = edge_index[0]
    dst = edge_index[1]
    h = _sage_conv(x, src, dst, W1_l, W1_r, b1)
    h = jax.nn.relu(h)
    out = _sage_conv(h, src, dst, W2_l, W2_r, b2)
    return out

if __name__ == "__main__":
    import jax
    _d = setup_inputs()
    print(jax.jit(kernel)(*tuple(_d.values())))

</pallas_src>

<mosaic_0001>
#map = affine_map<(d0, d1) -> (0, 0, 0)>
#map1 = affine_map<(d0, d1) -> (0, 0)>
module attributes {stable_mosaic.version = 14 : i64} {
  func.func @k(%arg0: i32, %arg1: i32, %arg2: memref<64x50x200xi32, #tpu.memory_space<hbm>>, %arg3: memref<200x16xf32, #tpu.memory_space<hbm>>, %arg4: memref<10112x16xf32, #tpu.memory_space<hbm>>, %arg5: memref<2x10112x16xf32, #tpu.memory_space<hbm>>, %arg6: memref<50x200xi32, #tpu.memory_space<vmem>>, %arg7: memref<200x16xf32, #tpu.memory_space<vmem>>, %arg8: memref<10112x16xf32, #tpu.memory_space<vmem_shared>>, %arg9: memref<2x!tpu.dma_semaphore, #tpu.memory_space<semaphore_mem>>) attributes {dimension_semantics = [#tpu.dimension_semantics<core_parallel>, #tpu.dimension_semantics<subcore_parallel>], iteration_bounds = array<i64: 2, 16>, scalar_prefetch = 0 : i64, scratch_operands = 4 : i64, tpu.core_type = #tpu.core_type<sc_vector_subcore>, window_params = [{transform_indices = #map}, {transform_indices = #map1}, {transform_indices = #map1}, {transform_indices = #map}]} {
    %mul3A = arith.constant 2 : i32
    %mul3A_0 = arith.muli %arg1, %mul3A : i32
    %add3A = arith.addi %mul3A_0, %arg0 : i32
    %mul3A_1 = arith.constant 632 : i32
    %mul3A_2 = arith.muli %arg1, %mul3A_1 : i32
    "tpu.region"() ({
      %run_scoped3A = tpu.sem_alloc : memref<!tpu.dma_semaphore, #tpu.memory_space<semaphore_mem>>
      %dma_start3A = arith.constant 0 : i32
      %dma_start3A_19 = tpu.memref_slice %arg8[%mul3A_2, %dma_start3A] : memref<10112x16xf32, #tpu.memory_space<vmem_shared>> -> memref<632x16xf32, #tpu.memory_space<vmem_shared>>
      %dma_start3A_20 = arith.constant 0 : i32
      %dma_start3A_21 = tpu.memref_slice %arg4[%mul3A_2, %dma_start3A_20] : memref<10112x16xf32, #tpu.memory_space<hbm>> -> memref<632x16xf32, #tpu.memory_space<hbm>>
      tpu.enqueue_dma source(%dma_start3A_21 : memref<632x16xf32, #tpu.memory_space<hbm>>) target(%dma_start3A_19 : memref<632x16xf32, #tpu.memory_space<vmem_shared>>) target_semaphore(%run_scoped3A : memref<!tpu.dma_semaphore, #tpu.memory_space<semaphore_mem>>)
      %dma_wait3A_22 = arith.constant 0 : i32
      %dma_wait3A_23 = tpu.memref_slice %arg8[%mul3A_2, %dma_wait3A_22] : memref<10112x16xf32, #tpu.memory_space<vmem_shared>> -> memref<632x16xf32, #tpu.memory_space<vmem_shared>>
      %dma_wait3A_24 = arith.constant 0 : i32
      %dma_wait3A_25 = tpu.memref_slice %arg4[%mul3A_2, %dma_wait3A_24] : memref<10112x16xf32, #tpu.memory_space<hbm>> -> memref<632x16xf32, #tpu.memory_space<hbm>>
      tpu.wait_dma2 semaphore(%run_scoped3A : memref<!tpu.dma_semaphore, #tpu.memory_space<semaphore_mem>>) src(%dma_wait3A_25 : memref<632x16xf32, #tpu.memory_space<hbm>>) dst(%dma_wait3A_23 : memref<632x16xf32, #tpu.memory_space<vmem_shared>>)
      tpu.yield
    }) : () -> ()
    "tpu.region"() ({
      %run_scoped3A = tpu.sem_alloc : memref<!tpu.dma_semaphore, #tpu.memory_space<semaphore_mem>>
      tpu.enqueue_dma source(%arg3 : memref<200x16xf32, #tpu.memory_space<hbm>>) target(%arg7 : memref<200x16xf32, #tpu.memory_space<vmem>>) target_semaphore(%run_scoped3A : memref<!tpu.dma_semaphore, #tpu.memory_space<semaphore_mem>>)
      tpu.wait_dma2 semaphore(%run_scoped3A : memref<!tpu.dma_semaphore, #tpu.memory_space<semaphore_mem>>) src(%arg3 : memref<200x16xf32, #tpu.memory_space<hbm>>) dst(%arg7 : memref<200x16xf32, #tpu.memory_space<vmem>>)
      tpu.yield
    }) : () -> ()
    %add3A_3 = arith.constant 32 : i32
    %add3A_4 = arith.addi %add3A_3, %add3A : i32
    "tpu.region"() ({
      %run_scoped3A = tpu.sem_alloc : memref<!tpu.dma_semaphore, #tpu.memory_space<semaphore_mem>>
      %dma_start3A = arith.constant 0 : i32
      %dma_start3A_19 = arith.constant 0 : i32
      %dma_start3A_20 = tpu.memref_slice %arg2[%add3A_4, %dma_start3A, %dma_start3A_19] : memref<64x50x200xi32, #tpu.memory_space<hbm>> -> memref<1x50x200xi32, #tpu.memory_space<hbm>>
      %dma_start3A_21 = tpu.memref_squeeze %dma_start3A_20 : memref<1x50x200xi32, #tpu.memory_space<hbm>> -> memref<50x200xi32, #tpu.memory_space<hbm>>
      %dma_start3A_22 = arith.constant 0 : i32
      %dma_start3A_23 = arith.constant 0 : i32
      %dma_start3A_24 = tpu.memref_slice %arg2[%add3A_4, %dma_start3A_22, %dma_start3A_23] : memref<64x50x200xi32, #tpu.memory_space<hbm>> -> memref<1x50x200xi32, #tpu.memory_space<hbm>>
      %dma_start3A_25 = tpu.memref_squeeze %dma_start3A_24 : memref<1x50x200xi32, #tpu.memory_space<hbm>> -> memref<50x200xi32, #tpu.memory_space<hbm>>
      tpu.enqueue_dma source(%dma_start3A_25 : memref<50x200xi32, #tpu.memory_space<hbm>>) target(%arg6 : memref<50x200xi32, #tpu.memory_space<vmem>>) target_semaphore(%run_scoped3A : memref<!tpu.dma_semaphore, #tpu.memory_space<semaphore_mem>>)
      %dma_wait3A_26 = arith.constant 0 : i32
      %dma_wait3A_27 = arith.constant 0 : i32
      %dma_wait3A_28 = tpu.memref_slice %arg2[%add3A_4, %dma_wait3A_26, %dma_wait3A_27] : memref<64x50x200xi32, #tpu.memory_space<hbm>> -> memref<1x50x200xi32, #tpu.memory_space<hbm>>
      %dma_wait3A_29 = tpu.memref_squeeze %dma_wait3A_28 : memref<1x50x200xi32, #tpu.memory_space<hbm>> -> memref<50x200xi32, #tpu.memory_space<hbm>>
      %dma_wait3A_30 = arith.constant 0 : i32
      %dma_wait3A_31 = arith.constant 0 : i32
      %dma_wait3A_32 = tpu.memref_slice %arg2[%add3A_4, %dma_wait3A_30, %dma_wait3A_31] : memref<64x50x200xi32, #tpu.memory_space<hbm>> -> memref<1x50x200xi32, #tpu.memory_space<hbm>>
      %dma_wait3A_33 = tpu.memref_squeeze %dma_wait3A_32 : memref<1x50x200xi32, #tpu.memory_space<hbm>> -> memref<50x200xi32, #tpu.memory_space<hbm>>
      tpu.wait_dma2 semaphore(%run_scoped3A : memref<!tpu.dma_semaphore, #tpu.memory_space<semaphore_mem>>) src(%dma_wait3A_33 : memref<50x200xi32, #tpu.memory_space<hbm>>) dst(%arg6 : memref<50x200xi32, #tpu.memory_space<vmem>>)
      tpu.yield
    }) : () -> ()
    %barrier3A = arith.constant 0 : index
    tpu.barrier barrier_id(%barrier3A)
    %scan3A = arith.constant 0 : i32
    %scan3A_5 = arith.constant 25 : i32
    %scan3A_6 = arith.addi %scan3A, %scan3A_5 : i32
    %scan3A_7 = arith.constant 1 : i32
    scf.for %scan3A_19 = %scan3A to %scan3A_6 step %scan3A_7  : i32 {
      %mul3A_20 = arith.constant 1 : i32
      %mul3A_21 = arith.muli %scan3A_19, %mul3A_20 : i32
      %add3A_22 = arith.constant 0 : i32
      %add3A_23 = arith.addi %add3A_22, %mul3A_21 : i32
      %mul3A_24 = arith.constant 2 : i32
      %mul3A_25 = arith.muli %add3A_23, %mul3A_24 : i32
      %add3A_26 = arith.constant 0 : i32
      %add3A_27 = arith.addi %mul3A_25, %add3A_26 : i32
      %gt3A = arith.constant 0 : i32
      %gt3A_28 = arith.cmpi sgt, %add3A_23, %gt3A : i32
      %convert_element_type3A = arith.extui %gt3A_28 : i1 to i32
      %cond3A = arith.constant 0 : i32
      %cond3A_29 = arith.cmpi ne, %convert_element_type3A, %cond3A : i32
      scf.if %cond3A_29 {
        %dma_wait3A_60 = arith.constant 1 : i32
        %dma_wait3A_61 = arith.constant 0 : i32
        %dma_wait3A_62 = tpu.memref_slice %arg6[%add3A_27, %dma_wait3A_61] : memref<50x200xi32, #tpu.memory_space<vmem>> -> memref<1x200xi32, #tpu.memory_space<vmem>>
        %dma_wait3A_63 = tpu.memref_squeeze %dma_wait3A_62 : memref<1x200xi32, #tpu.memory_space<vmem>> -> memref<200xi32, #tpu.memory_space<vmem>>
        %dma_wait3A_64 = arith.constant 0 : i32
        %dma_wait3A_65 = arith.constant 0 : i32
        %dma_wait3A_66 = tpu.memref_slice %arg8[%dma_wait3A_64, %dma_wait3A_65] : memref<10112x16xf32, #tpu.memory_space<vmem_shared>> -> memref<10112x16xf32, #tpu.memory_space<vmem_shared>>
        %dma_wait3A_67 = tpu.memref_slice %arg9[%dma_wait3A_60] : memref<2x!tpu.dma_semaphore, #tpu.memory_space<semaphore_mem>> -> memref<1x!tpu.dma_semaphore, #tpu.memory_space<semaphore_mem>>
        %dma_wait3A_68 = tpu.memref_squeeze %dma_wait3A_67 : memref<1x!tpu.dma_semaphore, #tpu.memory_space<semaphore_mem>> -> memref<!tpu.dma_semaphore, #tpu.memory_space<semaphore_mem>>
        tpu.wait_indirect_dma semaphore(%dma_wait3A_68 : memref<!tpu.dma_semaphore, #tpu.memory_space<semaphore_mem>>) src(%arg7 : memref<200x16xf32, #tpu.memory_space<vmem>>) dst(%dma_wait3A_66 : memref<10112x16xf32, #tpu.memory_space<vmem_shared>>)
      } else {
      }
      %dma_start3A = arith.constant 0 : i32
      %dma_start3A_30 = arith.constant 0 : i32
      %dma_start3A_31 = tpu.memref_slice %arg6[%add3A_27, %dma_start3A_30] : memref<50x200xi32, #tpu.memory_space<vmem>> -> memref<1x200xi32, #tpu.memory_space<vmem>>
      %dma_start3A_32 = tpu.memref_squeeze %dma_start3A_31 : memref<1x200xi32, #tpu.memory_space<vmem>> -> memref<200xi32, #tpu.memory_space<vmem>>
      %dma_start3A_33 = arith.constant 0 : i32
      %dma_start3A_34 = arith.constant 0 : i32
      %dma_start3A_35 = tpu.memref_slice %arg8[%dma_start3A_33, %dma_start3A_34] : memref<10112x16xf32, #tpu.memory_space<vmem_shared>> -> memref<10112x16xf32, #tpu.memory_space<vmem_shared>>
      %dma_start3A_36 = tpu.memref_slice %arg9[%dma_start3A] : memref<2x!tpu.dma_semaphore, #tpu.memory_space<semaphore_mem>> -> memref<1x!tpu.dma_semaphore, #tpu.memory_space<semaphore_mem>>
      %dma_start3A_37 = tpu.memref_squeeze %dma_start3A_36 : memref<1x!tpu.dma_semaphore, #tpu.memory_space<semaphore_mem>> -> memref<!tpu.dma_semaphore, #tpu.memory_space<semaphore_mem>>
      tpu.enqueue_indirect_dma source(%arg7 : memref<200x16xf32, #tpu.memory_space<vmem>>) target(%dma_start3A_35 : memref<10112x16xf32, #tpu.memory_space<vmem_shared>>) offsets(%dma_start3A_32 : memref<200xi32, #tpu.memory_space<vmem>>) semaphore(%dma_start3A_37 : memref<!tpu.dma_semaphore, #tpu.memory_space<semaphore_mem>>) {add = true}
      %mul3A_38 = arith.constant 2 : i32
      %mul3A_39 = arith.muli %add3A_23, %mul3A_38 : i32
      %add3A_40 = arith.constant 1 : i32
      %add3A_41 = arith.addi %mul3A_39, %add3A_40 : i32
      %dma_wait3A_42 = arith.constant 0 : i32
      %dma_wait3A_43 = arith.constant 0 : i32
      %dma_wait3A_44 = tpu.memref_slice %arg6[%add3A_41, %dma_wait3A_43] : memref<50x200xi32, #tpu.memory_space<vmem>> -> memref<1x200xi32, #tpu.memory_space<vmem>>
      %dma_wait3A_45 = tpu.memref_squeeze %dma_wait3A_44 : memref<1x200xi32, #tpu.memory_space<vmem>> -> memref<200xi32, #tpu.memory_space<vmem>>
      %dma_wait3A_46 = arith.constant 0 : i32
      %dma_wait3A_47 = arith.constant 0 : i32
      %dma_wait3A_48 = tpu.memref_slice %arg8[%dma_wait3A_46, %dma_wait3A_47] : memref<10112x16xf32, #tpu.memory_space<vmem_shared>> -> memref<10112x16xf32, #tpu.memory_space<vmem_shared>>
      %dma_wait3A_49 = tpu.memref_slice %arg9[%dma_wait3A_42] : memref<2x!tpu.dma_semaphore, #tpu.memory_space<semaphore_mem>> -> memref<1x!tpu.dma_semaphore, #tpu.memory_space<semaphore_mem>>
      %dma_wait3A_50 = tpu.memref_squeeze %dma_wait3A_49 : memref<1x!tpu.dma_semaphore, #tpu.memory_space<semaphore_mem>> -> memref<!tpu.dma_semaphore, #tpu.memory_space<semaphore_mem>>
      tpu.wait_indirect_dma semaphore(%dma_wait3A_50 : memref<!tpu.dma_semaphore, #tpu.memory_space<semaphore_mem>>) src(%arg7 : memref<200x16xf32, #tpu.memory_space<vmem>>) dst(%dma_wait3A_48 : memref<10112x16xf32, #tpu.memory_space<vmem_shared>>)
      %dma_start3A_51 = arith.constant 1 : i32
      %dma_start3A_52 = arith.constant 0 : i32
      %dma_start3A_53 = tpu.memref_slice %arg6[%add3A_41, %dma_start3A_52] : memref<50x200xi32, #tpu.memory_space<vmem>> -> memref<1x200xi32, #tpu.memory_space<vmem>>
      %dma_start3A_54 = tpu.memref_squeeze %dma_start3A_53 : memref<1x200xi32, #tpu.memory_space<vmem>> -> memref<200xi32, #tpu.memory_space<vmem>>
      %dma_start3A_55 = arith.constant 0 : i32
      %dma_start3A_56 = arith.constant 0 : i32
      %dma_start3A_57 = tpu.memref_slice %arg8[%dma_start3A_55, %dma_start3A_56] : memref<10112x16xf32, #tpu.memory_space<vmem_shared>> -> memref<10112x16xf32, #tpu.memory_space<vmem_shared>>
      %dma_start3A_58 = tpu.memref_slice %arg9[%dma_start3A_51] : memref<2x!tpu.dma_semaphore, #tpu.memory_space<semaphore_mem>> -> memref<1x!tpu.dma_semaphore, #tpu.memory_space<semaphore_mem>>
      %dma_start3A_59 = tpu.memref_squeeze %dma_start3A_58 : memref<1x!tpu.dma_semaphore, #tpu.memory_space<semaphore_mem>> -> memref<!tpu.dma_semaphore, #tpu.memory_space<semaphore_mem>>
      tpu.enqueue_indirect_dma source(%arg7 : memref<200x16xf32, #tpu.memory_space<vmem>>) target(%dma_start3A_57 : memref<10112x16xf32, #tpu.memory_space<vmem_shared>>) offsets(%dma_start3A_54 : memref<200xi32, #tpu.memory_space<vmem>>) semaphore(%dma_start3A_59 : memref<!tpu.dma_semaphore, #tpu.memory_space<semaphore_mem>>) {add = true}
    }
    %scan3A_8 = arith.constant 25 : i32
    %dma_wait3A = arith.constant 0 : i32
    %dma_wait3A_9 = arith.constant 1 : i32
    %dma_wait3A_10 = arith.constant 0 : i32
    %dma_wait3A_11 = tpu.memref_slice %arg6[%dma_wait3A, %dma_wait3A_10] : memref<50x200xi32, #tpu.memory_space<vmem>> -> memref<1x200xi32, #tpu.memory_space<vmem>>
    %dma_wait3A_12 = tpu.memref_squeeze %dma_wait3A_11 : memref<1x200xi32, #tpu.memory_space<vmem>> -> memref<200xi32, #tpu.memory_space<vmem>>
    %dma_wait3A_13 = arith.constant 0 : i32
    %dma_wait3A_14 = arith.constant 0 : i32
    %dma_wait3A_15 = tpu.memref_slice %arg8[%dma_wait3A_13, %dma_wait3A_14] : memref<10112x16xf32, #tpu.memory_space<vmem_shared>> -> memref<10112x16xf32, #tpu.memory_space<vmem_shared>>
    %dma_wait3A_16 = tpu.memref_slice %arg9[%dma_wait3A_9] : memref<2x!tpu.dma_semaphore, #tpu.memory_space<semaphore_mem>> -> memref<1x!tpu.dma_semaphore, #tpu.memory_space<semaphore_mem>>
    %dma_wait3A_17 = tpu.memref_squeeze %dma_wait3A_16 : memref<1x!tpu.dma_semaphore, #tpu.memory_space<semaphore_mem>> -> memref<!tpu.dma_semaphore, #tpu.memory_space<semaphore_mem>>
    tpu.wait_indirect_dma semaphore(%dma_wait3A_17 : memref<!tpu.dma_semaphore, #tpu.memory_space<semaphore_mem>>) src(%arg7 : memref<200x16xf32, #tpu.memory_space<vmem>>) dst(%dma_wait3A_15 : memref<10112x16xf32, #tpu.memory_space<vmem_shared>>)
    %barrier3A_18 = arith.constant 0 : index
    tpu.barrier barrier_id(%barrier3A_18)
    "tpu.region"() ({
      %run_scoped3A = tpu.sem_alloc : memref<!tpu.dma_semaphore, #tpu.memory_space<semaphore_mem>>
      %dma_start3A = arith.constant 0 : i32
      %dma_start3A_19 = tpu.memref_slice %arg5[%arg0, %mul3A_2, %dma_start3A] : memref<2x10112x16xf32, #tpu.memory_space<hbm>> -> memref<1x632x16xf32, #tpu.memory_space<hbm>>
      %dma_start3A_20 = tpu.memref_squeeze %dma_start3A_19 : memref<1x632x16xf32, #tpu.memory_space<hbm>> -> memref<632x16xf32, #tpu.memory_space<hbm>>
      %dma_start3A_21 = arith.constant 0 : i32
      %dma_start3A_22 = tpu.memref_slice %arg8[%mul3A_2, %dma_start3A_21] : memref<10112x16xf32, #tpu.memory_space<vmem_shared>> -> memref<632x16xf32, #tpu.memory_space<vmem_shared>>
      tpu.enqueue_dma source(%dma_start3A_22 : memref<632x16xf32, #tpu.memory_space<vmem_shared>>) target(%dma_start3A_20 : memref<632x16xf32, #tpu.memory_space<hbm>>) target_semaphore(%run_scoped3A : memref<!tpu.dma_semaphore, #tpu.memory_space<semaphore_mem>>)
      %dma_wait3A_23 = arith.constant 0 : i32
      %dma_wait3A_24 = tpu.memref_slice %arg5[%arg0, %mul3A_2, %dma_wait3A_23] : memref<2x10112x16xf32, #tpu.memory_space<hbm>> -> memref<1x632x16xf32, #tpu.memory_space<hbm>>
      %dma_wait3A_25 = tpu.memref_squeeze %dma_wait3A_24 : memref<1x632x16xf32, #tpu.memory_space<hbm>> -> memref<632x16xf32, #tpu.memory_space<hbm>>
      %dma_wait3A_26 = arith.constant 0 : i32
      %dma_wait3A_27 = tpu.memref_slice %arg8[%mul3A_2, %dma_wait3A_26] : memref<10112x16xf32, #tpu.memory_space<vmem_shared>> -> memref<632x16xf32, #tpu.memory_space<vmem_shared>>
      tpu.wait_dma2 semaphore(%run_scoped3A : memref<!tpu.dma_semaphore, #tpu.memory_space<semaphore_mem>>) src(%dma_wait3A_27 : memref<632x16xf32, #tpu.memory_space<vmem_shared>>) dst(%dma_wait3A_25 : memref<632x16xf32, #tpu.memory_space<hbm>>)
      tpu.yield
    }) : () -> ()
    return
  }
}

#map = affine_map<(d0, d1) -> (0, 0)>
#map1 = affine_map<(d0, d1) -> (0, 0, 0)>
module attributes {stable_mosaic.version = 14 : i64} {
  func.func @k(%arg0: i32, %arg1: i32, %arg2: memref<10000x32xf32, #tpu.memory_space<hbm>>, %arg3: memref<64x50x200xi32, #tpu.memory_space<hbm>>, %arg4: memref<10112x32xf32, #tpu.memory_space<hbm>>, %arg5: memref<2x10112x32xf32, #tpu.memory_space<hbm>>, %arg6: memref<50x200xi32, #tpu.memory_space<vmem>>, %arg7: memref<50x200xi32, #tpu.memory_space<vmem>>, %arg8: memref<4x200x32xf32, #tpu.memory_space<vmem>>, %arg9: memref<10112x32xf32, #tpu.memory_space<vmem_shared>>, %arg10: memref<4x!tpu.dma_semaphore, #tpu.memory_space<semaphore_mem>>, %arg11: memref<4x!tpu.dma_semaphore, #tpu.memory_space<semaphore_mem>>) attributes {dimension_semantics = [#tpu.dimension_semantics<core_parallel>, #tpu.dimension_semantics<subcore_parallel>], iteration_bounds = array<i64: 2, 16>, scalar_prefetch = 0 : i64, scratch_operands = 6 : i64, tpu.core_type = #tpu.core_type<sc_vector_subcore>, window_params = [{transform_indices = #map}, {transform_indices = #map1}, {transform_indices = #map}, {transform_indices = #map1}]} {
    %mul3A = arith.constant 2 : i32
    %mul3A_0 = arith.muli %arg1, %mul3A : i32
    %add3A = arith.addi %mul3A_0, %arg0 : i32
    %mul3A_1 = arith.constant 632 : i32
    %mul3A_2 = arith.muli %arg1, %mul3A_1 : i32
    "tpu.region"() ({
      %run_scoped3A = tpu.sem_alloc : memref<!tpu.dma_semaphore, #tpu.memory_space<semaphore_mem>>
      %dma_start3A_158 = arith.constant 0 : i32
      %dma_start3A_159 = tpu.memref_slice %arg9[%mul3A_2, %dma_start3A_158] : memref<10112x32xf32, #tpu.memory_space<vmem_shared>> -> memref<632x32xf32, #tpu.memory_space<vmem_shared>>
      %dma_start3A_160 = arith.constant 0 : i32
      %dma_start3A_161 = tpu.memref_slice %arg4[%mul3A_2, %dma_start3A_160] : memref<10112x32xf32, #tpu.memory_space<hbm>> -> memref<632x32xf32, #tpu.memory_space<hbm>>
      tpu.enqueue_dma source(%dma_start3A_161 : memref<632x32xf32, #tpu.memory_space<hbm>>) target(%dma_start3A_159 : memref<632x32xf32, #tpu.memory_space<vmem_shared>>) target_semaphore(%run_scoped3A : memref<!tpu.dma_semaphore, #tpu.memory_space<semaphore_mem>>)
      %dma_wait3A_162 = arith.constant 0 : i32
      %dma_wait3A_163 = tpu.memref_slice %arg9[%mul3A_2, %dma_wait3A_162] : memref<10112x32xf32, #tpu.memory_space<vmem_shared>> -> memref<632x32xf32, #tpu.memory_space<vmem_shared>>
      %dma_wait3A_164 = arith.constant 0 : i32
      %dma_wait3A_165 = tpu.memref_slice %arg4[%mul3A_2, %dma_wait3A_164] : memref<10112x32xf32, #tpu.memory_space<hbm>> -> memref<632x32xf32, #tpu.memory_space<hbm>>
      tpu.wait_dma2 semaphore(%run_scoped3A : memref<!tpu.dma_semaphore, #tpu.memory_space<semaphore_mem>>) src(%dma_wait3A_165 : memref<632x32xf32, #tpu.memory_space<hbm>>) dst(%dma_wait3A_163 : memref<632x32xf32, #tpu.memory_space<vmem_shared>>)
      tpu.yield
    }) : () -> ()
    "tpu.region"() ({
      %run_scoped3A = tpu.sem_alloc : memref<!tpu.dma_semaphore, #tpu.memory_space<semaphore_mem>>
      %dma_start3A_158 = arith.constant 0 : i32
      %dma_start3A_159 = arith.constant 0 : i32
      %dma_start3A_160 = tpu.memref_slice %arg3[%add3A, %dma_start3A_158, %dma_start3A_159] : memref<64x50x200xi32, #tpu.memory_space<hbm>> -> memref<1x50x200xi32, #tpu.memory_space<hbm>>
      %dma_start3A_161 = tpu.memref_squeeze %dma_start3A_160 : memref<1x50x200xi32, #tpu.memory_space<hbm>> -> memref<50x200xi32, #tpu.memory_space<hbm>>
      %dma_start3A_162 = arith.constant 0 : i32
      %dma_start3A_163 = arith.constant 0 : i32
      %dma_start3A_164 = tpu.memref_slice %arg3[%add3A, %dma_start3A_162, %dma_start3A_163] : memref<64x50x200xi32, #tpu.memory_space<hbm>> -> memref<1x50x200xi32, #tpu.memory_space<hbm>>
      %dma_start3A_165 = tpu.memref_squeeze %dma_start3A_164 : memref<1x50x200xi32, #tpu.memory_space<hbm>> -> memref<50x200xi32, #tpu.memory_space<hbm>>
      tpu.enqueue_dma source(%dma_start3A_165 : memref<50x200xi32, #tpu.memory_space<hbm>>) target(%arg6 : memref<50x200xi32, #tpu.memory_space<vmem>>) target_semaphore(%run_scoped3A : memref<!tpu.dma_semaphore, #tpu.memory_space<semaphore_mem>>)
      %dma_wait3A_166 = arith.constant 0 : i32
      %dma_wait3A_167 = arith.constant 0 : i32
      %dma_wait3A_168 = tpu.memref_slice %arg3[%add3A, %dma_wait3A_166, %dma_wait3A_167] : memref<64x50x200xi32, #tpu.memory_space<hbm>> -> memref<1x50x200xi32, #tpu.memory_space<hbm>>
      %dma_wait3A_169 = tpu.memref_squeeze %dma_wait3A_168 : memref<1x50x200xi32, #tpu.memory_space<hbm>> -> memref<50x200xi32, #tpu.memory_space<hbm>>
      %dma_wait3A_170 = arith.constant 0 : i32
      %dma_wait3A_171 = arith.constant 0 : i32
      %dma_wait3A_172 = tpu.memref_slice %arg3[%add3A, %dma_wait3A_170, %dma_wait3A_171] : memref<64x50x200xi32, #tpu.memory_space<hbm>> -> memref<1x50x200xi32, #tpu.memory_space<hbm>>
      %dma_wait3A_173 = tpu.memref_squeeze %dma_wait3A_172 : memref<1x50x200xi32, #tpu.memory_space<hbm>> -> memref<50x200xi32, #tpu.memory_space<hbm>>
      tpu.wait_dma2 semaphore(%run_scoped3A : memref<!tpu.dma_semaphore, #tpu.memory_space<semaphore_mem>>) src(%dma_wait3A_173 : memref<50x200xi32, #tpu.memory_space<hbm>>) dst(%arg6 : memref<50x200xi32, #tpu.memory_space<vmem>>)
      tpu.yield
    }) : () -> ()
    %add3A_3 = arith.constant 32 : i32
    %add3A_4 = arith.addi %add3A_3, %add3A : i32
    "tpu.region"() ({
      %run_scoped3A = tpu.sem_alloc : memref<!tpu.dma_semaphore, #tpu.memory_space<semaphore_mem>>
      %dma_start3A_158 = arith.constant 0 : i32
      %dma_start3A_159 = arith.constant 0 : i32
      %dma_start3A_160 = tpu.memref_slice %arg3[%add3A_4, %dma_start3A_158, %dma_start3A_159] : memref<64x50x200xi32, #tpu.memory_space<hbm>> -> memref<1x50x200xi32, #tpu.memory_space<hbm>>
      %dma_start3A_161 = tpu.memref_squeeze %dma_start3A_160 : memref<1x50x200xi32, #tpu.memory_space<hbm>> -> memref<50x200xi32, #tpu.memory_space<hbm>>
      %dma_start3A_162 = arith.constant 0 : i32
      %dma_start3A_163 = arith.constant 0 : i32
      %dma_start3A_164 = tpu.memref_slice %arg3[%add3A_4, %dma_start3A_162, %dma_start3A_163] : memref<64x50x200xi32, #tpu.memory_space<hbm>> -> memref<1x50x200xi32, #tpu.memory_space<hbm>>
      %dma_start3A_165 = tpu.memref_squeeze %dma_start3A_164 : memref<1x50x200xi32, #tpu.memory_space<hbm>> -> memref<50x200xi32, #tpu.memory_space<hbm>>
      tpu.enqueue_dma source(%dma_start3A_165 : memref<50x200xi32, #tpu.memory_space<hbm>>) target(%arg7 : memref<50x200xi32, #tpu.memory_space<vmem>>) target_semaphore(%run_scoped3A : memref<!tpu.dma_semaphore, #tpu.memory_space<semaphore_mem>>)
      %dma_wait3A_166 = arith.constant 0 : i32
      %dma_wait3A_167 = arith.constant 0 : i32
      %dma_wait3A_168 = tpu.memref_slice %arg3[%add3A_4, %dma_wait3A_166, %dma_wait3A_167] : memref<64x50x200xi32, #tpu.memory_space<hbm>> -> memref<1x50x200xi32, #tpu.memory_space<hbm>>
      %dma_wait3A_169 = tpu.memref_squeeze %dma_wait3A_168 : memref<1x50x200xi32, #tpu.memory_space<hbm>> -> memref<50x200xi32, #tpu.memory_space<hbm>>
      %dma_wait3A_170 = arith.constant 0 : i32
      %dma_wait3A_171 = arith.constant 0 : i32
      %dma_wait3A_172 = tpu.memref_slice %arg3[%add3A_4, %dma_wait3A_170, %dma_wait3A_171] : memref<64x50x200xi32, #tpu.memory_space<hbm>> -> memref<1x50x200xi32, #tpu.memory_space<hbm>>
      %dma_wait3A_173 = tpu.memref_squeeze %dma_wait3A_172 : memref<1x50x200xi32, #tpu.memory_space<hbm>> -> memref<50x200xi32, #tpu.memory_space<hbm>>
      tpu.wait_dma2 semaphore(%run_scoped3A : memref<!tpu.dma_semaphore, #tpu.memory_space<semaphore_mem>>) src(%dma_wait3A_173 : memref<50x200xi32, #tpu.memory_space<hbm>>) dst(%arg7 : memref<50x200xi32, #tpu.memory_space<vmem>>)
      tpu.yield
    }) : () -> ()
    %barrier3A = arith.constant 0 : index
    tpu.barrier barrier_id(%barrier3A)
    %dma_start3A = arith.constant 0 : i32
    %dma_start3A_5 = arith.constant 0 : i32
    %dma_start3A_6 = arith.constant 0 : i32
    %dma_start3A_7 = arith.constant 0 : i32
    %dma_start3A_8 = arith.constant 0 : i32
    %dma_start3A_9 = tpu.memref_slice %arg8[%dma_start3A_5, %dma_start3A_7, %dma_start3A_8] : memref<4x200x32xf32, #tpu.memory_space<vmem>> -> memref<1x200x32xf32, #tpu.memory_space<vmem>>
    %dma_start3A_10 = tpu.memref_squeeze %dma_start3A_9 : memref<1x200x32xf32, #tpu.memory_space<vmem>> -> memref<200x32xf32, #tpu.memory_space<vmem>>
    %dma_start3A_11 = arith.constant 0 : i32
    %dma_start3A_12 = tpu.memref_slice %arg6[%dma_start3A, %dma_start3A_11] : memref<50x200xi32, #tpu.memory_space<vmem>> -> memref<1x200xi32, #tpu.memory_space<vmem>>
    %dma_start3A_13 = tpu.memref_squeeze %dma_start3A_12 : memref<1x200xi32, #tpu.memory_space<vmem>> -> memref<200xi32, #tpu.memory_space<vmem>>
    %dma_start3A_14 = arith.constant 0 : i32
    %dma_start3A_15 = arith.constant 0 : i32
    %dma_start3A_16 = tpu.memref_slice %arg2[%dma_start3A_14, %dma_start3A_15] : memref<10000x32xf32, #tpu.memory_space<hbm>> -> memref<10000x32xf32, #tpu.memory_space<hbm>>
    %dma_start3A_17 = tpu.memref_slice %arg10[%dma_start3A_6] : memref<4x!tpu.dma_semaphore, #tpu.memory_space<semaphore_mem>> -> memref<1x!tpu.dma_semaphore, #tpu.memory_space<semaphore_mem>>
    %dma_start3A_18 = tpu.memref_squeeze %dma_start3A_17 : memref<1x!tpu.dma_semaphore, #tpu.memory_space<semaphore_mem>> -> memref<!tpu.dma_semaphore, #tpu.memory_space<semaphore_mem>>
    tpu.enqueue_indirect_dma source(%dma_start3A_16 : memref<10000x32xf32, #tpu.memory_space<hbm>>) target(%dma_start3A_10 : memref<200x32xf32, #tpu.memory_space<vmem>>) offsets(%dma_start3A_13 : memref<200xi32, #tpu.memory_space<vmem>>) semaphore(%dma_start3A_18 : memref<!tpu.dma_semaphore, #tpu.memory_space<semaphore_mem>>)
    %dma_start3A_19 = arith.constant 1 : i32
    %dma_start3A_20 = arith.constant 1 : i32
    %dma_start3A_21 = arith.constant 1 : i32
    %dma_start3A_22 = arith.constant 0 : i32
    %dma_start3A_23 = arith.constant 0 : i32
    %dma_start3A_24 = tpu.memref_slice %arg8[%dma_start3A_20, %dma_start3A_22, %dma_start3A_23] : memref<4x200x32xf32, #tpu.memory_space<vmem>> -> memref<1x200x32xf32, #tpu.memory_space<vmem>>
    %dma_start3A_25 = tpu.memref_squeeze %dma_start3A_24 : memref<1x200x32xf32, #tpu.memory_space<vmem>> -> memref<200x32xf32, #tpu.memory_space<vmem>>
    %dma_start3A_26 = arith.constant 0 : i32
    %dma_start3A_27 = tpu.memref_slice %arg6[%dma_start3A_19, %dma_start3A_26] : memref<50x200xi32, #tpu.memory_space<vmem>> -> memref<1x200xi32, #tpu.memory_space<vmem>>
    %dma_start3A_28 = tpu.memref_squeeze %dma_start3A_27 : memref<1x200xi32, #tpu.memory_space<vmem>> -> memref<200xi32, #tpu.memory_space<vmem>>
    %dma_start3A_29 = arith.constant 0 : i32
    %dma_start3A_30 = arith.constant 0 : i32
    %dma_start3A_31 = tpu.memref_slice %arg2[%dma_start3A_29, %dma_start3A_30] : memref<10000x32xf32, #tpu.memory_space<hbm>> -> memref<10000x32xf32, #tpu.memory_space<hbm>>
    %dma_start3A_32 = tpu.memref_slice %arg10[%dma_start3A_21] : memref<4x!tpu.dma_semaphore, #tpu.memory_space<semaphore_mem>> -> memref<1x!tpu.dma_semaphore, #tpu.memory_space<semaphore_mem>>
    %dma_start3A_33 = tpu.memref_squeeze %dma_start3A_32 : memref<1x!tpu.dma_semaphore, #tpu.memory_space<semaphore_mem>> -> memref<!tpu.dma_semaphore, #tpu.memory_space<semaphore_mem>>
    tpu.enqueue_indirect_dma source(%dma_start3A_31 : memref<10000x32xf32, #tpu.memory_space<hbm>>) target(%dma_start3A_25 : memref<200x32xf32, #tpu.memory_space<vmem>>) offsets(%dma_start3A_28 : memref<200xi32, #tpu.memory_space<vmem>>) semaphore(%dma_start3A_33 : memref<!tpu.dma_semaphore, #tpu.memory_space<semaphore_mem>>)
    %dma_start3A_34 = arith.constant 2 : i32
    %dma_start3A_35 = arith.constant 2 : i32
    %dma_start3A_36 = arith.constant 2 : i32
    %dma_start3A_37 = arith.constant 0 : i32
    %dma_start3A_38 = arith.constant 0 : i32
    %dma_start3A_39 = tpu.memref_slice %arg8[%dma_start3A_35, %dma_start3A_37, %dma_start3A_38] : memref<4x200x32xf32, #tpu.memory_space<vmem>> -> memref<1x200x32xf32, #tpu.memory_space<vmem>>
    %dma_start3A_40 = tpu.memref_squeeze %dma_start3A_39 : memref<1x200x32xf32, #tpu.memory_space<vmem>> -> memref<200x32xf32, #tpu.memory_space<vmem>>
    %dma_start3A_41 = arith.constant 0 : i32
    %dma_start3A_42 = tpu.memref_slice %arg6[%dma_start3A_34, %dma_start3A_41] : memref<50x200xi32, #tpu.memory_space<vmem>> -> memref<1x200xi32, #tpu.memory_space<vmem>>
    %dma_start3A_43 = tpu.memref_squeeze %dma_start3A_42 : memref<1x200xi32, #tpu.memory_space<vmem>> -> memref<200xi32, #tpu.memory_space<vmem>>
    %dma_start3A_44 = arith.constant 0 : i32
    %dma_start3A_45 = arith.constant 0 : i32
    %dma_start3A_46 = tpu.memref_slice %arg2[%dma_start3A_44, %dma_start3A_45] : memref<10000x32xf32, #tpu.memory_space<hbm>> -> memref<10000x32xf32, #tpu.memory_space<hbm>>
    %dma_start3A_47 = tpu.memref_slice %arg10[%dma_start3A_36] : memref<4x!tpu.dma_semaphore, #tpu.memory_space<semaphore_mem>> -> memref<1x!tpu.dma_semaphore, #tpu.memory_space<semaphore_mem>>
    %dma_start3A_48 = tpu.memref_squeeze %dma_start3A_47 : memref<1x!tpu.dma_semaphore, #tpu.memory_space<semaphore_mem>> -> memref<!tpu.dma_semaphore, #tpu.memory_space<semaphore_mem>>
    tpu.enqueue_indirect_dma source(%dma_start3A_46 : memref<10000x32xf32, #tpu.memory_space<hbm>>) target(%dma_start3A_40 : memref<200x32xf32, #tpu.memory_space<vmem>>) offsets(%dma_start3A_43 : memref<200xi32, #tpu.memory_space<vmem>>) semaphore(%dma_start3A_48 : memref<!tpu.dma_semaphore, #tpu.memory_space<semaphore_mem>>)
    %scan3A = arith.constant 0 : i32
    %scan3A_49 = arith.constant 12 : i32
    %scan3A_50 = arith.addi %scan3A, %scan3A_49 : i32
    %scan3A_51 = arith.constant 1 : i32
    scf.for %scan3A_158 = %scan3A to %scan3A_50 step %scan3A_51  : i32 {
      %mul3A_159 = arith.constant 1 : i32
      %mul3A_160 = arith.muli %scan3A_158, %mul3A_159 : i32
      %add3A_161 = arith.constant 0 : i32
      %add3A_162 = arith.addi %add3A_161, %mul3A_160 : i32
      %mul3A_163 = arith.constant 4 : i32
      %mul3A_164 = arith.muli %add3A_162, %mul3A_163 : i32
      %add3A_165 = arith.constant 0 : i32
      %add3A_166 = arith.addi %mul3A_164, %add3A_165 : i32
      %gt3A = arith.constant 0 : i32
      %gt3A_167 = arith.cmpi sgt, %add3A_162, %gt3A : i32
      %convert_element_type3A = arith.extui %gt3A_167 : i1 to i32
      %cond3A = arith.constant 0 : i32
      %cond3A_168 = arith.cmpi ne, %convert_element_type3A, %cond3A : i32
      scf.if %cond3A_168 {
        %dma_wait3A_331 = arith.constant 0 : i32
        %dma_wait3A_332 = arith.constant 0 : i32
        %dma_wait3A_333 = arith.constant 0 : i32
        %dma_wait3A_334 = arith.constant 0 : i32
        %dma_wait3A_335 = tpu.memref_slice %arg8[%dma_wait3A_331, %dma_wait3A_333, %dma_wait3A_334] : memref<4x200x32xf32, #tpu.memory_space<vmem>> -> memref<1x200x32xf32, #tpu.memory_space<vmem>>
        %dma_wait3A_336 = tpu.memref_squeeze %dma_wait3A_335 : memref<1x200x32xf32, #tpu.memory_space<vmem>> -> memref<200x32xf32, #tpu.memory_space<vmem>>
        %dma_wait3A_337 = arith.constant 0 : i32
        %dma_wait3A_338 = tpu.memref_slice %arg6[%add3A_166, %dma_wait3A_337] : memref<50x200xi32, #tpu.memory_space<vmem>> -> memref<1x200xi32, #tpu.memory_space<vmem>>
        %dma_wait3A_339 = tpu.memref_squeeze %dma_wait3A_338 : memref<1x200xi32, #tpu.memory_space<vmem>> -> memref<200xi32, #tpu.memory_space<vmem>>
        %dma_wait3A_340 = arith.constant 0 : i32
        %dma_wait3A_341 = arith.constant 0 : i32
        %dma_wait3A_342 = tpu.memref_slice %arg2[%dma_wait3A_340, %dma_wait3A_341] : memref<10000x32xf32, #tpu.memory_space<hbm>> -> memref<10000x32xf32, #tpu.memory_space<hbm>>
        %dma_wait3A_343 = tpu.memref_slice %arg10[%dma_wait3A_332] : memref<4x!tpu.dma_semaphore, #tpu.memory_space<semaphore_mem>> -> memref<1x!tpu.dma_semaphore, #tpu.memory_space<semaphore_mem>>
        %dma_wait3A_344 = tpu.memref_squeeze %dma_wait3A_343 : memref<1x!tpu.dma_semaphore, #tpu.memory_space<semaphore_mem>> -> memref<!tpu.dma_semaphore, #tpu.memory_space<semaphore_mem>>
        tpu.wait_indirect_dma semaphore(%dma_wait3A_344 : memref<!tpu.dma_semaphore, #tpu.memory_space<semaphore_mem>>) src(%dma_wait3A_342 : memref<10000x32xf32, #tpu.memory_space<hbm>>) dst(%dma_wait3A_336 : memref<200x32xf32, #tpu.memory_space<vmem>>)
        %dma_wait3A_345 = arith.constant 3 : i32
        %dma_wait3A_346 = arith.constant 3 : i32
        %dma_wait3A_347 = arith.constant 0 : i32
        %dma_wait3A_348 = arith.constant 0 : i32
        %dma_wait3A_349 = tpu.memref_slice %arg8[%dma_wait3A_345, %dma_wait3A_347, %dma_wait3A_348] : memref<4x200x32xf32, #tpu.memory_space<vmem>> -> memref<1x200x32xf32, #tpu.memory_space<vmem>>
        %dma_wait3A_350 = tpu.memref_squeeze %dma_wait3A_349 : memref<1x200x32xf32, #tpu.memory_space<vmem>> -> memref<200x32xf32, #tpu.memory_space<vmem>>
        %dma_wait3A_351 = arith.constant 0 : i32
        %dma_wait3A_352 = tpu.memref_slice %arg7[%add3A_166, %dma_wait3A_351] : memref<50x200xi32, #tpu.memory_space<vmem>> -> memref<1x200xi32, #tpu.memory_space<vmem>>
        %dma_wait3A_353 = tpu.memref_squeeze %dma_wait3A_352 : memref<1x200xi32, #tpu.memory_space<vmem>> -> memref<200xi32, #tpu.memory_space<vmem>>
        %dma_wait3A_354 = arith.constant 0 : i32
        %dma_wait3A_355 = arith.constant 0 : i32
        %dma_wait3A_356 = tpu.memref_slice %arg9[%dma_wait3A_354, %dma_wait3A_355] : memref<10112x32xf32, #tpu.memory_space<vmem_shared>> -> memref<10112x32xf32, #tpu.memory_space<vmem_shared>>
        %dma_wait3A_357 = tpu.memref_slice %arg11[%dma_wait3A_346] : memref<4x!tpu.dma_semaphore, #tpu.memory_space<semaphore_mem>> -> memref<1x!tpu.dma_semaphore, #tpu.memory_space<semaphore_mem>>
        %dma_wait3A_358 = tpu.memref_squeeze %dma_wait3A_357 : memref<1x!tpu.dma_semaphore, #tpu.memory_space<semaphore_mem>> -> memref<!tpu.dma_semaphore, #tpu.memory_space<semaphore_mem>>
        tpu.wait_indirect_dma semaphore(%dma_wait3A_358 : memref<!tpu.dma_semaphore, #tpu.memory_space<semaphore_mem>>) src(%dma_wait3A_350 : memref<200x32xf32, #tpu.memory_space<vmem>>) dst(%dma_wait3A_356 : memref<10112x32xf32, #tpu.memory_space<vmem_shared>>)
        %dma_start3A_359 = arith.constant 0 : i32
        %dma_start3A_360 = arith.constant 0 : i32
        %dma_start3A_361 = arith.constant 0 : i32
        %dma_start3A_362 = arith.constant 0 : i32
        %dma_start3A_363 = tpu.memref_slice %arg8[%dma_start3A_359, %dma_start3A_361, %dma_start3A_362] : memref<4x200x32xf32, #tpu.memory_space<vmem>> -> memref<1x200x32xf32, #tpu.memory_space<vmem>>
        %dma_start3A_364 = tpu.memref_squeeze %dma_start3A_363 : memref<1x200x32xf32, #tpu.memory_space<vmem>> -> memref<200x32xf32, #tpu.memory_space<vmem>>
        %dma_start3A_365 = arith.constant 0 : i32
        %dma_start3A_366 = tpu.memref_slice %arg7[%add3A_166, %dma_start3A_365] : memref<50x200xi32, #tpu.memory_space<vmem>> -> memref<1x200xi32, #tpu.memory_space<vmem>>
        %dma_start3A_367 = tpu.memref_squeeze %dma_start3A_366 : memref<1x200xi32, #tpu.memory_space<vmem>> -> memref<200xi32, #tpu.memory_space<vmem>>
        %dma_start3A_368 = arith.constant 0 : i32
        %dma_start3A_369 = arith.constant 0 : i32
        %dma_start3A_370 = tpu.memref_slice %arg9[%dma_start3A_368, %dma_start3A_369] : memref<10112x32xf32, #tpu.memory_space<vmem_shared>> -> memref<10112x32xf32, #tpu.memory_space<vmem_shared>>
        %dma_start3A_371 = tpu.memref_slice %arg11[%dma_start3A_360] : memref<4x!tpu.dma_semaphore, #tpu.memory_space<semaphore_mem>> -> memref<1x!tpu.dma_semaphore, #tpu.memory_space<semaphore_mem>>
        %dma_start3A_372 = tpu.memref_squeeze %dma_start3A_371 : memref<1x!tpu.dma_semaphore, #tpu.memory_space<semaphore_mem>> -> memref<!tpu.dma_semaphore, #tpu.memory_space<semaphore_mem>>
        tpu.enqueue_indirect_dma source(%dma_start3A_364 : memref<200x32xf32, #tpu.memory_space<vmem>>) target(%dma_start3A_370 : memref<10112x32xf32, #tpu.memory_space<vmem_shared>>) offsets(%dma_start3A_367 : memref<200xi32, #tpu.memory_space<vmem>>) semaphore(%dma_start3A_372 : memref<!tpu.dma_semaphore, #tpu.memory_space<semaphore_mem>>) {add = true}
        %add3A_373 = arith.constant 3 : i32
        %add3A_374 = arith.addi %add3A_166, %add3A_373 : i32
        %lt3A_375 = arith.constant 50 : i32
        %lt3A_376 = arith.cmpi slt, %add3A_374, %lt3A_375 : i32
        %convert_element_type3A_377 = arith.extui %lt3A_376 : i1 to i32
        %cond3A_378 = arith.constant 0 : i32
        %cond3A_379 = arith.cmpi ne, %convert_element_type3A_377, %cond3A_378 : i32
        scf.if %cond3A_379 {
          %dma_start3A_380 = arith.constant 3 : i32
          %dma_start3A_381 = arith.constant 3 : i32
          %dma_start3A_382 = arith.constant 0 : i32
          %dma_start3A_383 = arith.constant 0 : i32
          %dma_start3A_384 = tpu.memref_slice %arg8[%dma_start3A_380, %dma_start3A_382, %dma_start3A_383] : memref<4x200x32xf32, #tpu.memory_space<vmem>> -> memref<1x200x32xf32, #tpu.memory_space<vmem>>
          %dma_start3A_385 = tpu.memref_squeeze %dma_start3A_384 : memref<1x200x32xf32, #tpu.memory_space<vmem>> -> memref<200x32xf32, #tpu.memory_space<vmem>>
          %dma_start3A_386 = arith.constant 0 : i32
          %dma_start3A_387 = tpu.memref_slice %arg6[%add3A_374, %dma_start3A_386] : memref<50x200xi32, #tpu.memory_space<vmem>> -> memref<1x200xi32, #tpu.memory_space<vmem>>
          %dma_start3A_388 = tpu.memref_squeeze %dma_start3A_387 : memref<1x200xi32, #tpu.memory_space<vmem>> -> memref<200xi32, #tpu.memory_space<vmem>>
          %dma_start3A_389 = arith.constant 0 : i32
          %dma_start3A_390 = arith.constant 0 : i32
          %dma_start3A_391 = tpu.memref_slice %arg2[%dma_start3A_389, %dma_start3A_390] : memref<10000x32xf32, #tpu.memory_space<hbm>> -> memref<10000x32xf32, #tpu.memory_space<hbm>>
          %dma_start3A_392 = tpu.memref_slice %arg10[%dma_start3A_381] : memref<4x!tpu.dma_semaphore, #tpu.memory_space<semaphore_mem>> -> memref<1x!tpu.dma_semaphore, #tpu.memory_space<semaphore_mem>>
          %dma_start3A_393 = tpu.memref_squeeze %dma_start3A_392 : memref<1x!tpu.dma_semaphore, #tpu.memory_space<semaphore_mem>> -> memref<!tpu.dma_semaphore, #tpu.memory_space<semaphore_mem>>
          tpu.enqueue_indirect_dma source(%dma_start3A_391 : memref<10000x32xf32, #tpu.memory_space<hbm>>) target(%dma_start3A_385 : memref<200x32xf32, #tpu.memory_space<vmem>>) offsets(%dma_start3A_388 : memref<200xi32, #tpu.memory_space<vmem>>) semaphore(%dma_start3A_393 : memref<!tpu.dma_semaphore, #tpu.memory_space<semaphore_mem>>)
        } else {
        }
      } else {
      }
      %eq3A = arith.constant 0 : i32
      %eq3A_169 = arith.cmpi eq, %add3A_162, %eq3A : i32
      %convert_element_type3A_170 = arith.extui %eq3A_169 : i1 to i32
      %cond3A_171 = arith.constant 0 : i32
      %cond3A_172 = arith.cmpi ne, %convert_element_type3A_170, %cond3A_171 : i32
      scf.if %cond3A_172 {
        %dma_wait3A_331 = arith.constant 0 : i32
        %dma_wait3A_332 = arith.constant 0 : i32
        %dma_wait3A_333 = arith.constant 0 : i32
        %dma_wait3A_334 = arith.constant 0 : i32
        %dma_wait3A_335 = tpu.memref_slice %arg8[%dma_wait3A_331, %dma_wait3A_333, %dma_wait3A_334] : memref<4x200x32xf32, #tpu.memory_space<vmem>> -> memref<1x200x32xf32, #tpu.memory_space<vmem>>
        %dma_wait3A_336 = tpu.memref_squeeze %dma_wait3A_335 : memref<1x200x32xf32, #tpu.memory_space<vmem>> -> memref<200x32xf32, #tpu.memory_space<vmem>>
        %dma_wait3A_337 = arith.constant 0 : i32
        %dma_wait3A_338 = tpu.memref_slice %arg6[%add3A_166, %dma_wait3A_337] : memref<50x200xi32, #tpu.memory_space<vmem>> -> memref<1x200xi32, #tpu.memory_space<vmem>>
        %dma_wait3A_339 = tpu.memref_squeeze %dma_wait3A_338 : memref<1x200xi32, #tpu.memory_space<vmem>> -> memref<200xi32, #tpu.memory_space<vmem>>
        %dma_wait3A_340 = arith.constant 0 : i32
        %dma_wait3A_341 = arith.constant 0 : i32
        %dma_wait3A_342 = tpu.memref_slice %arg2[%dma_wait3A_340, %dma_wait3A_341] : memref<10000x32xf32, #tpu.memory_space<hbm>> -> memref<10000x32xf32, #tpu.memory_space<hbm>>
        %dma_wait3A_343 = tpu.memref_slice %arg10[%dma_wait3A_332] : memref<4x!tpu.dma_semaphore, #tpu.memory_space<semaphore_mem>> -> memref<1x!tpu.dma_semaphore, #tpu.memory_space<semaphore_mem>>
        %dma_wait3A_344 = tpu.memref_squeeze %dma_wait3A_343 : memref<1x!tpu.dma_semaphore, #tpu.memory_space<semaphore_mem>> -> memref<!tpu.dma_semaphore, #tpu.memory_space<semaphore_mem>>
        tpu.wait_indirect_dma semaphore(%dma_wait3A_344 : memref<!tpu.dma_semaphore, #tpu.memory_space<semaphore_mem>>) src(%dma_wait3A_342 : memref<10000x32xf32, #tpu.memory_space<hbm>>) dst(%dma_wait3A_336 : memref<200x32xf32, #tpu.memory_space<vmem>>)
        %dma_start3A_345 = arith.constant 0 : i32
        %dma_start3A_346 = arith.constant 0 : i32
        %dma_start3A_347 = arith.constant 0 : i32
        %dma_start3A_348 = arith.constant 0 : i32
        %dma_start3A_349 = tpu.memref_slice %arg8[%dma_start3A_345, %dma_start3A_347, %dma_start3A_348] : memref<4x200x32xf32, #tpu.memory_space<vmem>> -> memref<1x200x32xf32, #tpu.memory_space<vmem>>
        %dma_start3A_350 = tpu.memref_squeeze %dma_start3A_349 : memref<1x200x32xf32, #tpu.memory_space<vmem>> -> memref<200x32xf32, #tpu.memory_space<vmem>>
        %dma_start3A_351 = arith.constant 0 : i32
        %dma_start3A_352 = tpu.memref_slice %arg7[%add3A_166, %dma_start3A_351] : memref<50x200xi32, #tpu.memory_space<vmem>> -> memref<1x200xi32, #tpu.memory_space<vmem>>
        %dma_start3A_353 = tpu.memref_squeeze %dma_start3A_352 : memref<1x200xi32, #tpu.memory_space<vmem>> -> memref<200xi32, #tpu.memory_space<vmem>>
        %dma_start3A_354 = arith.constant 0 : i32
        %dma_start3A_355 = arith.constant 0 : i32
        %dma_start3A_356 = tpu.memref_slice %arg9[%dma_start3A_354, %dma_start3A_355] : memref<10112x32xf32, #tpu.memory_space<vmem_shared>> -> memref<10112x32xf32, #tpu.memory_space<vmem_shared>>
        %dma_start3A_357 = tpu.memref_slice %arg11[%dma_start3A_346] : memref<4x!tpu.dma_semaphore, #tpu.memory_space<semaphore_mem>> -> memref<1x!tpu.dma_semaphore, #tpu.memory_space<semaphore_mem>>
        %dma_start3A_358 = tpu.memref_squeeze %dma_start3A_357 : memref<1x!tpu.dma_semaphore, #tpu.memory_space<semaphore_mem>> -> memref<!tpu.dma_semaphore, #tpu.memory_space<semaphore_mem>>
        tpu.enqueue_indirect_dma source(%dma_start3A_350 : memref<200x32xf32, #tpu.memory_space<vmem>>) target(%dma_start3A_356 : memref<10112x32xf32, #tpu.memory_space<vmem_shared>>) offsets(%dma_start3A_353 : memref<200xi32, #tpu.memory_space<vmem>>) semaphore(%dma_start3A_358 : memref<!tpu.dma_semaphore, #tpu.memory_space<semaphore_mem>>) {add = true}
        %add3A_359 = arith.constant 3 : i32
        %add3A_360 = arith.addi %add3A_166, %add3A_359 : i32
        %lt3A_361 = arith.constant 50 : i32
        %lt3A_362 = arith.cmpi slt, %add3A_360, %lt3A_361 : i32
        %convert_element_type3A_363 = arith.extui %lt3A_362 : i1 to i32
        %cond3A_364 = arith.constant 0 : i32
        %cond3A_365 = arith.cmpi ne, %convert_element_type3A_363, %cond3A_364 : i32
        scf.if %cond3A_365 {
          %dma_start3A_366 = arith.constant 3 : i32
          %dma_start3A_367 = arith.constant 3 : i32
          %dma_start3A_368 = arith.constant 0 : i32
          %dma_start3A_369 = arith.constant 0 : i32
          %dma_start3A_370 = tpu.memref_slice %arg8[%dma_start3A_366, %dma_start3A_368, %dma_start3A_369] : memref<4x200x32xf32, #tpu.memory_space<vmem>> -> memref<1x200x32xf32, #tpu.memory_space<vmem>>
          %dma_start3A_371 = tpu.memref_squeeze %dma_start3A_370 : memref<1x200x32xf32, #tpu.memory_space<vmem>> -> memref<200x32xf32, #tpu.memory_space<vmem>>
          %dma_start3A_372 = arith.constant 0 : i32
          %dma_start3A_373 = tpu.memref_slice %arg6[%add3A_360, %dma_start3A_372] : memref<50x200xi32, #tpu.memory_space<vmem>> -> memref<1x200xi32, #tpu.memory_space<vmem>>
          %dma_start3A_374 = tpu.memref_squeeze %dma_start3A_373 : memref<1x200xi32, #tpu.memory_space<vmem>> -> memref<200xi32, #tpu.memory_space<vmem>>
          %dma_start3A_375 = arith.constant 0 : i32
          %dma_start3A_376 = arith.constant 0 : i32
          %dma_start3A_377 = tpu.memref_slice %arg2[%dma_start3A_375, %dma_start3A_376] : memref<10000x32xf32, #tpu.memory_space<hbm>> -> memref<10000x32xf32, #tpu.memory_space<hbm>>
          %dma_start3A_378 = tpu.memref_slice %arg10[%dma_start3A_367] : memref<4x!tpu.dma_semaphore, #tpu.memory_space<semaphore_mem>> -> memref<1x!tpu.dma_semaphore, #tpu.memory_space<semaphore_mem>>
          %dma_start3A_379 = tpu.memref_squeeze %dma_start3A_378 : memref<1x!tpu.dma_semaphore, #tpu.memory_space<semaphore_mem>> -> memref<!tpu.dma_semaphore, #tpu.memory_space<semaphore_mem>>
          tpu.enqueue_indirect_dma source(%dma_start3A_377 : memref<10000x32xf32, #tpu.memory_space<hbm>>) target(%dma_start3A_371 : memref<200x32xf32, #tpu.memory_space<vmem>>) offsets(%dma_start3A_374 : memref<200xi32, #tpu.memory_space<vmem>>) semaphore(%dma_start3A_379 : memref<!tpu.dma_semaphore, #tpu.memory_space<semaphore_mem>>)
        } else {
        }
      } else {
      }
      %mul3A_173 = arith.constant 4 : i32
      %mul3A_174 = arith.muli %add3A_162, %mul3A_173 : i32
      %add3A_175 = arith.constant 1 : i32
      %add3A_176 = arith.addi %mul3A_174, %add3A_175 : i32
      %dma_wait3A_177 = arith.constant 1 : i32
      %dma_wait3A_178 = arith.constant 1 : i32
      %dma_wait3A_179 = arith.constant 0 : i32
      %dma_wait3A_180 = arith.constant 0 : i32
      %dma_wait3A_181 = tpu.memref_slice %arg8[%dma_wait3A_177, %dma_wait3A_179, %dma_wait3A_180] : memref<4x200x32xf32, #tpu.memory_space<vmem>> -> memref<1x200x32xf32, #tpu.memory_space<vmem>>
      %dma_wait3A_182 = tpu.memref_squeeze %dma_wait3A_181 : memref<1x200x32xf32, #tpu.memory_space<vmem>> -> memref<200x32xf32, #tpu.memory_space<vmem>>
      %dma_wait3A_183 = arith.constant 0 : i32
      %dma_wait3A_184 = tpu.memref_slice %arg6[%add3A_176, %dma_wait3A_183] : memref<50x200xi32, #tpu.memory_space<vmem>> -> memref<1x200xi32, #tpu.memory_space<vmem>>
      %dma_wait3A_185 = tpu.memref_squeeze %dma_wait3A_184 : memref<1x200xi32, #tpu.memory_space<vmem>> -> memref<200xi32, #tpu.memory_space<vmem>>
      %dma_wait3A_186 = arith.constant 0 : i32
      %dma_wait3A_187 = arith.constant 0 : i32
      %dma_wait3A_188 = tpu.memref_slice %arg2[%dma_wait3A_186, %dma_wait3A_187] : memref<10000x32xf32, #tpu.memory_space<hbm>> -> memref<10000x32xf32, #tpu.memory_space<hbm>>
      %dma_wait3A_189 = tpu.memref_slice %arg10[%dma_wait3A_178] : memref<4x!tpu.dma_semaphore, #tpu.memory_space<semaphore_mem>> -> memref<1x!tpu.dma_semaphore, #tpu.memory_space<semaphore_mem>>
      %dma_wait3A_190 = tpu.memref_squeeze %dma_wait3A_189 : memref<1x!tpu.dma_semaphore, #tpu.memory_space<semaphore_mem>> -> memref<!tpu.dma_semaphore, #tpu.memory_space<semaphore_mem>>
      tpu.wait_indirect_dma semaphore(%dma_wait3A_190 : memref<!tpu.dma_semaphore, #tpu.memory_space<semaphore_mem>>) src(%dma_wait3A_188 : memref<10000x32xf32, #tpu.memory_space<hbm>>) dst(%dma_wait3A_182 : memref<200x32xf32, #tpu.memory_space<vmem>>)
      %dma_wait3A_191 = arith.constant 0 : i32
      %dma_wait3A_192 = arith.constant 0 : i32
      %dma_wait3A_193 = arith.constant 0 : i32
      %dma_wait3A_194 = arith.constant 0 : i32
      %dma_wait3A_195 = tpu.memref_slice %arg8[%dma_wait3A_191, %dma_wait3A_193, %dma_wait3A_194] : memref<4x200x32xf32, #tpu.memory_space<vmem>> -> memref<1x200x32xf32, #tpu.memory_space<vmem>>
      %dma_wait3A_196 = tpu.memref_squeeze %dma_wait3A_195 : memref<1x200x32xf32, #tpu.memory_space<vmem>> -> memref<200x32xf32, #tpu.memory_space<vmem>>
      %dma_wait3A_197 = arith.constant 0 : i32
      %dma_wait3A_198 = tpu.memref_slice %arg7[%add3A_176, %dma_wait3A_197] : memref<50x200xi32, #tpu.memory_space<vmem>> -> memref<1x200xi32, #tpu.memory_space<vmem>>
      %dma_wait3A_199 = tpu.memref_squeeze %dma_wait3A_198 : memref<1x200xi32, #tpu.memory_space<vmem>> -> memref<200xi32, #tpu.memory_space<vmem>>
      %dma_wait3A_200 = arith.constant 0 : i32
      %dma_wait3A_201 = arith.constant 0 : i32
      %dma_wait3A_202 = tpu.memref_slice %arg9[%dma_wait3A_200, %dma_wait3A_201] : memref<10112x32xf32, #tpu.memory_space<vmem_shared>> -> memref<10112x32xf32, #tpu.memory_space<vmem_shared>>
      %dma_wait3A_203 = tpu.memref_slice %arg11[%dma_wait3A_192] : memref<4x!tpu.dma_semaphore, #tpu.memory_space<semaphore_mem>> -> memref<1x!tpu.dma_semaphore, #tpu.memory_space<semaphore_mem>>
      %dma_wait3A_204 = tpu.memref_squeeze %dma_wait3A_203 : memref<1x!tpu.dma_semaphore, #tpu.memory_space<semaphore_mem>> -> memref<!tpu.dma_semaphore, #tpu.memory_space<semaphore_mem>>
      tpu.wait_indirect_dma semaphore(%dma_wait3A_204 : memref<!tpu.dma_semaphore, #tpu.memory_space<semaphore_mem>>) src(%dma_wait3A_196 : memref<200x32xf32, #tpu.memory_space<vmem>>) dst(%dma_wait3A_202 : memref<10112x32xf32, #tpu.memory_space<vmem_shared>>)
      %dma_start3A_205 = arith.constant 1 : i32
      %dma_start3A_206 = arith.constant 1 : i32
      %dma_start3A_207 = arith.constant 0 : i32
      %dma_start3A_208 = arith.constant 0 : i32
      %dma_start3A_209 = tpu.memref_slice %arg8[%dma_start3A_205, %dma_start3A_207, %dma_start3A_208] : memref<4x200x32xf32, #tpu.memory_space<vmem>> -> memref<1x200x32xf32, #tpu.memory_space<vmem>>
      %dma_start3A_210 = tpu.memref_squeeze %dma_start3A_209 : memref<1x200x32xf32, #tpu.memory_space<vmem>> -> memref<200x32xf32, #tpu.memory_space<vmem>>
      %dma_start3A_211 = arith.constant 0 : i32
      %dma_start3A_212 = tpu.memref_slice %arg7[%add3A_176, %dma_start3A_211] : memref<50x200xi32, #tpu.memory_space<vmem>> -> memref<1x200xi32, #tpu.memory_space<vmem>>
      %dma_start3A_213 = tpu.memref_squeeze %dma_start3A_212 : memref<1x200xi32, #tpu.memory_space<vmem>> -> memref<200xi32, #tpu.memory_space<vmem>>
      %dma_start3A_214 = arith.constant 0 : i32
      %dma_start3A_215 = arith.constant 0 : i32
      %dma_start3A_216 = tpu.memref_slice %arg9[%dma_start3A_214, %dma_start3A_215] : memref<10112x32xf32, #tpu.memory_space<vmem_shared>> -> memref<10112x32xf32, #tpu.memory_space<vmem_shared>>
      %dma_start3A_217 = tpu.memref_slice %arg11[%dma_start3A_206] : memref<4x!tpu.dma_semaphore, #tpu.memory_space<semaphore_mem>> -> memref<1x!tpu.dma_semaphore, #tpu.memory_space<semaphore_mem>>
      %dma_start3A_218 = tpu.memref_squeeze %dma_start3A_217 : memref<1x!tpu.dma_semaphore, #tpu.memory_space<semaphore_mem>> -> memref<!tpu.dma_semaphore, #tpu.memory_space<semaphore_mem>>
      tpu.enqueue_indirect_dma source(%dma_start3A_210 : memref<200x32xf32, #tpu.memory_space<vmem>>) target(%dma_start3A_216 : memref<10112x32xf32, #tpu.memory_space<vmem_shared>>) offsets(%dma_start3A_213 : memref<200xi32, #tpu.memory_space<vmem>>) semaphore(%dma_start3A_218 : memref<!tpu.dma_semaphore, #tpu.memory_space<semaphore_mem>>) {add = true}
      %add3A_219 = arith.constant 3 : i32
      %add3A_220 = arith.addi %add3A_176, %add3A_219 : i32
      %lt3A = arith.constant 50 : i32
      %lt3A_221 = arith.cmpi slt, %add3A_220, %lt3A : i32
      %convert_element_type3A_222 = arith.extui %lt3A_221 : i1 to i32
      %cond3A_223 = arith.constant 0 : i32
      %cond3A_224 = arith.cmpi ne, %convert_element_type3A_222, %cond3A_223 : i32
      scf.if %cond3A_224 {
        %dma_start3A_331 = arith.constant 0 : i32
        %dma_start3A_332 = arith.constant 0 : i32
        %dma_start3A_333 = arith.constant 0 : i32
        %dma_start3A_334 = arith.constant 0 : i32
        %dma_start3A_335 = tpu.memref_slice %arg8[%dma_start3A_331, %dma_start3A_333, %dma_start3A_334] : memref<4x200x32xf32, #tpu.memory_space<vmem>> -> memref<1x200x32xf32, #tpu.memory_space<vmem>>
        %dma_start3A_336 = tpu.memref_squeeze %dma_start3A_335 : memref<1x200x32xf32, #tpu.memory_space<vmem>> -> memref<200x32xf32, #tpu.memory_space<vmem>>
        %dma_start3A_337 = arith.constant 0 : i32
        %dma_start3A_338 = tpu.memref_slice %arg6[%add3A_220, %dma_start3A_337] : memref<50x200xi32, #tpu.memory_space<vmem>> -> memref<1x200xi32, #tpu.memory_space<vmem>>
        %dma_start3A_339 = tpu.memref_squeeze %dma_start3A_338 : memref<1x200xi32, #tpu.memory_space<vmem>> -> memref<200xi32, #tpu.memory_space<vmem>>
        %dma_start3A_340 = arith.constant 0 : i32
        %dma_start3A_341 = arith.constant 0 : i32
        %dma_start3A_342 = tpu.memref_slice %arg2[%dma_start3A_340, %dma_start3A_341] : memref<10000x32xf32, #tpu.memory_space<hbm>> -> memref<10000x32xf32, #tpu.memory_space<hbm>>
        %dma_start3A_343 = tpu.memref_slice %arg10[%dma_start3A_332] : memref<4x!tpu.dma_semaphore, #tpu.memory_space<semaphore_mem>> -> memref<1x!tpu.dma_semaphore, #tpu.memory_space<semaphore_mem>>
        %dma_start3A_344 = tpu.memref_squeeze %dma_start3A_343 : memref<1x!tpu.dma_semaphore, #tpu.memory_space<semaphore_mem>> -> memref<!tpu.dma_semaphore, #tpu.memory_space<semaphore_mem>>
        tpu.enqueue_indirect_dma source(%dma_start3A_342 : memref<10000x32xf32, #tpu.memory_space<hbm>>) target(%dma_start3A_336 : memref<200x32xf32, #tpu.memory_space<vmem>>) offsets(%dma_start3A_339 : memref<200xi32, #tpu.memory_space<vmem>>) semaphore(%dma_start3A_344 : memref<!tpu.dma_semaphore, #tpu.memory_space<semaphore_mem>>)
      } else {
      }
      %mul3A_225 = arith.constant 4 : i32
      %mul3A_226 = arith.muli %add3A_162, %mul3A_225 : i32
      %add3A_227 = arith.constant 2 : i32
      %add3A_228 = arith.addi %mul3A_226, %add3A_227 : i32
      %dma_wait3A_229 = arith.constant 2 : i32
      %dma_wait3A_230 = arith.constant 2 : i32
      %dma_wait3A_231 = arith.constant 0 : i32
      %dma_wait3A_232 = arith.constant 0 : i32
      %dma_wait3A_233 = tpu.memref_slice %arg8[%dma_wait3A_229, %dma_wait3A_231, %dma_wait3A_232] : memref<4x200x32xf32, #tpu.memory_space<vmem>> -> memref<1x200x32xf32, #tpu.memory_space<vmem>>
      %dma_wait3A_234 = tpu.memref_squeeze %dma_wait3A_233 : memref<1x200x32xf32, #tpu.memory_space<vmem>> -> memref<200x32xf32, #tpu.memory_space<vmem>>
      %dma_wait3A_235 = arith.constant 0 : i32
      %dma_wait3A_236 = tpu.memref_slice %arg6[%add3A_228, %dma_wait3A_235] : memref<50x200xi32, #tpu.memory_space<vmem>> -> memref<1x200xi32, #tpu.memory_space<vmem>>
      %dma_wait3A_237 = tpu.memref_squeeze %dma_wait3A_236 : memref<1x200xi32, #tpu.memory_space<vmem>> -> memref<200xi32, #tpu.memory_space<vmem>>
      %dma_wait3A_238 = arith.constant 0 : i32
      %dma_wait3A_239 = arith.constant 0 : i32
      %dma_wait3A_240 = tpu.memref_slice %arg2[%dma_wait3A_238, %dma_wait3A_239] : memref<10000x32xf32, #tpu.memory_space<hbm>> -> memref<10000x32xf32, #tpu.memory_space<hbm>>
      %dma_wait3A_241 = tpu.memref_slice %arg10[%dma_wait3A_230] : memref<4x!tpu.dma_semaphore, #tpu.memory_space<semaphore_mem>> -> memref<1x!tpu.dma_semaphore, #tpu.memory_space<semaphore_mem>>
      %dma_wait3A_242 = tpu.memref_squeeze %dma_wait3A_241 : memref<1x!tpu.dma_semaphore, #tpu.memory_space<semaphore_mem>> -> memref<!tpu.dma_semaphore, #tpu.memory_space<semaphore_mem>>
      tpu.wait_indirect_dma semaphore(%dma_wait3A_242 : memref<!tpu.dma_semaphore, #tpu.memory_space<semaphore_mem>>) src(%dma_wait3A_240 : memref<10000x32xf32, #tpu.memory_space<hbm>>) dst(%dma_wait3A_234 : memref<200x32xf32, #tpu.memory_space<vmem>>)
      %dma_wait3A_243 = arith.constant 1 : i32
      %dma_wait3A_244 = arith.constant 1 : i32
      %dma_wait3A_245 = arith.constant 0 : i32
      %dma_wait3A_246 = arith.constant 0 : i32
      %dma_wait3A_247 = tpu.memref_slice %arg8[%dma_wait3A_243, %dma_wait3A_245, %dma_wait3A_246] : memref<4x200x32xf32, #tpu.memory_space<vmem>> -> memref<1x200x32xf32, #tpu.memory_space<vmem>>
      %dma_wait3A_248 = tpu.memref_squeeze %dma_wait3A_247 : memref<1x200x32xf32, #tpu.memory_space<vmem>> -> memref<200x32xf32, #tpu.memory_space<vmem>>
      %dma_wait3A_249 = arith.constant 0 : i32
      %dma_wait3A_250 = tpu.memref_slice %arg7[%add3A_228, %dma_wait3A_249] : memref<50x200xi32, #tpu.memory_space<vmem>> -> memref<1x200xi32, #tpu.memory_space<vmem>>
      %dma_wait3A_251 = tpu.memref_squeeze %dma_wait3A_250 : memref<1x200xi32, #tpu.memory_space<vmem>> -> memref<200xi32, #tpu.memory_space<vmem>>
      %dma_wait3A_252 = arith.constant 0 : i32
      %dma_wait3A_253 = arith.constant 0 : i32
      %dma_wait3A_254 = tpu.memref_slice %arg9[%dma_wait3A_252, %dma_wait3A_253] : memref<10112x32xf32, #tpu.memory_space<vmem_shared>> -> memref<10112x32xf32, #tpu.memory_space<vmem_shared>>
      %dma_wait3A_255 = tpu.memref_slice %arg11[%dma_wait3A_244] : memref<4x!tpu.dma_semaphore, #tpu.memory_space<semaphore_mem>> -> memref<1x!tpu.dma_semaphore, #tpu.memory_space<semaphore_mem>>
      %dma_wait3A_256 = tpu.memref_squeeze %dma_wait3A_255 : memref<1x!tpu.dma_semaphore, #tpu.memory_space<semaphore_mem>> -> memref<!tpu.dma_semaphore, #tpu.memory_space<semaphore_mem>>
      tpu.wait_indirect_dma semaphore(%dma_wait3A_256 : memref<!tpu.dma_semaphore, #tpu.memory_space<semaphore_mem>>) src(%dma_wait3A_248 : memref<200x32xf32, #tpu.memory_space<vmem>>) dst(%dma_wait3A_254 : memref<10112x32xf32, #tpu.memory_space<vmem_shared>>)
      %dma_start3A_257 = arith.constant 2 : i32
      %dma_start3A_258 = arith.constant 2 : i32
      %dma_start3A_259 = arith.constant 0 : i32
      %dma_start3A_260 = arith.constant 0 : i32
      %dma_start3A_261 = tpu.memref_slice %arg8[%dma_start3A_257, %dma_start3A_259, %dma_start3A_260] : memref<4x200x32xf32, #tpu.memory_space<vmem>> -> memref<1x200x32xf32, #tpu.memory_space<vmem>>
      %dma_start3A_262 = tpu.memref_squeeze %dma_start3A_261 : memref<1x200x32xf32, #tpu.memory_space<vmem>> -> memref<200x32xf32, #tpu.memory_space<vmem>>
      %dma_start3A_263 = arith.constant 0 : i32
      %dma_start3A_264 = tpu.memref_slice %arg7[%add3A_228, %dma_start3A_263] : memref<50x200xi32, #tpu.memory_space<vmem>> -> memref<1x200xi32, #tpu.memory_space<vmem>>
      %dma_start3A_265 = tpu.memref_squeeze %dma_start3A_264 : memref<1x200xi32, #tpu.memory_space<vmem>> -> memref<200xi32, #tpu.memory_space<vmem>>
      %dma_start3A_266 = arith.constant 0 : i32
      %dma_start3A_267 = arith.constant 0 : i32
      %dma_start3A_268 = tpu.memref_slice %arg9[%dma_start3A_266, %dma_start3A_267] : memref<10112x32xf32, #tpu.memory_space<vmem_shared>> -> memref<10112x32xf32, #tpu.memory_space<vmem_shared>>
      %dma_start3A_269 = tpu.memref_slice %arg11[%dma_start3A_258] : memref<4x!tpu.dma_semaphore, #tpu.memory_space<semaphore_mem>> -> memref<1x!tpu.dma_semaphore, #tpu.memory_space<semaphore_mem>>
      %dma_start3A_270 = tpu.memref_squeeze %dma_start3A_269 : memref<1x!tpu.dma_semaphore, #tpu.memory_space<semaphore_mem>> -> memref<!tpu.dma_semaphore, #tpu.memory_space<semaphore_mem>>
      tpu.enqueue_indirect_dma source(%dma_start3A_262 : memref<200x32xf32, #tpu.memory_space<vmem>>) target(%dma_start3A_268 : memref<10112x32xf32, #tpu.memory_space<vmem_shared>>) offsets(%dma_start3A_265 : memref<200xi32, #tpu.memory_space<vmem>>) semaphore(%dma_start3A_270 : memref<!tpu.dma_semaphore, #tpu.memory_space<semaphore_mem>>) {add = true}
      %add3A_271 = arith.constant 3 : i32
      %add3A_272 = arith.addi %add3A_228, %add3A_271 : i32
      %lt3A_273 = arith.constant 50 : i32
      %lt3A_274 = arith.cmpi slt, %add3A_272, %lt3A_273 : i32
      %convert_element_type3A_275 = arith.extui %lt3A_274 : i1 to i32
      %cond3A_276 = arith.constant 0 : i32
      %cond3A_277 = arith.cmpi ne, %convert_element_type3A_275, %cond3A_276 : i32
      scf.if %cond3A_277 {
        %dma_start3A_331 = arith.constant 1 : i32
        %dma_start3A_332 = arith.constant 1 : i32
        %dma_start3A_333 = arith.constant 0 : i32
        %dma_start3A_334 = arith.constant 0 : i32
        %dma_start3A_335 = tpu.memref_slice %arg8[%dma_start3A_331, %dma_start3A_333, %dma_start3A_334] : memref<4x200x32xf32, #tpu.memory_space<vmem>> -> memref<1x200x32xf32, #tpu.memory_space<vmem>>
        %dma_start3A_336 = tpu.memref_squeeze %dma_start3A_335 : memref<1x200x32xf32, #tpu.memory_space<vmem>> -> memref<200x32xf32, #tpu.memory_space<vmem>>
        %dma_start3A_337 = arith.constant 0 : i32
        %dma_start3A_338 = tpu.memref_slice %arg6[%add3A_272, %dma_start3A_337] : memref<50x200xi32, #tpu.memory_space<vmem>> -> memref<1x200xi32, #tpu.memory_space<vmem>>
        %dma_start3A_339 = tpu.memref_squeeze %dma_start3A_338 : memref<1x200xi32, #tpu.memory_space<vmem>> -> memref<200xi32, #tpu.memory_space<vmem>>
        %dma_start3A_340 = arith.constant 0 : i32
        %dma_start3A_341 = arith.constant 0 : i32
        %dma_start3A_342 = tpu.memref_slice %arg2[%dma_start3A_340, %dma_start3A_341] : memref<10000x32xf32, #tpu.memory_space<hbm>> -> memref<10000x32xf32, #tpu.memory_space<hbm>>
        %dma_start3A_343 = tpu.memref_slice %arg10[%dma_start3A_332] : memref<4x!tpu.dma_semaphore, #tpu.memory_space<semaphore_mem>> -> memref<1x!tpu.dma_semaphore, #tpu.memory_space<semaphore_mem>>
        %dma_start3A_344 = tpu.memref_squeeze %dma_start3A_343 : memref<1x!tpu.dma_semaphore, #tpu.memory_space<semaphore_mem>> -> memref<!tpu.dma_semaphore, #tpu.memory_space<semaphore_mem>>
        tpu.enqueue_indirect_dma source(%dma_start3A_342 : memref<10000x32xf32, #tpu.memory_space<hbm>>) target(%dma_start3A_336 : memref<200x32xf32, #tpu.memory_space<vmem>>) offsets(%dma_start3A_339 : memref<200xi32, #tpu.memory_space<vmem>>) semaphore(%dma_start3A_344 : memref<!tpu.dma_semaphore, #tpu.memory_space<semaphore_mem>>)
      } else {
      }
      %mul3A_278 = arith.constant 4 : i32
      %mul3A_279 = arith.muli %add3A_162, %mul3A_278 : i32
      %add3A_280 = arith.constant 3 : i32
      %add3A_281 = arith.addi %mul3A_279, %add3A_280 : i32
      %dma_wait3A_282 = arith.constant 3 : i32
      %dma_wait3A_283 = arith.constant 3 : i32
      %dma_wait3A_284 = arith.constant 0 : i32
      %dma_wait3A_285 = arith.constant 0 : i32
      %dma_wait3A_286 = tpu.memref_slice %arg8[%dma_wait3A_282, %dma_wait3A_284, %dma_wait3A_285] : memref<4x200x32xf32, #tpu.memory_space<vmem>> -> memref<1x200x32xf32, #tpu.memory_space<vmem>>
      %dma_wait3A_287 = tpu.memref_squeeze %dma_wait3A_286 : memref<1x200x32xf32, #tpu.memory_space<vmem>> -> memref<200x32xf32, #tpu.memory_space<vmem>>
      %dma_wait3A_288 = arith.constant 0 : i32
      %dma_wait3A_289 = tpu.memref_slice %arg6[%add3A_281, %dma_wait3A_288] : memref<50x200xi32, #tpu.memory_space<vmem>> -> memref<1x200xi32, #tpu.memory_space<vmem>>
      %dma_wait3A_290 = tpu.memref_squeeze %dma_wait3A_289 : memref<1x200xi32, #tpu.memory_space<vmem>> -> memref<200xi32, #tpu.memory_space<vmem>>
      %dma_wait3A_291 = arith.constant 0 : i32
      %dma_wait3A_292 = arith.constant 0 : i32
      %dma_wait3A_293 = tpu.memref_slice %arg2[%dma_wait3A_291, %dma_wait3A_292] : memref<10000x32xf32, #tpu.memory_space<hbm>> -> memref<10000x32xf32, #tpu.memory_space<hbm>>
      %dma_wait3A_294 = tpu.memref_slice %arg10[%dma_wait3A_283] : memref<4x!tpu.dma_semaphore, #tpu.memory_space<semaphore_mem>> -> memref<1x!tpu.dma_semaphore, #tpu.memory_space<semaphore_mem>>
      %dma_wait3A_295 = tpu.memref_squeeze %dma_wait3A_294 : memref<1x!tpu.dma_semaphore, #tpu.memory_space<semaphore_mem>> -> memref<!tpu.dma_semaphore, #tpu.memory_space<semaphore_mem>>
      tpu.wait_indirect_dma semaphore(%dma_wait3A_295 : memref<!tpu.dma_semaphore, #tpu.memory_space<semaphore_mem>>) src(%dma_wait3A_293 : memref<10000x32xf32, #tpu.memory_space<hbm>>) dst(%dma_wait3A_287 : memref<200x32xf32, #tpu.memory_space<vmem>>)
      %dma_wait3A_296 = arith.constant 2 : i32
      %dma_wait3A_297 = arith.constant 2 : i32
      %dma_wait3A_298 = arith.constant 0 : i32
      %dma_wait3A_299 = arith.constant 0 : i32
      %dma_wait3A_300 = tpu.memref_slice %arg8[%dma_wait3A_296, %dma_wait3A_298, %dma_wait3A_299] : memref<4x200x32xf32, #tpu.memory_space<vmem>> -> memref<1x200x32xf32, #tpu.memory_space<vmem>>
      %dma_wait3A_301 = tpu.memref_squeeze %dma_wait3A_300 : memref<1x200x32xf32, #tpu.memory_space<vmem>> -> memref<200x32xf32, #tpu.memory_space<vmem>>
      %dma_wait3A_302 = arith.constant 0 : i32
      %dma_wait3A_303 = tpu.memref_slice %arg7[%add3A_281, %dma_wait3A_302] : memref<50x200xi32, #tpu.memory_space<vmem>> -> memref<1x200xi32, #tpu.memory_space<vmem>>
      %dma_wait3A_304 = tpu.memref_squeeze %dma_wait3A_303 : memref<1x200xi32, #tpu.memory_space<vmem>> -> memref<200xi32, #tpu.memory_space<vmem>>
      %dma_wait3A_305 = arith.constant 0 : i32
      %dma_wait3A_306 = arith.constant 0 : i32
      %dma_wait3A_307 = tpu.memref_slice %arg9[%dma_wait3A_305, %dma_wait3A_306] : memref<10112x32xf32, #tpu.memory_space<vmem_shared>> -> memref<10112x32xf32, #tpu.memory_space<vmem_shared>>
      %dma_wait3A_308 = tpu.memref_slice %arg11[%dma_wait3A_297] : memref<4x!tpu.dma_semaphore, #tpu.memory_space<semaphore_mem>> -> memref<1x!tpu.dma_semaphore, #tpu.memory_space<semaphore_mem>>
      %dma_wait3A_309 = tpu.memref_squeeze %dma_wait3A_308 : memref<1x!tpu.dma_semaphore, #tpu.memory_space<semaphore_mem>> -> memref<!tpu.dma_semaphore, #tpu.memory_space<semaphore_mem>>
      tpu.wait_indirect_dma semaphore(%dma_wait3A_309 : memref<!tpu.dma_semaphore, #tpu.memory_space<semaphore_mem>>) src(%dma_wait3A_301 : memref<200x32xf32, #tpu.memory_space<vmem>>) dst(%dma_wait3A_307 : memref<10112x32xf32, #tpu.memory_space<vmem_shared>>)
      %dma_start3A_310 = arith.constant 3 : i32
      %dma_start3A_311 = arith.constant 3 : i32
      %dma_start3A_312 = arith.constant 0 : i32
      %dma_start3A_313 = arith.constant 0 : i32
      %dma_start3A_314 = tpu.memref_slice %arg8[%dma_start3A_310, %dma_start3A_312, %dma_start3A_313] : memref<4x200x32xf32, #tpu.memory_space<vmem>> -> memref<1x200x32xf32, #tpu.memory_space<vmem>>
      %dma_start3A_315 = tpu.memref_squeeze %dma_start3A_314 : memref<1x200x32xf32, #tpu.memory_space<vmem>> -> memref<200x32xf32, #tpu.memory_space<vmem>>
      %dma_start3A_316 = arith.constant 0 : i32
      %dma_start3A_317 = tpu.memref_slice %arg7[%add3A_281, %dma_start3A_316] : memref<50x200xi32, #tpu.memory_space<vmem>> -> memref<1x200xi32, #tpu.memory_space<vmem>>
      %dma_start3A_318 = tpu.memref_squeeze %dma_start3A_317 : memref<1x200xi32, #tpu.memory_space<vmem>> -> memref<200xi32, #tpu.memory_space<vmem>>
      %dma_start3A_319 = arith.constant 0 : i32
      %dma_start3A_320 = arith.constant 0 : i32
      %dma_start3A_321 = tpu.memref_slice %arg9[%dma_start3A_319, %dma_start3A_320] : memref<10112x32xf32, #tpu.memory_space<vmem_shared>> -> memref<10112x32xf32, #tpu.memory_space<vmem_shared>>
      %dma_start3A_322 = tpu.memref_slice %arg11[%dma_start3A_311] : memref<4x!tpu.dma_semaphore, #tpu.memory_space<semaphore_mem>> -> memref<1x!tpu.dma_semaphore, #tpu.memory_space<semaphore_mem>>
      %dma_start3A_323 = tpu.memref_squeeze %dma_start3A_322 : memref<1x!tpu.dma_semaphore, #tpu.memory_space<semaphore_mem>> -> memref<!tpu.dma_semaphore, #tpu.memory_space<semaphore_mem>>
      tpu.enqueue_indirect_dma source(%dma_start3A_315 : memref<200x32xf32, #tpu.memory_space<vmem>>) target(%dma_start3A_321 : memref<10112x32xf32, #tpu.memory_space<vmem_shared>>) offsets(%dma_start3A_318 : memref<200xi32, #tpu.memory_space<vmem>>) semaphore(%dma_start3A_323 : memref<!tpu.dma_semaphore, #tpu.memory_space<semaphore_mem>>) {add = true}
      %add3A_324 = arith.constant 3 : i32
      %add3A_325 = arith.addi %add3A_281, %add3A_324 : i32
      %lt3A_326 = arith.constant 50 : i32
      %lt3A_327 = arith.cmpi slt, %add3A_325, %lt3A_326 : i32
      %convert_element_type3A_328 = arith.extui %lt3A_327 : i1 to i32
      %cond3A_329 = arith.constant 0 : i32
      %cond3A_330 = arith.cmpi ne, %convert_element_type3A_328, %cond3A_329 : i32
      scf.if %cond3A_330 {
        %dma_start3A_331 = arith.constant 2 : i32
        %dma_start3A_332 = arith.constant 2 : i32
        %dma_start3A_333 = arith.constant 0 : i32
        %dma_start3A_334 = arith.constant 0 : i32
        %dma_start3A_335 = tpu.memref_slice %arg8[%dma_start3A_331, %dma_start3A_333, %dma_start3A_334] : memref<4x200x32xf32, #tpu.memory_space<vmem>> -> memref<1x200x32xf32, #tpu.memory_space<vmem>>
        %dma_start3A_336 = tpu.memref_squeeze %dma_start3A_335 : memref<1x200x32xf32, #tpu.memory_space<vmem>> -> memref<200x32xf32, #tpu.memory_space<vmem>>
        %dma_start3A_337 = arith.constant 0 : i32
        %dma_start3A_338 = tpu.memref_slice %arg6[%add3A_325, %dma_start3A_337] : memref<50x200xi32, #tpu.memory_space<vmem>> -> memref<1x200xi32, #tpu.memory_space<vmem>>
        %dma_start3A_339 = tpu.memref_squeeze %dma_start3A_338 : memref<1x200xi32, #tpu.memory_space<vmem>> -> memref<200xi32, #tpu.memory_space<vmem>>
        %dma_start3A_340 = arith.constant 0 : i32
        %dma_start3A_341 = arith.constant 0 : i32
        %dma_start3A_342 = tpu.memref_slice %arg2[%dma_start3A_340, %dma_start3A_341] : memref<10000x32xf32, #tpu.memory_space<hbm>> -> memref<10000x32xf32, #tpu.memory_space<hbm>>
        %dma_start3A_343 = tpu.memref_slice %arg10[%dma_start3A_332] : memref<4x!tpu.dma_semaphore, #tpu.memory_space<semaphore_mem>> -> memref<1x!tpu.dma_semaphore, #tpu.memory_space<semaphore_mem>>
        %dma_start3A_344 = tpu.memref_squeeze %dma_start3A_343 : memref<1x!tpu.dma_semaphore, #tpu.memory_space<semaphore_mem>> -> memref<!tpu.dma_semaphore, #tpu.memory_space<semaphore_mem>>
        tpu.enqueue_indirect_dma source(%dma_start3A_342 : memref<10000x32xf32, #tpu.memory_space<hbm>>) target(%dma_start3A_336 : memref<200x32xf32, #tpu.memory_space<vmem>>) offsets(%dma_start3A_339 : memref<200xi32, #tpu.memory_space<vmem>>) semaphore(%dma_start3A_344 : memref<!tpu.dma_semaphore, #tpu.memory_space<semaphore_mem>>)
      } else {
      }
    }
    %scan3A_52 = arith.constant 12 : i32
    %dma_wait3A = arith.constant 48 : i32
    %dma_wait3A_53 = arith.constant 0 : i32
    %dma_wait3A_54 = arith.constant 0 : i32
    %dma_wait3A_55 = arith.constant 0 : i32
    %dma_wait3A_56 = arith.constant 0 : i32
    %dma_wait3A_57 = tpu.memref_slice %arg8[%dma_wait3A_53, %dma_wait3A_55, %dma_wait3A_56] : memref<4x200x32xf32, #tpu.memory_space<vmem>> -> memref<1x200x32xf32, #tpu.memory_space<vmem>>
    %dma_wait3A_58 = tpu.memref_squeeze %dma_wait3A_57 : memref<1x200x32xf32, #tpu.memory_space<vmem>> -> memref<200x32xf32, #tpu.memory_space<vmem>>
    %dma_wait3A_59 = arith.constant 0 : i32
    %dma_wait3A_60 = tpu.memref_slice %arg6[%dma_wait3A, %dma_wait3A_59] : memref<50x200xi32, #tpu.memory_space<vmem>> -> memref<1x200xi32, #tpu.memory_space<vmem>>
    %dma_wait3A_61 = tpu.memref_squeeze %dma_wait3A_60 : memref<1x200xi32, #tpu.memory_space<vmem>> -> memref<200xi32, #tpu.memory_space<vmem>>
    %dma_wait3A_62 = arith.constant 0 : i32
    %dma_wait3A_63 = arith.constant 0 : i32
    %dma_wait3A_64 = tpu.memref_slice %arg2[%dma_wait3A_62, %dma_wait3A_63] : memref<10000x32xf32, #tpu.memory_space<hbm>> -> memref<10000x32xf32, #tpu.memory_space<hbm>>
    %dma_wait3A_65 = tpu.memref_slice %arg10[%dma_wait3A_54] : memref<4x!tpu.dma_semaphore, #tpu.memory_space<semaphore_mem>> -> memref<1x!tpu.dma_semaphore, #tpu.memory_space<semaphore_mem>>
    %dma_wait3A_66 = tpu.memref_squeeze %dma_wait3A_65 : memref<1x!tpu.dma_semaphore, #tpu.memory_space<semaphore_mem>> -> memref<!tpu.dma_semaphore, #tpu.memory_space<semaphore_mem>>
    tpu.wait_indirect_dma semaphore(%dma_wait3A_66 : memref<!tpu.dma_semaphore, #tpu.memory_space<semaphore_mem>>) src(%dma_wait3A_64 : memref<10000x32xf32, #tpu.memory_space<hbm>>) dst(%dma_wait3A_58 : memref<200x32xf32, #tpu.memory_space<vmem>>)
    %dma_wait3A_67 = arith.constant 3 : i32
    %dma_wait3A_68 = arith.constant 48 : i32
    %dma_wait3A_69 = arith.constant 3 : i32
    %dma_wait3A_70 = arith.constant 0 : i32
    %dma_wait3A_71 = arith.constant 0 : i32
    %dma_wait3A_72 = tpu.memref_slice %arg8[%dma_wait3A_67, %dma_wait3A_70, %dma_wait3A_71] : memref<4x200x32xf32, #tpu.memory_space<vmem>> -> memref<1x200x32xf32, #tpu.memory_space<vmem>>
    %dma_wait3A_73 = tpu.memref_squeeze %dma_wait3A_72 : memref<1x200x32xf32, #tpu.memory_space<vmem>> -> memref<200x32xf32, #tpu.memory_space<vmem>>
    %dma_wait3A_74 = arith.constant 0 : i32
    %dma_wait3A_75 = tpu.memref_slice %arg7[%dma_wait3A_68, %dma_wait3A_74] : memref<50x200xi32, #tpu.memory_space<vmem>> -> memref<1x200xi32, #tpu.memory_space<vmem>>
    %dma_wait3A_76 = tpu.memref_squeeze %dma_wait3A_75 : memref<1x200xi32, #tpu.memory_space<vmem>> -> memref<200xi32, #tpu.memory_space<vmem>>
    %dma_wait3A_77 = arith.constant 0 : i32
    %dma_wait3A_78 = arith.constant 0 : i32
    %dma_wait3A_79 = tpu.memref_slice %arg9[%dma_wait3A_77, %dma_wait3A_78] : memref<10112x32xf32, #tpu.memory_space<vmem_shared>> -> memref<10112x32xf32, #tpu.memory_space<vmem_shared>>
    %dma_wait3A_80 = tpu.memref_slice %arg11[%dma_wait3A_69] : memref<4x!tpu.dma_semaphore, #tpu.memory_space<semaphore_mem>> -> memref<1x!tpu.dma_semaphore, #tpu.memory_space<semaphore_mem>>
    %dma_wait3A_81 = tpu.memref_squeeze %dma_wait3A_80 : memref<1x!tpu.dma_semaphore, #tpu.memory_space<semaphore_mem>> -> memref<!tpu.dma_semaphore, #tpu.memory_space<semaphore_mem>>
    tpu.wait_indirect_dma semaphore(%dma_wait3A_81 : memref<!tpu.dma_semaphore, #tpu.memory_space<semaphore_mem>>) src(%dma_wait3A_73 : memref<200x32xf32, #tpu.memory_space<vmem>>) dst(%dma_wait3A_79 : memref<10112x32xf32, #tpu.memory_space<vmem_shared>>)
    %dma_start3A_82 = arith.constant 0 : i32
    %dma_start3A_83 = arith.constant 48 : i32
    %dma_start3A_84 = arith.constant 0 : i32
    %dma_start3A_85 = arith.constant 0 : i32
    %dma_start3A_86 = arith.constant 0 : i32
    %dma_start3A_87 = tpu.memref_slice %arg8[%dma_start3A_82, %dma_start3A_85, %dma_start3A_86] : memref<4x200x32xf32, #tpu.memory_space<vmem>> -> memref<1x200x32xf32, #tpu.memory_space<vmem>>
    %dma_start3A_88 = tpu.memref_squeeze %dma_start3A_87 : memref<1x200x32xf32, #tpu.memory_space<vmem>> -> memref<200x32xf32, #tpu.memory_space<vmem>>
    %dma_start3A_89 = arith.constant 0 : i32
    %dma_start3A_90 = tpu.memref_slice %arg7[%dma_start3A_83, %dma_start3A_89] : memref<50x200xi32, #tpu.memory_space<vmem>> -> memref<1x200xi32, #tpu.memory_space<vmem>>
    %dma_start3A_91 = tpu.memref_squeeze %dma_start3A_90 : memref<1x200xi32, #tpu.memory_space<vmem>> -> memref<200xi32, #tpu.memory_space<vmem>>
    %dma_start3A_92 = arith.constant 0 : i32
    %dma_start3A_93 = arith.constant 0 : i32
    %dma_start3A_94 = tpu.memref_slice %arg9[%dma_start3A_92, %dma_start3A_93] : memref<10112x32xf32, #tpu.memory_space<vmem_shared>> -> memref<10112x32xf32, #tpu.memory_space<vmem_shared>>
    %dma_start3A_95 = tpu.memref_slice %arg11[%dma_start3A_84] : memref<4x!tpu.dma_semaphore, #tpu.memory_space<semaphore_mem>> -> memref<1x!tpu.dma_semaphore, #tpu.memory_space<semaphore_mem>>
    %dma_start3A_96 = tpu.memref_squeeze %dma_start3A_95 : memref<1x!tpu.dma_semaphore, #tpu.memory_space<semaphore_mem>> -> memref<!tpu.dma_semaphore, #tpu.memory_space<semaphore_mem>>
    tpu.enqueue_indirect_dma source(%dma_start3A_88 : memref<200x32xf32, #tpu.memory_space<vmem>>) target(%dma_start3A_94 : memref<10112x32xf32, #tpu.memory_space<vmem_shared>>) offsets(%dma_start3A_91 : memref<200xi32, #tpu.memory_space<vmem>>) semaphore(%dma_start3A_96 : memref<!tpu.dma_semaphore, #tpu.memory_space<semaphore_mem>>) {add = true}
    %dma_wait3A_97 = arith.constant 49 : i32
    %dma_wait3A_98 = arith.constant 1 : i32
    %dma_wait3A_99 = arith.constant 1 : i32
    %dma_wait3A_100 = arith.constant 0 : i32
    %dma_wait3A_101 = arith.constant 0 : i32
    %dma_wait3A_102 = tpu.memref_slice %arg8[%dma_wait3A_98, %dma_wait3A_100, %dma_wait3A_101] : memref<4x200x32xf32, #tpu.memory_space<vmem>> -> memref<1x200x32xf32, #tpu.memory_space<vmem>>
    %dma_wait3A_103 = tpu.memref_squeeze %dma_wait3A_102 : memref<1x200x32xf32, #tpu.memory_space<vmem>> -> memref<200x32xf32, #tpu.memory_space<vmem>>
    %dma_wait3A_104 = arith.constant 0 : i32
    %dma_wait3A_105 = tpu.memref_slice %arg6[%dma_wait3A_97, %dma_wait3A_104] : memref<50x200xi32, #tpu.memory_space<vmem>> -> memref<1x200xi32, #tpu.memory_space<vmem>>
    %dma_wait3A_106 = tpu.memref_squeeze %dma_wait3A_105 : memref<1x200xi32, #tpu.memory_space<vmem>> -> memref<200xi32, #tpu.memory_space<vmem>>
    %dma_wait3A_107 = arith.constant 0 : i32
    %dma_wait3A_108 = arith.constant 0 : i32
    %dma_wait3A_109 = tpu.memref_slice %arg2[%dma_wait3A_107, %dma_wait3A_108] : memref<10000x32xf32, #tpu.memory_space<hbm>> -> memref<10000x32xf32, #tpu.memory_space<hbm>>
    %dma_wait3A_110 = tpu.memref_slice %arg10[%dma_wait3A_99] : memref<4x!tpu.dma_semaphore, #tpu.memory_space<semaphore_mem>> -> memref<1x!tpu.dma_semaphore, #tpu.memory_space<semaphore_mem>>
    %dma_wait3A_111 = tpu.memref_squeeze %dma_wait3A_110 : memref<1x!tpu.dma_semaphore, #tpu.memory_space<semaphore_mem>> -> memref<!tpu.dma_semaphore, #tpu.memory_space<semaphore_mem>>
    tpu.wait_indirect_dma semaphore(%dma_wait3A_111 : memref<!tpu.dma_semaphore, #tpu.memory_space<semaphore_mem>>) src(%dma_wait3A_109 : memref<10000x32xf32, #tpu.memory_space<hbm>>) dst(%dma_wait3A_103 : memref<200x32xf32, #tpu.memory_space<vmem>>)
    %dma_wait3A_112 = arith.constant 0 : i32
    %dma_wait3A_113 = arith.constant 49 : i32
    %dma_wait3A_114 = arith.constant 0 : i32
    %dma_wait3A_115 = arith.constant 0 : i32
    %dma_wait3A_116 = arith.constant 0 : i32
    %dma_wait3A_117 = tpu.memref_slice %arg8[%dma_wait3A_112, %dma_wait3A_115, %dma_wait3A_116] : memref<4x200x32xf32, #tpu.memory_space<vmem>> -> memref<1x200x32xf32, #tpu.memory_space<vmem>>
    %dma_wait3A_118 = tpu.memref_squeeze %dma_wait3A_117 : memref<1x200x32xf32, #tpu.memory_space<vmem>> -> memref<200x32xf32, #tpu.memory_space<vmem>>
    %dma_wait3A_119 = arith.constant 0 : i32
    %dma_wait3A_120 = tpu.memref_slice %arg7[%dma_wait3A_113, %dma_wait3A_119] : memref<50x200xi32, #tpu.memory_space<vmem>> -> memref<1x200xi32, #tpu.memory_space<vmem>>
    %dma_wait3A_121 = tpu.memref_squeeze %dma_wait3A_120 : memref<1x200xi32, #tpu.memory_space<vmem>> -> memref<200xi32, #tpu.memory_space<vmem>>
    %dma_wait3A_122 = arith.constant 0 : i32
    %dma_wait3A_123 = arith.constant 0 : i32
    %dma_wait3A_124 = tpu.memref_slice %arg9[%dma_wait3A_122, %dma_wait3A_123] : memref<10112x32xf32, #tpu.memory_space<vmem_shared>> -> memref<10112x32xf32, #tpu.memory_space<vmem_shared>>
    %dma_wait3A_125 = tpu.memref_slice %arg11[%dma_wait3A_114] : memref<4x!tpu.dma_semaphore, #tpu.memory_space<semaphore_mem>> -> memref<1x!tpu.dma_semaphore, #tpu.memory_space<semaphore_mem>>
    %dma_wait3A_126 = tpu.memref_squeeze %dma_wait3A_125 : memref<1x!tpu.dma_semaphore, #tpu.memory_space<semaphore_mem>> -> memref<!tpu.dma_semaphore, #tpu.memory_space<semaphore_mem>>
    tpu.wait_indirect_dma semaphore(%dma_wait3A_126 : memref<!tpu.dma_semaphore, #tpu.memory_space<semaphore_mem>>) src(%dma_wait3A_118 : memref<200x32xf32, #tpu.memory_space<vmem>>) dst(%dma_wait3A_124 : memref<10112x32xf32, #tpu.memory_space<vmem_shared>>)
    %dma_start3A_127 = arith.constant 1 : i32
    %dma_start3A_128 = arith.constant 49 : i32
    %dma_start3A_129 = arith.constant 1 : i32
    %dma_start3A_130 = arith.constant 0 : i32
    %dma_start3A_131 = arith.constant 0 : i32
    %dma_start3A_132 = tpu.memref_slice %arg8[%dma_start3A_127, %dma_start3A_130, %dma_start3A_131] : memref<4x200x32xf32, #tpu.memory_space<vmem>> -> memref<1x200x32xf32, #tpu.memory_space<vmem>>
    %dma_start3A_133 = tpu.memref_squeeze %dma_start3A_132 : memref<1x200x32xf32, #tpu.memory_space<vmem>> -> memref<200x32xf32, #tpu.memory_space<vmem>>
    %dma_start3A_134 = arith.constant 0 : i32
    %dma_start3A_135 = tpu.memref_slice %arg7[%dma_start3A_128, %dma_start3A_134] : memref<50x200xi32, #tpu.memory_space<vmem>> -> memref<1x200xi32, #tpu.memory_space<vmem>>
    %dma_start3A_136 = tpu.memref_squeeze %dma_start3A_135 : memref<1x200xi32, #tpu.memory_space<vmem>> -> memref<200xi32, #tpu.memory_space<vmem>>
    %dma_start3A_137 = arith.constant 0 : i32
    %dma_start3A_138 = arith.constant 0 : i32
    %dma_start3A_139 = tpu.memref_slice %arg9[%dma_start3A_137, %dma_start3A_138] : memref<10112x32xf32, #tpu.memory_space<vmem_shared>> -> memref<10112x32xf32, #tpu.memory_space<vmem_shared>>
    %dma_start3A_140 = tpu.memref_slice %arg11[%dma_start3A_129] : memref<4x!tpu.dma_semaphore, #tpu.memory_space<semaphore_mem>> -> memref<1x!tpu.dma_semaphore, #tpu.memory_space<semaphore_mem>>
    %dma_start3A_141 = tpu.memref_squeeze %dma_start3A_140 : memref<1x!tpu.dma_semaphore, #tpu.memory_space<semaphore_mem>> -> memref<!tpu.dma_semaphore, #tpu.memory_space<semaphore_mem>>
    tpu.enqueue_indirect_dma source(%dma_start3A_133 : memref<200x32xf32, #tpu.memory_space<vmem>>) target(%dma_start3A_139 : memref<10112x32xf32, #tpu.memory_space<vmem_shared>>) offsets(%dma_start3A_136 : memref<200xi32, #tpu.memory_space<vmem>>) semaphore(%dma_start3A_141 : memref<!tpu.dma_semaphore, #tpu.memory_space<semaphore_mem>>) {add = true}
    %dma_wait3A_142 = arith.constant 1 : i32
    %dma_wait3A_143 = arith.constant 0 : i32
    %dma_wait3A_144 = arith.constant 1 : i32
    %dma_wait3A_145 = arith.constant 0 : i32
    %dma_wait3A_146 = arith.constant 0 : i32
    %dma_wait3A_147 = tpu.memref_slice %arg8[%dma_wait3A_142, %dma_wait3A_145, %dma_wait3A_146] : memref<4x200x32xf32, #tpu.memory_space<vmem>> -> memref<1x200x32xf32, #tpu.memory_space<vmem>>
    %dma_wait3A_148 = tpu.memref_squeeze %dma_wait3A_147 : memref<1x200x32xf32, #tpu.memory_space<vmem>> -> memref<200x32xf32, #tpu.memory_space<vmem>>
    %dma_wait3A_149 = arith.constant 0 : i32
    %dma_wait3A_150 = tpu.memref_slice %arg7[%dma_wait3A_143, %dma_wait3A_149] : memref<50x200xi32, #tpu.memory_space<vmem>> -> memref<1x200xi32, #tpu.memory_space<vmem>>
    %dma_wait3A_151 = tpu.memref_squeeze %dma_wait3A_150 : memref<1x200xi32, #tpu.memory_space<vmem>> -> memref<200xi32, #tpu.memory_space<vmem>>
    %dma_wait3A_152 = arith.constant 0 : i32
    %dma_wait3A_153 = arith.constant 0 : i32
    %dma_wait3A_154 = tpu.memref_slice %arg9[%dma_wait3A_152, %dma_wait3A_153] : memref<10112x32xf32, #tpu.memory_space<vmem_shared>> -> memref<10112x32xf32, #tpu.memory_space<vmem_shared>>
    %dma_wait3A_155 = tpu.memref_slice %arg11[%dma_wait3A_144] : memref<4x!tpu.dma_semaphore, #tpu.memory_space<semaphore_mem>> -> memref<1x!tpu.dma_semaphore, #tpu.memory_space<semaphore_mem>>
    %dma_wait3A_156 = tpu.memref_squeeze %dma_wait3A_155 : memref<1x!tpu.dma_semaphore, #tpu.memory_space<semaphore_mem>> -> memref<!tpu.dma_semaphore, #tpu.memory_space<semaphore_mem>>
    tpu.wait_indirect_dma semaphore(%dma_wait3A_156 : memref<!tpu.dma_semaphore, #tpu.memory_space<semaphore_mem>>) src(%dma_wait3A_148 : memref<200x32xf32, #tpu.memory_space<vmem>>) dst(%dma_wait3A_154 : memref<10112x32xf32, #tpu.memory_space<vmem_shared>>)
    %barrier3A_157 = arith.constant 0 : index
    tpu.barrier barrier_id(%barrier3A_157)
    "tpu.region"() ({
      %run_scoped3A = tpu.sem_alloc : memref<!tpu.dma_semaphore, #tpu.memory_space<semaphore_mem>>
      %dma_start3A_158 = arith.constant 0 : i32
      %dma_start3A_159 = tpu.memref_slice %arg5[%arg0, %mul3A_2, %dma_start3A_158] : memref<2x10112x32xf32, #tpu.memory_space<hbm>> -> memref<1x632x32xf32, #tpu.memory_space<hbm>>
      %dma_start3A_160 = tpu.memref_squeeze %dma_start3A_159 : memref<1x632x32xf32, #tpu.memory_space<hbm>> -> memref<632x32xf32, #tpu.memory_space<hbm>>
      %dma_start3A_161 = arith.constant 0 : i32
      %dma_start3A_162 = tpu.memref_slice %arg9[%mul3A_2, %dma_start3A_161] : memref<10112x32xf32, #tpu.memory_space<vmem_shared>> -> memref<632x32xf32, #tpu.memory_space<vmem_shared>>
      tpu.enqueue_dma source(%dma_start3A_162 : memref<632x32xf32, #tpu.memory_space<vmem_shared>>) target(%dma_start3A_160 : memref<632x32xf32, #tpu.memory_space<hbm>>) target_semaphore(%run_scoped3A : memref<!tpu.dma_semaphore, #tpu.memory_space<semaphore_mem>>)
      %dma_wait3A_163 = arith.constant 0 : i32
      %dma_wait3A_164 = tpu.memref_slice %arg5[%arg0, %mul3A_2, %dma_wait3A_163] : memref<2x10112x32xf32, #tpu.memory_space<hbm>> -> memref<1x632x32xf32, #tpu.memory_space<hbm>>
      %dma_wait3A_165 = tpu.memref_squeeze %dma_wait3A_164 : memref<1x632x32xf32, #tpu.memory_space<hbm>> -> memref<632x32xf32, #tpu.memory_space<hbm>>
      %dma_wait3A_166 = arith.constant 0 : i32
      %dma_wait3A_167 = tpu.memref_slice %arg9[%mul3A_2, %dma_wait3A_166] : memref<10112x32xf32, #tpu.memory_space<vmem_shared>> -> memref<632x32xf32, #tpu.memory_space<vmem_shared>>
      tpu.wait_dma2 semaphore(%run_scoped3A : memref<!tpu.dma_semaphore, #tpu.memory_space<semaphore_mem>>) src(%dma_wait3A_167 : memref<632x32xf32, #tpu.memory_space<vmem_shared>>) dst(%dma_wait3A_165 : memref<632x32xf32, #tpu.memory_space<hbm>>)
      tpu.yield
    }) : () -> ()
    return
  }
}

#map = affine_map<(d0, d1) -> (0, 0)>
#map1 = affine_map<(d0, d1) -> (0, 0, 0)>
module attributes {stable_mosaic.version = 14 : i64} {
  func.func @k(%arg0: i32, %arg1: i32, %arg2: memref<10000x64xf32, #tpu.memory_space<hbm>>, %arg3: memref<64x50x200xi32, #tpu.memory_space<hbm>>, %arg4: memref<10112x64xf32, #tpu.memory_space<hbm>>, %arg5: memref<2x10112x64xf32, #tpu.memory_space<hbm>>, %arg6: memref<50x200xi32, #tpu.memory_space<vmem>>, %arg7: memref<50x200xi32, #tpu.memory_space<vmem>>, %arg8: memref<4x200x64xf32, #tpu.memory_space<vmem>>, %arg9: memref<10112x64xf32, #tpu.memory_space<vmem_shared>>, %arg10: memref<4x!tpu.dma_semaphore, #tpu.memory_space<semaphore_mem>>, %arg11: memref<4x!tpu.dma_semaphore, #tpu.memory_space<semaphore_mem>>) attributes {dimension_semantics = [#tpu.dimension_semantics<core_parallel>, #tpu.dimension_semantics<subcore_parallel>], iteration_bounds = array<i64: 2, 16>, scalar_prefetch = 0 : i64, scratch_operands = 6 : i64, tpu.core_type = #tpu.core_type<sc_vector_subcore>, window_params = [{transform_indices = #map}, {transform_indices = #map1}, {transform_indices = #map}, {transform_indices = #map1}]} {
    %mul3A = arith.constant 2 : i32
    %mul3A_0 = arith.muli %arg1, %mul3A : i32
    %add3A = arith.addi %mul3A_0, %arg0 : i32
    %mul3A_1 = arith.constant 632 : i32
    %mul3A_2 = arith.muli %arg1, %mul3A_1 : i32
    "tpu.region"() ({
      %run_scoped3A = tpu.sem_alloc : memref<!tpu.dma_semaphore, #tpu.memory_space<semaphore_mem>>
      %dma_start3A_158 = arith.constant 0 : i32
      %dma_start3A_159 = tpu.memref_slice %arg9[%mul3A_2, %dma_start3A_158] : memref<10112x64xf32, #tpu.memory_space<vmem_shared>> -> memref<632x64xf32, #tpu.memory_space<vmem_shared>>
      %dma_start3A_160 = arith.constant 0 : i32
      %dma_start3A_161 = tpu.memref_slice %arg4[%mul3A_2, %dma_start3A_160] : memref<10112x64xf32, #tpu.memory_space<hbm>> -> memref<632x64xf32, #tpu.memory_space<hbm>>
      tpu.enqueue_dma source(%dma_start3A_161 : memref<632x64xf32, #tpu.memory_space<hbm>>) target(%dma_start3A_159 : memref<632x64xf32, #tpu.memory_space<vmem_shared>>) target_semaphore(%run_scoped3A : memref<!tpu.dma_semaphore, #tpu.memory_space<semaphore_mem>>)
      %dma_wait3A_162 = arith.constant 0 : i32
      %dma_wait3A_163 = tpu.memref_slice %arg9[%mul3A_2, %dma_wait3A_162] : memref<10112x64xf32, #tpu.memory_space<vmem_shared>> -> memref<632x64xf32, #tpu.memory_space<vmem_shared>>
      %dma_wait3A_164 = arith.constant 0 : i32
      %dma_wait3A_165 = tpu.memref_slice %arg4[%mul3A_2, %dma_wait3A_164] : memref<10112x64xf32, #tpu.memory_space<hbm>> -> memref<632x64xf32, #tpu.memory_space<hbm>>
      tpu.wait_dma2 semaphore(%run_scoped3A : memref<!tpu.dma_semaphore, #tpu.memory_space<semaphore_mem>>) src(%dma_wait3A_165 : memref<632x64xf32, #tpu.memory_space<hbm>>) dst(%dma_wait3A_163 : memref<632x64xf32, #tpu.memory_space<vmem_shared>>)
      tpu.yield
    }) : () -> ()
    "tpu.region"() ({
      %run_scoped3A = tpu.sem_alloc : memref<!tpu.dma_semaphore, #tpu.memory_space<semaphore_mem>>
      %dma_start3A_158 = arith.constant 0 : i32
      %dma_start3A_159 = arith.constant 0 : i32
      %dma_start3A_160 = tpu.memref_slice %arg3[%add3A, %dma_start3A_158, %dma_start3A_159] : memref<64x50x200xi32, #tpu.memory_space<hbm>> -> memref<1x50x200xi32, #tpu.memory_space<hbm>>
      %dma_start3A_161 = tpu.memref_squeeze %dma_start3A_160 : memref<1x50x200xi32, #tpu.memory_space<hbm>> -> memref<50x200xi32, #tpu.memory_space<hbm>>
      %dma_start3A_162 = arith.constant 0 : i32
      %dma_start3A_163 = arith.constant 0 : i32
      %dma_start3A_164 = tpu.memref_slice %arg3[%add3A, %dma_start3A_162, %dma_start3A_163] : memref<64x50x200xi32, #tpu.memory_space<hbm>> -> memref<1x50x200xi32, #tpu.memory_space<hbm>>
      %dma_start3A_165 = tpu.memref_squeeze %dma_start3A_164 : memref<1x50x200xi32, #tpu.memory_space<hbm>> -> memref<50x200xi32, #tpu.memory_space<hbm>>
      tpu.enqueue_dma source(%dma_start3A_165 : memref<50x200xi32, #tpu.memory_space<hbm>>) target(%arg6 : memref<50x200xi32, #tpu.memory_space<vmem>>) target_semaphore(%run_scoped3A : memref<!tpu.dma_semaphore, #tpu.memory_space<semaphore_mem>>)
      %dma_wait3A_166 = arith.constant 0 : i32
      %dma_wait3A_167 = arith.constant 0 : i32
      %dma_wait3A_168 = tpu.memref_slice %arg3[%add3A, %dma_wait3A_166, %dma_wait3A_167] : memref<64x50x200xi32, #tpu.memory_space<hbm>> -> memref<1x50x200xi32, #tpu.memory_space<hbm>>
      %dma_wait3A_169 = tpu.memref_squeeze %dma_wait3A_168 : memref<1x50x200xi32, #tpu.memory_space<hbm>> -> memref<50x200xi32, #tpu.memory_space<hbm>>
      %dma_wait3A_170 = arith.constant 0 : i32
      %dma_wait3A_171 = arith.constant 0 : i32
      %dma_wait3A_172 = tpu.memref_slice %arg3[%add3A, %dma_wait3A_170, %dma_wait3A_171] : memref<64x50x200xi32, #tpu.memory_space<hbm>> -> memref<1x50x200xi32, #tpu.memory_space<hbm>>
      %dma_wait3A_173 = tpu.memref_squeeze %dma_wait3A_172 : memref<1x50x200xi32, #tpu.memory_space<hbm>> -> memref<50x200xi32, #tpu.memory_space<hbm>>
      tpu.wait_dma2 semaphore(%run_scoped3A : memref<!tpu.dma_semaphore, #tpu.memory_space<semaphore_mem>>) src(%dma_wait3A_173 : memref<50x200xi32, #tpu.memory_space<hbm>>) dst(%arg6 : memref<50x200xi32, #tpu.memory_space<vmem>>)
      tpu.yield
    }) : () -> ()
    %add3A_3 = arith.constant 32 : i32
    %add3A_4 = arith.addi %add3A_3, %add3A : i32
    "tpu.region"() ({
      %run_scoped3A = tpu.sem_alloc : memref<!tpu.dma_semaphore, #tpu.memory_space<semaphore_mem>>
      %dma_start3A_158 = arith.constant 0 : i32
      %dma_start3A_159 = arith.constant 0 : i32
      %dma_start3A_160 = tpu.memref_slice %arg3[%add3A_4, %dma_start3A_158, %dma_start3A_159] : memref<64x50x200xi32, #tpu.memory_space<hbm>> -> memref<1x50x200xi32, #tpu.memory_space<hbm>>
      %dma_start3A_161 = tpu.memref_squeeze %dma_start3A_160 : memref<1x50x200xi32, #tpu.memory_space<hbm>> -> memref<50x200xi32, #tpu.memory_space<hbm>>
      %dma_start3A_162 = arith.constant 0 : i32
      %dma_start3A_163 = arith.constant 0 : i32
      %dma_start3A_164 = tpu.memref_slice %arg3[%add3A_4, %dma_start3A_162, %dma_start3A_163] : memref<64x50x200xi32, #tpu.memory_space<hbm>> -> memref<1x50x200xi32, #tpu.memory_space<hbm>>
      %dma_start3A_165 = tpu.memref_squeeze %dma_start3A_164 : memref<1x50x200xi32, #tpu.memory_space<hbm>> -> memref<50x200xi32, #tpu.memory_space<hbm>>
      tpu.enqueue_dma source(%dma_start3A_165 : memref<50x200xi32, #tpu.memory_space<hbm>>) target(%arg7 : memref<50x200xi32, #tpu.memory_space<vmem>>) target_semaphore(%run_scoped3A : memref<!tpu.dma_semaphore, #tpu.memory_space<semaphore_mem>>)
      %dma_wait3A_166 = arith.constant 0 : i32
      %dma_wait3A_167 = arith.constant 0 : i32
      %dma_wait3A_168 = tpu.memref_slice %arg3[%add3A_4, %dma_wait3A_166, %dma_wait3A_167] : memref<64x50x200xi32, #tpu.memory_space<hbm>> -> memref<1x50x200xi32, #tpu.memory_space<hbm>>
      %dma_wait3A_169 = tpu.memref_squeeze %dma_wait3A_168 : memref<1x50x200xi32, #tpu.memory_space<hbm>> -> memref<50x200xi32, #tpu.memory_space<hbm>>
      %dma_wait3A_170 = arith.constant 0 : i32
      %dma_wait3A_171 = arith.constant 0 : i32
      %dma_wait3A_172 = tpu.memref_slice %arg3[%add3A_4, %dma_wait3A_170, %dma_wait3A_171] : memref<64x50x200xi32, #tpu.memory_space<hbm>> -> memref<1x50x200xi32, #tpu.memory_space<hbm>>
      %dma_wait3A_173 = tpu.memref_squeeze %dma_wait3A_172 : memref<1x50x200xi32, #tpu.memory_space<hbm>> -> memref<50x200xi32, #tpu.memory_space<hbm>>
      tpu.wait_dma2 semaphore(%run_scoped3A : memref<!tpu.dma_semaphore, #tpu.memory_space<semaphore_mem>>) src(%dma_wait3A_173 : memref<50x200xi32, #tpu.memory_space<hbm>>) dst(%arg7 : memref<50x200xi32, #tpu.memory_space<vmem>>)
      tpu.yield
    }) : () -> ()
    %barrier3A = arith.constant 0 : index
    tpu.barrier barrier_id(%barrier3A)
    %dma_start3A = arith.constant 0 : i32
    %dma_start3A_5 = arith.constant 0 : i32
    %dma_start3A_6 = arith.constant 0 : i32
    %dma_start3A_7 = arith.constant 0 : i32
    %dma_start3A_8 = arith.constant 0 : i32
    %dma_start3A_9 = tpu.memref_slice %arg8[%dma_start3A_5, %dma_start3A_7, %dma_start3A_8] : memref<4x200x64xf32, #tpu.memory_space<vmem>> -> memref<1x200x64xf32, #tpu.memory_space<vmem>>
    %dma_start3A_10 = tpu.memref_squeeze %dma_start3A_9 : memref<1x200x64xf32, #tpu.memory_space<vmem>> -> memref<200x64xf32, #tpu.memory_space<vmem>>
    %dma_start3A_11 = arith.constant 0 : i32
    %dma_start3A_12 = tpu.memref_slice %arg6[%dma_start3A, %dma_start3A_11] : memref<50x200xi32, #tpu.memory_space<vmem>> -> memref<1x200xi32, #tpu.memory_space<vmem>>
    %dma_start3A_13 = tpu.memref_squeeze %dma_start3A_12 : memref<1x200xi32, #tpu.memory_space<vmem>> -> memref<200xi32, #tpu.memory_space<vmem>>
    %dma_start3A_14 = arith.constant 0 : i32
    %dma_start3A_15 = arith.constant 0 : i32
    %dma_start3A_16 = tpu.memref_slice %arg2[%dma_start3A_14, %dma_start3A_15] : memref<10000x64xf32, #tpu.memory_space<hbm>> -> memref<10000x64xf32, #tpu.memory_space<hbm>>
    %dma_start3A_17 = tpu.memref_slice %arg10[%dma_start3A_6] : memref<4x!tpu.dma_semaphore, #tpu.memory_space<semaphore_mem>> -> memref<1x!tpu.dma_semaphore, #tpu.memory_space<semaphore_mem>>
    %dma_start3A_18 = tpu.memref_squeeze %dma_start3A_17 : memref<1x!tpu.dma_semaphore, #tpu.memory_space<semaphore_mem>> -> memref<!tpu.dma_semaphore, #tpu.memory_space<semaphore_mem>>
    tpu.enqueue_indirect_dma source(%dma_start3A_16 : memref<10000x64xf32, #tpu.memory_space<hbm>>) target(%dma_start3A_10 : memref<200x64xf32, #tpu.memory_space<vmem>>) offsets(%dma_start3A_13 : memref<200xi32, #tpu.memory_space<vmem>>) semaphore(%dma_start3A_18 : memref<!tpu.dma_semaphore, #tpu.memory_space<semaphore_mem>>)
    %dma_start3A_19 = arith.constant 1 : i32
    %dma_start3A_20 = arith.constant 1 : i32
    %dma_start3A_21 = arith.constant 1 : i32
    %dma_start3A_22 = arith.constant 0 : i32
    %dma_start3A_23 = arith.constant 0 : i32
    %dma_start3A_24 = tpu.memref_slice %arg8[%dma_start3A_20, %dma_start3A_22, %dma_start3A_23] : memref<4x200x64xf32, #tpu.memory_space<vmem>> -> memref<1x200x64xf32, #tpu.memory_space<vmem>>
    %dma_start3A_25 = tpu.memref_squeeze %dma_start3A_24 : memref<1x200x64xf32, #tpu.memory_space<vmem>> -> memref<200x64xf32, #tpu.memory_space<vmem>>
    %dma_start3A_26 = arith.constant 0 : i32
    %dma_start3A_27 = tpu.memref_slice %arg6[%dma_start3A_19, %dma_start3A_26] : memref<50x200xi32, #tpu.memory_space<vmem>> -> memref<1x200xi32, #tpu.memory_space<vmem>>
    %dma_start3A_28 = tpu.memref_squeeze %dma_start3A_27 : memref<1x200xi32, #tpu.memory_space<vmem>> -> memref<200xi32, #tpu.memory_space<vmem>>
    %dma_start3A_29 = arith.constant 0 : i32
    %dma_start3A_30 = arith.constant 0 : i32
    %dma_start3A_31 = tpu.memref_slice %arg2[%dma_start3A_29, %dma_start3A_30] : memref<10000x64xf32, #tpu.memory_space<hbm>> -> memref<10000x64xf32, #tpu.memory_space<hbm>>
    %dma_start3A_32 = tpu.memref_slice %arg10[%dma_start3A_21] : memref<4x!tpu.dma_semaphore, #tpu.memory_space<semaphore_mem>> -> memref<1x!tpu.dma_semaphore, #tpu.memory_space<semaphore_mem>>
    %dma_start3A_33 = tpu.memref_squeeze %dma_start3A_32 : memref<1x!tpu.dma_semaphore, #tpu.memory_space<semaphore_mem>> -> memref<!tpu.dma_semaphore, #tpu.memory_space<semaphore_mem>>
    tpu.enqueue_indirect_dma source(%dma_start3A_31 : memref<10000x64xf32, #tpu.memory_space<hbm>>) target(%dma_start3A_25 : memref<200x64xf32, #tpu.memory_space<vmem>>) offsets(%dma_start3A_28 : memref<200xi32, #tpu.memory_space<vmem>>) semaphore(%dma_start3A_33 : memref<!tpu.dma_semaphore, #tpu.memory_space<semaphore_mem>>)
    %dma_start3A_34 = arith.constant 2 : i32
    %dma_start3A_35 = arith.constant 2 : i32
    %dma_start3A_36 = arith.constant 2 : i32
    %dma_start3A_37 = arith.constant 0 : i32
    %dma_start3A_38 = arith.constant 0 : i32
    %dma_start3A_39 = tpu.memref_slice %arg8[%dma_start3A_35, %dma_start3A_37, %dma_start3A_38] : memref<4x200x64xf32, #tpu.memory_space<vmem>> -> memref<1x200x64xf32, #tpu.memory_space<vmem>>
    %dma_start3A_40 = tpu.memref_squeeze %dma_start3A_39 : memref<1x200x64xf32, #tpu.memory_space<vmem>> -> memref<200x64xf32, #tpu.memory_space<vmem>>
    %dma_start3A_41 = arith.constant 0 : i32
    %dma_start3A_42 = tpu.memref_slice %arg6[%dma_start3A_34, %dma_start3A_41] : memref<50x200xi32, #tpu.memory_space<vmem>> -> memref<1x200xi32, #tpu.memory_space<vmem>>
    %dma_start3A_43 = tpu.memref_squeeze %dma_start3A_42 : memref<1x200xi32, #tpu.memory_space<vmem>> -> memref<200xi32, #tpu.memory_space<vmem>>
    %dma_start3A_44 = arith.constant 0 : i32
    %dma_start3A_45 = arith.constant 0 : i32
    %dma_start3A_46 = tpu.memref_slice %arg2[%dma_start3A_44, %dma_start3A_45] : memref<10000x64xf32, #tpu.memory_space<hbm>> -> memref<10000x64xf32, #tpu.memory_space<hbm>>
    %dma_start3A_47 = tpu.memref_slice %arg10[%dma_start3A_36] : memref<4x!tpu.dma_semaphore, #tpu.memory_space<semaphore_mem>> -> memref<1x!tpu.dma_semaphore, #tpu.memory_space<semaphore_mem>>
    %dma_start3A_48 = tpu.memref_squeeze %dma_start3A_47 : memref<1x!tpu.dma_semaphore, #tpu.memory_space<semaphore_mem>> -> memref<!tpu.dma_semaphore, #tpu.memory_space<semaphore_mem>>
    tpu.enqueue_indirect_dma source(%dma_start3A_46 : memref<10000x64xf32, #tpu.memory_space<hbm>>) target(%dma_start3A_40 : memref<200x64xf32, #tpu.memory_space<vmem>>) offsets(%dma_start3A_43 : memref<200xi32, #tpu.memory_space<vmem>>) semaphore(%dma_start3A_48 : memref<!tpu.dma_semaphore, #tpu.memory_space<semaphore_mem>>)
    %scan3A = arith.constant 0 : i32
    %scan3A_49 = arith.constant 12 : i32
    %scan3A_50 = arith.addi %scan3A, %scan3A_49 : i32
    %scan3A_51 = arith.constant 1 : i32
    scf.for %scan3A_158 = %scan3A to %scan3A_50 step %scan3A_51  : i32 {
      %mul3A_159 = arith.constant 1 : i32
      %mul3A_160 = arith.muli %scan3A_158, %mul3A_159 : i32
      %add3A_161 = arith.constant 0 : i32
      %add3A_162 = arith.addi %add3A_161, %mul3A_160 : i32
      %mul3A_163 = arith.constant 4 : i32
      %mul3A_164 = arith.muli %add3A_162, %mul3A_163 : i32
      %add3A_165 = arith.constant 0 : i32
      %add3A_166 = arith.addi %mul3A_164, %add3A_165 : i32
      %gt3A = arith.constant 0 : i32
      %gt3A_167 = arith.cmpi sgt, %add3A_162, %gt3A : i32
      %convert_element_type3A = arith.extui %gt3A_167 : i1 to i32
      %cond3A = arith.constant 0 : i32
      %cond3A_168 = arith.cmpi ne, %convert_element_type3A, %cond3A : i32
      scf.if %cond3A_168 {
        %dma_wait3A_331 = arith.constant 0 : i32
        %dma_wait3A_332 = arith.constant 0 : i32
        %dma_wait3A_333 = arith.constant 0 : i32
        %dma_wait3A_334 = arith.constant 0 : i32
        %dma_wait3A_335 = tpu.memref_slice %arg8[%dma_wait3A_331, %dma_wait3A_333, %dma_wait3A_334] : memref<4x200x64xf32, #tpu.memory_space<vmem>> -> memref<1x200x64xf32, #tpu.memory_space<vmem>>
        %dma_wait3A_336 = tpu.memref_squeeze %dma_wait3A_335 : memref<1x200x64xf32, #tpu.memory_space<vmem>> -> memref<200x64xf32, #tpu.memory_space<vmem>>
        %dma_wait3A_337 = arith.constant 0 : i32
        %dma_wait3A_338 = tpu.memref_slice %arg6[%add3A_166, %dma_wait3A_337] : memref<50x200xi32, #tpu.memory_space<vmem>> -> memref<1x200xi32, #tpu.memory_space<vmem>>
        %dma_wait3A_339 = tpu.memref_squeeze %dma_wait3A_338 : memref<1x200xi32, #tpu.memory_space<vmem>> -> memref<200xi32, #tpu.memory_space<vmem>>
        %dma_wait3A_340 = arith.constant 0 : i32
        %dma_wait3A_341 = arith.constant 0 : i32
        %dma_wait3A_342 = tpu.memref_slice %arg2[%dma_wait3A_340, %dma_wait3A_341] : memref<10000x64xf32, #tpu.memory_space<hbm>> -> memref<10000x64xf32, #tpu.memory_space<hbm>>
        %dma_wait3A_343 = tpu.memref_slice %arg10[%dma_wait3A_332] : memref<4x!tpu.dma_semaphore, #tpu.memory_space<semaphore_mem>> -> memref<1x!tpu.dma_semaphore, #tpu.memory_space<semaphore_mem>>
        %dma_wait3A_344 = tpu.memref_squeeze %dma_wait3A_343 : memref<1x!tpu.dma_semaphore, #tpu.memory_space<semaphore_mem>> -> memref<!tpu.dma_semaphore, #tpu.memory_space<semaphore_mem>>
        tpu.wait_indirect_dma semaphore(%dma_wait3A_344 : memref<!tpu.dma_semaphore, #tpu.memory_space<semaphore_mem>>) src(%dma_wait3A_342 : memref<10000x64xf32, #tpu.memory_space<hbm>>) dst(%dma_wait3A_336 : memref<200x64xf32, #tpu.memory_space<vmem>>)
        %dma_wait3A_345 = arith.constant 3 : i32
        %dma_wait3A_346 = arith.constant 3 : i32
        %dma_wait3A_347 = arith.constant 0 : i32
        %dma_wait3A_348 = arith.constant 0 : i32
        %dma_wait3A_349 = tpu.memref_slice %arg8[%dma_wait3A_345, %dma_wait3A_347, %dma_wait3A_348] : memref<4x200x64xf32, #tpu.memory_space<vmem>> -> memref<1x200x64xf32, #tpu.memory_space<vmem>>
        %dma_wait3A_350 = tpu.memref_squeeze %dma_wait3A_349 : memref<1x200x64xf32, #tpu.memory_space<vmem>> -> memref<200x64xf32, #tpu.memory_space<vmem>>
        %dma_wait3A_351 = arith.constant 0 : i32
        %dma_wait3A_352 = tpu.memref_slice %arg7[%add3A_166, %dma_wait3A_351] : memref<50x200xi32, #tpu.memory_space<vmem>> -> memref<1x200xi32, #tpu.memory_space<vmem>>
        %dma_wait3A_353 = tpu.memref_squeeze %dma_wait3A_352 : memref<1x200xi32, #tpu.memory_space<vmem>> -> memref<200xi32, #tpu.memory_space<vmem>>
        %dma_wait3A_354 = arith.constant 0 : i32
        %dma_wait3A_355 = arith.constant 0 : i32
        %dma_wait3A_356 = tpu.memref_slice %arg9[%dma_wait3A_354, %dma_wait3A_355] : memref<10112x64xf32, #tpu.memory_space<vmem_shared>> -> memref<10112x64xf32, #tpu.memory_space<vmem_shared>>
        %dma_wait3A_357 = tpu.memref_slice %arg11[%dma_wait3A_346] : memref<4x!tpu.dma_semaphore, #tpu.memory_space<semaphore_mem>> -> memref<1x!tpu.dma_semaphore, #tpu.memory_space<semaphore_mem>>
        %dma_wait3A_358 = tpu.memref_squeeze %dma_wait3A_357 : memref<1x!tpu.dma_semaphore, #tpu.memory_space<semaphore_mem>> -> memref<!tpu.dma_semaphore, #tpu.memory_space<semaphore_mem>>
        tpu.wait_indirect_dma semaphore(%dma_wait3A_358 : memref<!tpu.dma_semaphore, #tpu.memory_space<semaphore_mem>>) src(%dma_wait3A_350 : memref<200x64xf32, #tpu.memory_space<vmem>>) dst(%dma_wait3A_356 : memref<10112x64xf32, #tpu.memory_space<vmem_shared>>)
        %dma_start3A_359 = arith.constant 0 : i32
        %dma_start3A_360 = arith.constant 0 : i32
        %dma_start3A_361 = arith.constant 0 : i32
        %dma_start3A_362 = arith.constant 0 : i32
        %dma_start3A_363 = tpu.memref_slice %arg8[%dma_start3A_359, %dma_start3A_361, %dma_start3A_362] : memref<4x200x64xf32, #tpu.memory_space<vmem>> -> memref<1x200x64xf32, #tpu.memory_space<vmem>>
        %dma_start3A_364 = tpu.memref_squeeze %dma_start3A_363 : memref<1x200x64xf32, #tpu.memory_space<vmem>> -> memref<200x64xf32, #tpu.memory_space<vmem>>
        %dma_start3A_365 = arith.constant 0 : i32
        %dma_start3A_366 = tpu.memref_slice %arg7[%add3A_166, %dma_start3A_365] : memref<50x200xi32, #tpu.memory_space<vmem>> -> memref<1x200xi32, #tpu.memory_space<vmem>>
        %dma_start3A_367 = tpu.memref_squeeze %dma_start3A_366 : memref<1x200xi32, #tpu.memory_space<vmem>> -> memref<200xi32, #tpu.memory_space<vmem>>
        %dma_start3A_368 = arith.constant 0 : i32
        %dma_start3A_369 = arith.constant 0 : i32
        %dma_start3A_370 = tpu.memref_slice %arg9[%dma_start3A_368, %dma_start3A_369] : memref<10112x64xf32, #tpu.memory_space<vmem_shared>> -> memref<10112x64xf32, #tpu.memory_space<vmem_shared>>
        %dma_start3A_371 = tpu.memref_slice %arg11[%dma_start3A_360] : memref<4x!tpu.dma_semaphore, #tpu.memory_space<semaphore_mem>> -> memref<1x!tpu.dma_semaphore, #tpu.memory_space<semaphore_mem>>
        %dma_start3A_372 = tpu.memref_squeeze %dma_start3A_371 : memref<1x!tpu.dma_semaphore, #tpu.memory_space<semaphore_mem>> -> memref<!tpu.dma_semaphore, #tpu.memory_space<semaphore_mem>>
        tpu.enqueue_indirect_dma source(%dma_start3A_364 : memref<200x64xf32, #tpu.memory_space<vmem>>) target(%dma_start3A_370 : memref<10112x64xf32, #tpu.memory_space<vmem_shared>>) offsets(%dma_start3A_367 : memref<200xi32, #tpu.memory_space<vmem>>) semaphore(%dma_start3A_372 : memref<!tpu.dma_semaphore, #tpu.memory_space<semaphore_mem>>) {add = true}
        %add3A_373 = arith.constant 3 : i32
        %add3A_374 = arith.addi %add3A_166, %add3A_373 : i32
        %lt3A_375 = arith.constant 50 : i32
        %lt3A_376 = arith.cmpi slt, %add3A_374, %lt3A_375 : i32
        %convert_element_type3A_377 = arith.extui %lt3A_376 : i1 to i32
        %cond3A_378 = arith.constant 0 : i32
        %cond3A_379 = arith.cmpi ne, %convert_element_type3A_377, %cond3A_378 : i32
        scf.if %cond3A_379 {
          %dma_start3A_380 = arith.constant 3 : i32
          %dma_start3A_381 = arith.constant 3 : i32
          %dma_start3A_382 = arith.constant 0 : i32
          %dma_start3A_383 = arith.constant 0 : i32
          %dma_start3A_384 = tpu.memref_slice %arg8[%dma_start3A_380, %dma_start3A_382, %dma_start3A_383] : memref<4x200x64xf32, #tpu.memory_space<vmem>> -> memref<1x200x64xf32, #tpu.memory_space<vmem>>
          %dma_start3A_385 = tpu.memref_squeeze %dma_start3A_384 : memref<1x200x64xf32, #tpu.memory_space<vmem>> -> memref<200x64xf32, #tpu.memory_space<vmem>>
          %dma_start3A_386 = arith.constant 0 : i32
          %dma_start3A_387 = tpu.memref_slice %arg6[%add3A_374, %dma_start3A_386] : memref<50x200xi32, #tpu.memory_space<vmem>> -> memref<1x200xi32, #tpu.memory_space<vmem>>
          %dma_start3A_388 = tpu.memref_squeeze %dma_start3A_387 : memref<1x200xi32, #tpu.memory_space<vmem>> -> memref<200xi32, #tpu.memory_space<vmem>>
          %dma_start3A_389 = arith.constant 0 : i32
          %dma_start3A_390 = arith.constant 0 : i32
          %dma_start3A_391 = tpu.memref_slice %arg2[%dma_start3A_389, %dma_start3A_390] : memref<10000x64xf32, #tpu.memory_space<hbm>> -> memref<10000x64xf32, #tpu.memory_space<hbm>>
          %dma_start3A_392 = tpu.memref_slice %arg10[%dma_start3A_381] : memref<4x!tpu.dma_semaphore, #tpu.memory_space<semaphore_mem>> -> memref<1x!tpu.dma_semaphore, #tpu.memory_space<semaphore_mem>>
          %dma_start3A_393 = tpu.memref_squeeze %dma_start3A_392 : memref<1x!tpu.dma_semaphore, #tpu.memory_space<semaphore_mem>> -> memref<!tpu.dma_semaphore, #tpu.memory_space<semaphore_mem>>
          tpu.enqueue_indirect_dma source(%dma_start3A_391 : memref<10000x64xf32, #tpu.memory_space<hbm>>) target(%dma_start3A_385 : memref<200x64xf32, #tpu.memory_space<vmem>>) offsets(%dma_start3A_388 : memref<200xi32, #tpu.memory_space<vmem>>) semaphore(%dma_start3A_393 : memref<!tpu.dma_semaphore, #tpu.memory_space<semaphore_mem>>)
        } else {
        }
      } else {
      }
      %eq3A = arith.constant 0 : i32
      %eq3A_169 = arith.cmpi eq, %add3A_162, %eq3A : i32
      %convert_element_type3A_170 = arith.extui %eq3A_169 : i1 to i32
      %cond3A_171 = arith.constant 0 : i32
      %cond3A_172 = arith.cmpi ne, %convert_element_type3A_170, %cond3A_171 : i32
      scf.if %cond3A_172 {
        %dma_wait3A_331 = arith.constant 0 : i32
        %dma_wait3A_332 = arith.constant 0 : i32
        %dma_wait3A_333 = arith.constant 0 : i32
        %dma_wait3A_334 = arith.constant 0 : i32
        %dma_wait3A_335 = tpu.memref_slice %arg8[%dma_wait3A_331, %dma_wait3A_333, %dma_wait3A_334] : memref<4x200x64xf32, #tpu.memory_space<vmem>> -> memref<1x200x64xf32, #tpu.memory_space<vmem>>
        %dma_wait3A_336 = tpu.memref_squeeze %dma_wait3A_335 : memref<1x200x64xf32, #tpu.memory_space<vmem>> -> memref<200x64xf32, #tpu.memory_space<vmem>>
        %dma_wait3A_337 = arith.constant 0 : i32
        %dma_wait3A_338 = tpu.memref_slice %arg6[%add3A_166, %dma_wait3A_337] : memref<50x200xi32, #tpu.memory_space<vmem>> -> memref<1x200xi32, #tpu.memory_space<vmem>>
        %dma_wait3A_339 = tpu.memref_squeeze %dma_wait3A_338 : memref<1x200xi32, #tpu.memory_space<vmem>> -> memref<200xi32, #tpu.memory_space<vmem>>
        %dma_wait3A_340 = arith.constant 0 : i32
        %dma_wait3A_341 = arith.constant 0 : i32
        %dma_wait3A_342 = tpu.memref_slice %arg2[%dma_wait3A_340, %dma_wait3A_341] : memref<10000x64xf32, #tpu.memory_space<hbm>> -> memref<10000x64xf32, #tpu.memory_space<hbm>>
        %dma_wait3A_343 = tpu.memref_slice %arg10[%dma_wait3A_332] : memref<4x!tpu.dma_semaphore, #tpu.memory_space<semaphore_mem>> -> memref<1x!tpu.dma_semaphore, #tpu.memory_space<semaphore_mem>>
        %dma_wait3A_344 = tpu.memref_squeeze %dma_wait3A_343 : memref<1x!tpu.dma_semaphore, #tpu.memory_space<semaphore_mem>> -> memref<!tpu.dma_semaphore, #tpu.memory_space<semaphore_mem>>
        tpu.wait_indirect_dma semaphore(%dma_wait3A_344 : memref<!tpu.dma_semaphore, #tpu.memory_space<semaphore_mem>>) src(%dma_wait3A_342 : memref<10000x64xf32, #tpu.memory_space<hbm>>) dst(%dma_wait3A_336 : memref<200x64xf32, #tpu.memory_space<vmem>>)
        %dma_start3A_345 = arith.constant 0 : i32
        %dma_start3A_346 = arith.constant 0 : i32
        %dma_start3A_347 = arith.constant 0 : i32
        %dma_start3A_348 = arith.constant 0 : i32
        %dma_start3A_349 = tpu.memref_slice %arg8[%dma_start3A_345, %dma_start3A_347, %dma_start3A_348] : memref<4x200x64xf32, #tpu.memory_space<vmem>> -> memref<1x200x64xf32, #tpu.memory_space<vmem>>
        %dma_start3A_350 = tpu.memref_squeeze %dma_start3A_349 : memref<1x200x64xf32, #tpu.memory_space<vmem>> -> memref<200x64xf32, #tpu.memory_space<vmem>>
        %dma_start3A_351 = arith.constant 0 : i32
        %dma_start3A_352 = tpu.memref_slice %arg7[%add3A_166, %dma_start3A_351] : memref<50x200xi32, #tpu.memory_space<vmem>> -> memref<1x200xi32, #tpu.memory_space<vmem>>
        %dma_start3A_353 = tpu.memref_squeeze %dma_start3A_352 : memref<1x200xi32, #tpu.memory_space<vmem>> -> memref<200xi32, #tpu.memory_space<vmem>>
        %dma_start3A_354 = arith.constant 0 : i32
        %dma_start3A_355 = arith.constant 0 : i32
        %dma_start3A_356 = tpu.memref_slice %arg9[%dma_start3A_354, %dma_start3A_355] : memref<10112x64xf32, #tpu.memory_space<vmem_shared>> -> memref<10112x64xf32, #tpu.memory_space<vmem_shared>>
        %dma_start3A_357 = tpu.memref_slice %arg11[%dma_start3A_346] : memref<4x!tpu.dma_semaphore, #tpu.memory_space<semaphore_mem>> -> memref<1x!tpu.dma_semaphore, #tpu.memory_space<semaphore_mem>>
        %dma_start3A_358 = tpu.memref_squeeze %dma_start3A_357 : memref<1x!tpu.dma_semaphore, #tpu.memory_space<semaphore_mem>> -> memref<!tpu.dma_semaphore, #tpu.memory_space<semaphore_mem>>
        tpu.enqueue_indirect_dma source(%dma_start3A_350 : memref<200x64xf32, #tpu.memory_space<vmem>>) target(%dma_start3A_356 : memref<10112x64xf32, #tpu.memory_space<vmem_shared>>) offsets(%dma_start3A_353 : memref<200xi32, #tpu.memory_space<vmem>>) semaphore(%dma_start3A_358 : memref<!tpu.dma_semaphore, #tpu.memory_space<semaphore_mem>>) {add = true}
        %add3A_359 = arith.constant 3 : i32
        %add3A_360 = arith.addi %add3A_166, %add3A_359 : i32
        %lt3A_361 = arith.constant 50 : i32
        %lt3A_362 = arith.cmpi slt, %add3A_360, %lt3A_361 : i32
        %convert_element_type3A_363 = arith.extui %lt3A_362 : i1 to i32
        %cond3A_364 = arith.constant 0 : i32
        %cond3A_365 = arith.cmpi ne, %convert_element_type3A_363, %cond3A_364 : i32
        scf.if %cond3A_365 {
          %dma_start3A_366 = arith.constant 3 : i32
          %dma_start3A_367 = arith.constant 3 : i32
          %dma_start3A_368 = arith.constant 0 : i32
          %dma_start3A_369 = arith.constant 0 : i32
          %dma_start3A_370 = tpu.memref_slice %arg8[%dma_start3A_366, %dma_start3A_368, %dma_start3A_369] : memref<4x200x64xf32, #tpu.memory_space<vmem>> -> memref<1x200x64xf32, #tpu.memory_space<vmem>>
          %dma_start3A_371 = tpu.memref_squeeze %dma_start3A_370 : memref<1x200x64xf32, #tpu.memory_space<vmem>> -> memref<200x64xf32, #tpu.memory_space<vmem>>
          %dma_start3A_372 = arith.constant 0 : i32
          %dma_start3A_373 = tpu.memref_slice %arg6[%add3A_360, %dma_start3A_372] : memref<50x200xi32, #tpu.memory_space<vmem>> -> memref<1x200xi32, #tpu.memory_space<vmem>>
          %dma_start3A_374 = tpu.memref_squeeze %dma_start3A_373 : memref<1x200xi32, #tpu.memory_space<vmem>> -> memref<200xi32, #tpu.memory_space<vmem>>
          %dma_start3A_375 = arith.constant 0 : i32
          %dma_start3A_376 = arith.constant 0 : i32
          %dma_start3A_377 = tpu.memref_slice %arg2[%dma_start3A_375, %dma_start3A_376] : memref<10000x64xf32, #tpu.memory_space<hbm>> -> memref<10000x64xf32, #tpu.memory_space<hbm>>
          %dma_start3A_378 = tpu.memref_slice %arg10[%dma_start3A_367] : memref<4x!tpu.dma_semaphore, #tpu.memory_space<semaphore_mem>> -> memref<1x!tpu.dma_semaphore, #tpu.memory_space<semaphore_mem>>
          %dma_start3A_379 = tpu.memref_squeeze %dma_start3A_378 : memref<1x!tpu.dma_semaphore, #tpu.memory_space<semaphore_mem>> -> memref<!tpu.dma_semaphore, #tpu.memory_space<semaphore_mem>>
          tpu.enqueue_indirect_dma source(%dma_start3A_377 : memref<10000x64xf32, #tpu.memory_space<hbm>>) target(%dma_start3A_371 : memref<200x64xf32, #tpu.memory_space<vmem>>) offsets(%dma_start3A_374 : memref<200xi32, #tpu.memory_space<vmem>>) semaphore(%dma_start3A_379 : memref<!tpu.dma_semaphore, #tpu.memory_space<semaphore_mem>>)
        } else {
        }
      } else {
      }
      %mul3A_173 = arith.constant 4 : i32
      %mul3A_174 = arith.muli %add3A_162, %mul3A_173 : i32
      %add3A_175 = arith.constant 1 : i32
      %add3A_176 = arith.addi %mul3A_174, %add3A_175 : i32
      %dma_wait3A_177 = arith.constant 1 : i32
      %dma_wait3A_178 = arith.constant 1 : i32
      %dma_wait3A_179 = arith.constant 0 : i32
      %dma_wait3A_180 = arith.constant 0 : i32
      %dma_wait3A_181 = tpu.memref_slice %arg8[%dma_wait3A_177, %dma_wait3A_179, %dma_wait3A_180] : memref<4x200x64xf32, #tpu.memory_space<vmem>> -> memref<1x200x64xf32, #tpu.memory_space<vmem>>
      %dma_wait3A_182 = tpu.memref_squeeze %dma_wait3A_181 : memref<1x200x64xf32, #tpu.memory_space<vmem>> -> memref<200x64xf32, #tpu.memory_space<vmem>>
      %dma_wait3A_183 = arith.constant 0 : i32
      %dma_wait3A_184 = tpu.memref_slice %arg6[%add3A_176, %dma_wait3A_183] : memref<50x200xi32, #tpu.memory_space<vmem>> -> memref<1x200xi32, #tpu.memory_space<vmem>>
      %dma_wait3A_185 = tpu.memref_squeeze %dma_wait3A_184 : memref<1x200xi32, #tpu.memory_space<vmem>> -> memref<200xi32, #tpu.memory_space<vmem>>
      %dma_wait3A_186 = arith.constant 0 : i32
      %dma_wait3A_187 = arith.constant 0 : i32
      %dma_wait3A_188 = tpu.memref_slice %arg2[%dma_wait3A_186, %dma_wait3A_187] : memref<10000x64xf32, #tpu.memory_space<hbm>> -> memref<10000x64xf32, #tpu.memory_space<hbm>>
      %dma_wait3A_189 = tpu.memref_slice %arg10[%dma_wait3A_178] : memref<4x!tpu.dma_semaphore, #tpu.memory_space<semaphore_mem>> -> memref<1x!tpu.dma_semaphore, #tpu.memory_space<semaphore_mem>>
      %dma_wait3A_190 = tpu.memref_squeeze %dma_wait3A_189 : memref<1x!tpu.dma_semaphore, #tpu.memory_space<semaphore_mem>> -> memref<!tpu.dma_semaphore, #tpu.memory_space<semaphore_mem>>
      tpu.wait_indirect_dma semaphore(%dma_wait3A_190 : memref<!tpu.dma_semaphore, #tpu.memory_space<semaphore_mem>>) src(%dma_wait3A_188 : memref<10000x64xf32, #tpu.memory_space<hbm>>) dst(%dma_wait3A_182 : memref<200x64xf32, #tpu.memory_space<vmem>>)
      %dma_wait3A_191 = arith.constant 0 : i32
      %dma_wait3A_192 = arith.constant 0 : i32
      %dma_wait3A_193 = arith.constant 0 : i32
      %dma_wait3A_194 = arith.constant 0 : i32
      %dma_wait3A_195 = tpu.memref_slice %arg8[%dma_wait3A_191, %dma_wait3A_193, %dma_wait3A_194] : memref<4x200x64xf32, #tpu.memory_space<vmem>> -> memref<1x200x64xf32, #tpu.memory_space<vmem>>
      %dma_wait3A_196 = tpu.memref_squeeze %dma_wait3A_195 : memref<1x200x64xf32, #tpu.memory_space<vmem>> -> memref<200x64xf32, #tpu.memory_space<vmem>>
      %dma_wait3A_197 = arith.constant 0 : i32
      %dma_wait3A_198 = tpu.memref_slice %arg7[%add3A_176, %dma_wait3A_197] : memref<50x200xi32, #tpu.memory_space<vmem>> -> memref<1x200xi32, #tpu.memory_space<vmem>>
      %dma_wait3A_199 = tpu.memref_squeeze %dma_wait3A_198 : memref<1x200xi32, #tpu.memory_space<vmem>> -> memref<200xi32, #tpu.memory_space<vmem>>
      %dma_wait3A_200 = arith.constant 0 : i32
      %dma_wait3A_201 = arith.constant 0 : i32
      %dma_wait3A_202 = tpu.memref_slice %arg9[%dma_wait3A_200, %dma_wait3A_201] : memref<10112x64xf32, #tpu.memory_space<vmem_shared>> -> memref<10112x64xf32, #tpu.memory_space<vmem_shared>>
      %dma_wait3A_203 = tpu.memref_slice %arg11[%dma_wait3A_192] : memref<4x!tpu.dma_semaphore, #tpu.memory_space<semaphore_mem>> -> memref<1x!tpu.dma_semaphore, #tpu.memory_space<semaphore_mem>>
      %dma_wait3A_204 = tpu.memref_squeeze %dma_wait3A_203 : memref<1x!tpu.dma_semaphore, #tpu.memory_space<semaphore_mem>> -> memref<!tpu.dma_semaphore, #tpu.memory_space<semaphore_mem>>
      tpu.wait_indirect_dma semaphore(%dma_wait3A_204 : memref<!tpu.dma_semaphore, #tpu.memory_space<semaphore_mem>>) src(%dma_wait3A_196 : memref<200x64xf32, #tpu.memory_space<vmem>>) dst(%dma_wait3A_202 : memref<10112x64xf32, #tpu.memory_space<vmem_shared>>)
      %dma_start3A_205 = arith.constant 1 : i32
      %dma_start3A_206 = arith.constant 1 : i32
      %dma_start3A_207 = arith.constant 0 : i32
      %dma_start3A_208 = arith.constant 0 : i32
      %dma_start3A_209 = tpu.memref_slice %arg8[%dma_start3A_205, %dma_start3A_207, %dma_start3A_208] : memref<4x200x64xf32, #tpu.memory_space<vmem>> -> memref<1x200x64xf32, #tpu.memory_space<vmem>>
      %dma_start3A_210 = tpu.memref_squeeze %dma_start3A_209 : memref<1x200x64xf32, #tpu.memory_space<vmem>> -> memref<200x64xf32, #tpu.memory_space<vmem>>
      %dma_start3A_211 = arith.constant 0 : i32
      %dma_start3A_212 = tpu.memref_slice %arg7[%add3A_176, %dma_start3A_211] : memref<50x200xi32, #tpu.memory_space<vmem>> -> memref<1x200xi32, #tpu.memory_space<vmem>>
      %dma_start3A_213 = tpu.memref_squeeze %dma_start3A_212 : memref<1x200xi32, #tpu.memory_space<vmem>> -> memref<200xi32, #tpu.memory_space<vmem>>
      %dma_start3A_214 = arith.constant 0 : i32
      %dma_start3A_215 = arith.constant 0 : i32
      %dma_start3A_216 = tpu.memref_slice %arg9[%dma_start3A_214, %dma_start3A_215] : memref<10112x64xf32, #tpu.memory_space<vmem_shared>> -> memref<10112x64xf32, #tpu.memory_space<vmem_shared>>
      %dma_start3A_217 = tpu.memref_slice %arg11[%dma_start3A_206] : memref<4x!tpu.dma_semaphore, #tpu.memory_space<semaphore_mem>> -> memref<1x!tpu.dma_semaphore, #tpu.memory_space<semaphore_mem>>
      %dma_start3A_218 = tpu.memref_squeeze %dma_start3A_217 : memref<1x!tpu.dma_semaphore, #tpu.memory_space<semaphore_mem>> -> memref<!tpu.dma_semaphore, #tpu.memory_space<semaphore_mem>>
      tpu.enqueue_indirect_dma source(%dma_start3A_210 : memref<200x64xf32, #tpu.memory_space<vmem>>) target(%dma_start3A_216 : memref<10112x64xf32, #tpu.memory_space<vmem_shared>>) offsets(%dma_start3A_213 : memref<200xi32, #tpu.memory_space<vmem>>) semaphore(%dma_start3A_218 : memref<!tpu.dma_semaphore, #tpu.memory_space<semaphore_mem>>) {add = true}
      %add3A_219 = arith.constant 3 : i32
      %add3A_220 = arith.addi %add3A_176, %add3A_219 : i32
      %lt3A = arith.constant 50 : i32
      %lt3A_221 = arith.cmpi slt, %add3A_220, %lt3A : i32
      %convert_element_type3A_222 = arith.extui %lt3A_221 : i1 to i32
      %cond3A_223 = arith.constant 0 : i32
      %cond3A_224 = arith.cmpi ne, %convert_element_type3A_222, %cond3A_223 : i32
      scf.if %cond3A_224 {
        %dma_start3A_331 = arith.constant 0 : i32
        %dma_start3A_332 = arith.constant 0 : i32
        %dma_start3A_333 = arith.constant 0 : i32
        %dma_start3A_334 = arith.constant 0 : i32
        %dma_start3A_335 = tpu.memref_slice %arg8[%dma_start3A_331, %dma_start3A_333, %dma_start3A_334] : memref<4x200x64xf32, #tpu.memory_space<vmem>> -> memref<1x200x64xf32, #tpu.memory_space<vmem>>
        %dma_start3A_336 = tpu.memref_squeeze %dma_start3A_335 : memref<1x200x64xf32, #tpu.memory_space<vmem>> -> memref<200x64xf32, #tpu.memory_space<vmem>>
        %dma_start3A_337 = arith.constant 0 : i32
        %dma_start3A_338 = tpu.memref_slice %arg6[%add3A_220, %dma_start3A_337] : memref<50x200xi32, #tpu.memory_space<vmem>> -> memref<1x200xi32, #tpu.memory_space<vmem>>
        %dma_start3A_339 = tpu.memref_squeeze %dma_start3A_338 : memref<1x200xi32, #tpu.memory_space<vmem>> -> memref<200xi32, #tpu.memory_space<vmem>>
        %dma_start3A_340 = arith.constant 0 : i32
        %dma_start3A_341 = arith.constant 0 : i32
        %dma_start3A_342 = tpu.memref_slice %arg2[%dma_start3A_340, %dma_start3A_341] : memref<10000x64xf32, #tpu.memory_space<hbm>> -> memref<10000x64xf32, #tpu.memory_space<hbm>>
        %dma_start3A_343 = tpu.memref_slice %arg10[%dma_start3A_332] : memref<4x!tpu.dma_semaphore, #tpu.memory_space<semaphore_mem>> -> memref<1x!tpu.dma_semaphore, #tpu.memory_space<semaphore_mem>>
        %dma_start3A_344 = tpu.memref_squeeze %dma_start3A_343 : memref<1x!tpu.dma_semaphore, #tpu.memory_space<semaphore_mem>> -> memref<!tpu.dma_semaphore, #tpu.memory_space<semaphore_mem>>
        tpu.enqueue_indirect_dma source(%dma_start3A_342 : memref<10000x64xf32, #tpu.memory_space<hbm>>) target(%dma_start3A_336 : memref<200x64xf32, #tpu.memory_space<vmem>>) offsets(%dma_start3A_339 : memref<200xi32, #tpu.memory_space<vmem>>) semaphore(%dma_start3A_344 : memref<!tpu.dma_semaphore, #tpu.memory_space<semaphore_mem>>)
      } else {
      }
      %mul3A_225 = arith.constant 4 : i32
      %mul3A_226 = arith.muli %add3A_162, %mul3A_225 : i32
      %add3A_227 = arith.constant 2 : i32
      %add3A_228 = arith.addi %mul3A_226, %add3A_227 : i32
      %dma_wait3A_229 = arith.constant 2 : i32
      %dma_wait3A_230 = arith.constant 2 : i32
      %dma_wait3A_231 = arith.constant 0 : i32
      %dma_wait3A_232 = arith.constant 0 : i32
      %dma_wait3A_233 = tpu.memref_slice %arg8[%dma_wait3A_229, %dma_wait3A_231, %dma_wait3A_232] : memref<4x200x64xf32, #tpu.memory_space<vmem>> -> memref<1x200x64xf32, #tpu.memory_space<vmem>>
      %dma_wait3A_234 = tpu.memref_squeeze %dma_wait3A_233 : memref<1x200x64xf32, #tpu.memory_space<vmem>> -> memref<200x64xf32, #tpu.memory_space<vmem>>
      %dma_wait3A_235 = arith.constant 0 : i32
      %dma_wait3A_236 = tpu.memref_slice %arg6[%add3A_228, %dma_wait3A_235] : memref<50x200xi32, #tpu.memory_space<vmem>> -> memref<1x200xi32, #tpu.memory_space<vmem>>
      %dma_wait3A_237 = tpu.memref_squeeze %dma_wait3A_236 : memref<1x200xi32, #tpu.memory_space<vmem>> -> memref<200xi32, #tpu.memory_space<vmem>>
      %dma_wait3A_238 = arith.constant 0 : i32
      %dma_wait3A_239 = arith.constant 0 : i32
      %dma_wait3A_240 = tpu.memref_slice %arg2[%dma_wait3A_238, %dma_wait3A_239] : memref<10000x64xf32, #tpu.memory_space<hbm>> -> memref<10000x64xf32, #tpu.memory_space<hbm>>
      %dma_wait3A_241 = tpu.memref_slice %arg10[%dma_wait3A_230] : memref<4x!tpu.dma_semaphore, #tpu.memory_space<semaphore_mem>> -> memref<1x!tpu.dma_semaphore, #tpu.memory_space<semaphore_mem>>
      %dma_wait3A_242 = tpu.memref_squeeze %dma_wait3A_241 : memref<1x!tpu.dma_semaphore, #tpu.memory_space<semaphore_mem>> -> memref<!tpu.dma_semaphore, #tpu.memory_space<semaphore_mem>>
      tpu.wait_indirect_dma semaphore(%dma_wait3A_242 : memref<!tpu.dma_semaphore, #tpu.memory_space<semaphore_mem>>) src(%dma_wait3A_240 : memref<10000x64xf32, #tpu.memory_space<hbm>>) dst(%dma_wait3A_234 : memref<200x64xf32, #tpu.memory_space<vmem>>)
      %dma_wait3A_243 = arith.constant 1 : i32
      %dma_wait3A_244 = arith.constant 1 : i32
      %dma_wait3A_245 = arith.constant 0 : i32
      %dma_wait3A_246 = arith.constant 0 : i32
      %dma_wait3A_247 = tpu.memref_slice %arg8[%dma_wait3A_243, %dma_wait3A_245, %dma_wait3A_246] : memref<4x200x64xf32, #tpu.memory_space<vmem>> -> memref<1x200x64xf32, #tpu.memory_space<vmem>>
      %dma_wait3A_248 = tpu.memref_squeeze %dma_wait3A_247 : memref<1x200x64xf32, #tpu.memory_space<vmem>> -> memref<200x64xf32, #tpu.memory_space<vmem>>
      %dma_wait3A_249 = arith.constant 0 : i32
      %dma_wait3A_250 = tpu.memref_slice %arg7[%add3A_228, %dma_wait3A_249] : memref<50x200xi32, #tpu.memory_space<vmem>> -> memref<1x200xi32, #tpu.memory_space<vmem>>
      %dma_wait3A_251 = tpu.memref_squeeze %dma_wait3A_250 : memref<1x200xi32, #tpu.memory_space<vmem>> -> memref<200xi32, #tpu.memory_space<vmem>>
      %dma_wait3A_252 = arith.constant 0 : i32
      %dma_wait3A_253 = arith.constant 0 : i32
      %dma_wait3A_254 = tpu.memref_slice %arg9[%dma_wait3A_252, %dma_wait3A_253] : memref<10112x64xf32, #tpu.memory_space<vmem_shared>> -> memref<10112x64xf32, #tpu.memory_space<vmem_shared>>
      %dma_wait3A_255 = tpu.memref_slice %arg11[%dma_wait3A_244] : memref<4x!tpu.dma_semaphore, #tpu.memory_space<semaphore_mem>> -> memref<1x!tpu.dma_semaphore, #tpu.memory_space<semaphore_mem>>
      %dma_wait3A_256 = tpu.memref_squeeze %dma_wait3A_255 : memref<1x!tpu.dma_semaphore, #tpu.memory_space<semaphore_mem>> -> memref<!tpu.dma_semaphore, #tpu.memory_space<semaphore_mem>>
      tpu.wait_indirect_dma semaphore(%dma_wait3A_256 : memref<!tpu.dma_semaphore, #tpu.memory_space<semaphore_mem>>) src(%dma_wait3A_248 : memref<200x64xf32, #tpu.memory_space<vmem>>) dst(%dma_wait3A_254 : memref<10112x64xf32, #tpu.memory_space<vmem_shared>>)
      %dma_start3A_257 = arith.constant 2 : i32
      %dma_start3A_258 = arith.constant 2 : i32
      %dma_start3A_259 = arith.constant 0 : i32
      %dma_start3A_260 = arith.constant 0 : i32
      %dma_start3A_261 = tpu.memref_slice %arg8[%dma_start3A_257, %dma_start3A_259, %dma_start3A_260] : memref<4x200x64xf32, #tpu.memory_space<vmem>> -> memref<1x200x64xf32, #tpu.memory_space<vmem>>
      %dma_start3A_262 = tpu.memref_squeeze %dma_start3A_261 : memref<1x200x64xf32, #tpu.memory_space<vmem>> -> memref<200x64xf32, #tpu.memory_space<vmem>>
      %dma_start3A_263 = arith.constant 0 : i32
      %dma_start3A_264 = tpu.memref_slice %arg7[%add3A_228, %dma_start3A_263] : memref<50x200xi32, #tpu.memory_space<vmem>> -> memref<1x200xi32, #tpu.memory_space<vmem>>
      %dma_start3A_265 = tpu.memref_squeeze %dma_start3A_264 : memref<1x200xi32, #tpu.memory_space<vmem>> -> memref<200xi32, #tpu.memory_space<vmem>>
      %dma_start3A_266 = arith.constant 0 : i32
      %dma_start3A_267 = arith.constant 0 : i32
      %dma_start3A_268 = tpu.memref_slice %arg9[%dma_start3A_266, %dma_start3A_267] : memref<10112x64xf32, #tpu.memory_space<vmem_shared>> -> memref<10112x64xf32, #tpu.memory_space<vmem_shared>>
      %dma_start3A_269 = tpu.memref_slice %arg11[%dma_start3A_258] : memref<4x!tpu.dma_semaphore, #tpu.memory_space<semaphore_mem>> -> memref<1x!tpu.dma_semaphore, #tpu.memory_space<semaphore_mem>>
      %dma_start3A_270 = tpu.memref_squeeze %dma_start3A_269 : memref<1x!tpu.dma_semaphore, #tpu.memory_space<semaphore_mem>> -> memref<!tpu.dma_semaphore, #tpu.memory_space<semaphore_mem>>
      tpu.enqueue_indirect_dma source(%dma_start3A_262 : memref<200x64xf32, #tpu.memory_space<vmem>>) target(%dma_start3A_268 : memref<10112x64xf32, #tpu.memory_space<vmem_shared>>) offsets(%dma_start3A_265 : memref<200xi32, #tpu.memory_space<vmem>>) semaphore(%dma_start3A_270 : memref<!tpu.dma_semaphore, #tpu.memory_space<semaphore_mem>>) {add = true}
      %add3A_271 = arith.constant 3 : i32
      %add3A_272 = arith.addi %add3A_228, %add3A_271 : i32
      %lt3A_273 = arith.constant 50 : i32
      %lt3A_274 = arith.cmpi slt, %add3A_272, %lt3A_273 : i32
      %convert_element_type3A_275 = arith.extui %lt3A_274 : i1 to i32
      %cond3A_276 = arith.constant 0 : i32
      %cond3A_277 = arith.cmpi ne, %convert_element_type3A_275, %cond3A_276 : i32
      scf.if %cond3A_277 {
        %dma_start3A_331 = arith.constant 1 : i32
        %dma_start3A_332 = arith.constant 1 : i32
        %dma_start3A_333 = arith.constant 0 : i32
        %dma_start3A_334 = arith.constant 0 : i32
        %dma_start3A_335 = tpu.memref_slice %arg8[%dma_start3A_331, %dma_start3A_333, %dma_start3A_334] : memref<4x200x64xf32, #tpu.memory_space<vmem>> -> memref<1x200x64xf32, #tpu.memory_space<vmem>>
        %dma_start3A_336 = tpu.memref_squeeze %dma_start3A_335 : memref<1x200x64xf32, #tpu.memory_space<vmem>> -> memref<200x64xf32, #tpu.memory_space<vmem>>
        %dma_start3A_337 = arith.constant 0 : i32
        %dma_start3A_338 = tpu.memref_slice %arg6[%add3A_272, %dma_start3A_337] : memref<50x200xi32, #tpu.memory_space<vmem>> -> memref<1x200xi32, #tpu.memory_space<vmem>>
        %dma_start3A_339 = tpu.memref_squeeze %dma_start3A_338 : memref<1x200xi32, #tpu.memory_space<vmem>> -> memref<200xi32, #tpu.memory_space<vmem>>
        %dma_start3A_340 = arith.constant 0 : i32
        %dma_start3A_341 = arith.constant 0 : i32
        %dma_start3A_342 = tpu.memref_slice %arg2[%dma_start3A_340, %dma_start3A_341] : memref<10000x64xf32, #tpu.memory_space<hbm>> -> memref<10000x64xf32, #tpu.memory_space<hbm>>
        %dma_start3A_343 = tpu.memref_slice %arg10[%dma_start3A_332] : memref<4x!tpu.dma_semaphore, #tpu.memory_space<semaphore_mem>> -> memref<1x!tpu.dma_semaphore, #tpu.memory_space<semaphore_mem>>
        %dma_start3A_344 = tpu.memref_squeeze %dma_start3A_343 : memref<1x!tpu.dma_semaphore, #tpu.memory_space<semaphore_mem>> -> memref<!tpu.dma_semaphore, #tpu.memory_space<semaphore_mem>>
        tpu.enqueue_indirect_dma source(%dma_start3A_342 : memref<10000x64xf32, #tpu.memory_space<hbm>>) target(%dma_start3A_336 : memref<200x64xf32, #tpu.memory_space<vmem>>) offsets(%dma_start3A_339 : memref<200xi32, #tpu.memory_space<vmem>>) semaphore(%dma_start3A_344 : memref<!tpu.dma_semaphore, #tpu.memory_space<semaphore_mem>>)
      } else {
      }
      %mul3A_278 = arith.constant 4 : i32
      %mul3A_279 = arith.muli %add3A_162, %mul3A_278 : i32
      %add3A_280 = arith.constant 3 : i32
      %add3A_281 = arith.addi %mul3A_279, %add3A_280 : i32
      %dma_wait3A_282 = arith.constant 3 : i32
      %dma_wait3A_283 = arith.constant 3 : i32
      %dma_wait3A_284 = arith.constant 0 : i32
      %dma_wait3A_285 = arith.constant 0 : i32
      %dma_wait3A_286 = tpu.memref_slice %arg8[%dma_wait3A_282, %dma_wait3A_284, %dma_wait3A_285] : memref<4x200x64xf32, #tpu.memory_space<vmem>> -> memref<1x200x64xf32, #tpu.memory_space<vmem>>
      %dma_wait3A_287 = tpu.memref_squeeze %dma_wait3A_286 : memref<1x200x64xf32, #tpu.memory_space<vmem>> -> memref<200x64xf32, #tpu.memory_space<vmem>>
      %dma_wait3A_288 = arith.constant 0 : i32
      %dma_wait3A_289 = tpu.memref_slice %arg6[%add3A_281, %dma_wait3A_288] : memref<50x200xi32, #tpu.memory_space<vmem>> -> memref<1x200xi32, #tpu.memory_space<vmem>>
      %dma_wait3A_290 = tpu.memref_squeeze %dma_wait3A_289 : memref<1x200xi32, #tpu.memory_space<vmem>> -> memref<200xi32, #tpu.memory_space<vmem>>
      %dma_wait3A_291 = arith.constant 0 : i32
      %dma_wait3A_292 = arith.constant 0 : i32
      %dma_wait3A_293 = tpu.memref_slice %arg2[%dma_wait3A_291, %dma_wait3A_292] : memref<10000x64xf32, #tpu.memory_space<hbm>> -> memref<10000x64xf32, #tpu.memory_space<hbm>>
      %dma_wait3A_294 = tpu.memref_slice %arg10[%dma_wait3A_283] : memref<4x!tpu.dma_semaphore, #tpu.memory_space<semaphore_mem>> -> memref<1x!tpu.dma_semaphore, #tpu.memory_space<semaphore_mem>>
      %dma_wait3A_295 = tpu.memref_squeeze %dma_wait3A_294 : memref<1x!tpu.dma_semaphore, #tpu.memory_space<semaphore_mem>> -> memref<!tpu.dma_semaphore, #tpu.memory_space<semaphore_mem>>
      tpu.wait_indirect_dma semaphore(%dma_wait3A_295 : memref<!tpu.dma_semaphore, #tpu.memory_space<semaphore_mem>>) src(%dma_wait3A_293 : memref<10000x64xf32, #tpu.memory_space<hbm>>) dst(%dma_wait3A_287 : memref<200x64xf32, #tpu.memory_space<vmem>>)
      %dma_wait3A_296 = arith.constant 2 : i32
      %dma_wait3A_297 = arith.constant 2 : i32
      %dma_wait3A_298 = arith.constant 0 : i32
      %dma_wait3A_299 = arith.constant 0 : i32
      %dma_wait3A_300 = tpu.memref_slice %arg8[%dma_wait3A_296, %dma_wait3A_298, %dma_wait3A_299] : memref<4x200x64xf32, #tpu.memory_space<vmem>> -> memref<1x200x64xf32, #tpu.memory_space<vmem>>
      %dma_wait3A_301 = tpu.memref_squeeze %dma_wait3A_300 : memref<1x200x64xf32, #tpu.memory_space<vmem>> -> memref<200x64xf32, #tpu.memory_space<vmem>>
      %dma_wait3A_302 = arith.constant 0 : i32
      %dma_wait3A_303 = tpu.memref_slice %arg7[%add3A_281, %dma_wait3A_302] : memref<50x200xi32, #tpu.memory_space<vmem>> -> memref<1x200xi32, #tpu.memory_space<vmem>>
      %dma_wait3A_304 = tpu.memref_squeeze %dma_wait3A_303 : memref<1x200xi32, #tpu.memory_space<vmem>> -> memref<200xi32, #tpu.memory_space<vmem>>
      %dma_wait3A_305 = arith.constant 0 : i32
      %dma_wait3A_306 = arith.constant 0 : i32
      %dma_wait3A_307 = tpu.memref_slice %arg9[%dma_wait3A_305, %dma_wait3A_306] : memref<10112x64xf32, #tpu.memory_space<vmem_shared>> -> memref<10112x64xf32, #tpu.memory_space<vmem_shared>>
      %dma_wait3A_308 = tpu.memref_slice %arg11[%dma_wait3A_297] : memref<4x!tpu.dma_semaphore, #tpu.memory_space<semaphore_mem>> -> memref<1x!tpu.dma_semaphore, #tpu.memory_space<semaphore_mem>>
      %dma_wait3A_309 = tpu.memref_squeeze %dma_wait3A_308 : memref<1x!tpu.dma_semaphore, #tpu.memory_space<semaphore_mem>> -> memref<!tpu.dma_semaphore, #tpu.memory_space<semaphore_mem>>
      tpu.wait_indirect_dma semaphore(%dma_wait3A_309 : memref<!tpu.dma_semaphore, #tpu.memory_space<semaphore_mem>>) src(%dma_wait3A_301 : memref<200x64xf32, #tpu.memory_space<vmem>>) dst(%dma_wait3A_307 : memref<10112x64xf32, #tpu.memory_space<vmem_shared>>)
      %dma_start3A_310 = arith.constant 3 : i32
      %dma_start3A_311 = arith.constant 3 : i32
      %dma_start3A_312 = arith.constant 0 : i32
      %dma_start3A_313 = arith.constant 0 : i32
      %dma_start3A_314 = tpu.memref_slice %arg8[%dma_start3A_310, %dma_start3A_312, %dma_start3A_313] : memref<4x200x64xf32, #tpu.memory_space<vmem>> -> memref<1x200x64xf32, #tpu.memory_space<vmem>>
      %dma_start3A_315 = tpu.memref_squeeze %dma_start3A_314 : memref<1x200x64xf32, #tpu.memory_space<vmem>> -> memref<200x64xf32, #tpu.memory_space<vmem>>
      %dma_start3A_316 = arith.constant 0 : i32
      %dma_start3A_317 = tpu.memref_slice %arg7[%add3A_281, %dma_start3A_316] : memref<50x200xi32, #tpu.memory_space<vmem>> -> memref<1x200xi32, #tpu.memory_space<vmem>>
      %dma_start3A_318 = tpu.memref_squeeze %dma_start3A_317 : memref<1x200xi32, #tpu.memory_space<vmem>> -> memref<200xi32, #tpu.memory_space<vmem>>
      %dma_start3A_319 = arith.constant 0 : i32
      %dma_start3A_320 = arith.constant 0 : i32
      %dma_start3A_321 = tpu.memref_slice %arg9[%dma_start3A_319, %dma_start3A_320] : memref<10112x64xf32, #tpu.memory_space<vmem_shared>> -> memref<10112x64xf32, #tpu.memory_space<vmem_shared>>
      %dma_start3A_322 = tpu.memref_slice %arg11[%dma_start3A_311] : memref<4x!tpu.dma_semaphore, #tpu.memory_space<semaphore_mem>> -> memref<1x!tpu.dma_semaphore, #tpu.memory_space<semaphore_mem>>
      %dma_start3A_323 = tpu.memref_squeeze %dma_start3A_322 : memref<1x!tpu.dma_semaphore, #tpu.memory_space<semaphore_mem>> -> memref<!tpu.dma_semaphore, #tpu.memory_space<semaphore_mem>>
      tpu.enqueue_indirect_dma source(%dma_start3A_315 : memref<200x64xf32, #tpu.memory_space<vmem>>) target(%dma_start3A_321 : memref<10112x64xf32, #tpu.memory_space<vmem_shared>>) offsets(%dma_start3A_318 : memref<200xi32, #tpu.memory_space<vmem>>) semaphore(%dma_start3A_323 : memref<!tpu.dma_semaphore, #tpu.memory_space<semaphore_mem>>) {add = true}
      %add3A_324 = arith.constant 3 : i32
      %add3A_325 = arith.addi %add3A_281, %add3A_324 : i32
      %lt3A_326 = arith.constant 50 : i32
      %lt3A_327 = arith.cmpi slt, %add3A_325, %lt3A_326 : i32
      %convert_element_type3A_328 = arith.extui %lt3A_327 : i1 to i32
      %cond3A_329 = arith.constant 0 : i32
      %cond3A_330 = arith.cmpi ne, %convert_element_type3A_328, %cond3A_329 : i32
      scf.if %cond3A_330 {
        %dma_start3A_331 = arith.constant 2 : i32
        %dma_start3A_332 = arith.constant 2 : i32
        %dma_start3A_333 = arith.constant 0 : i32
        %dma_start3A_334 = arith.constant 0 : i32
        %dma_start3A_335 = tpu.memref_slice %arg8[%dma_start3A_331, %dma_start3A_333, %dma_start3A_334] : memref<4x200x64xf32, #tpu.memory_space<vmem>> -> memref<1x200x64xf32, #tpu.memory_space<vmem>>
        %dma_start3A_336 = tpu.memref_squeeze %dma_start3A_335 : memref<1x200x64xf32, #tpu.memory_space<vmem>> -> memref<200x64xf32, #tpu.memory_space<vmem>>
        %dma_start3A_337 = arith.constant 0 : i32
        %dma_start3A_338 = tpu.memref_slice %arg6[%add3A_325, %dma_start3A_337] : memref<50x200xi32, #tpu.memory_space<vmem>> -> memref<1x200xi32, #tpu.memory_space<vmem>>
        %dma_start3A_339 = tpu.memref_squeeze %dma_start3A_338 : memref<1x200xi32, #tpu.memory_space<vmem>> -> memref<200xi32, #tpu.memory_space<vmem>>
        %dma_start3A_340 = arith.constant 0 : i32
        %dma_start3A_341 = arith.constant 0 : i32
        %dma_start3A_342 = tpu.memref_slice %arg2[%dma_start3A_340, %dma_start3A_341] : memref<10000x64xf32, #tpu.memory_space<hbm>> -> memref<10000x64xf32, #tpu.memory_space<hbm>>
        %dma_start3A_343 = tpu.memref_slice %arg10[%dma_start3A_332] : memref<4x!tpu.dma_semaphore, #tpu.memory_space<semaphore_mem>> -> memref<1x!tpu.dma_semaphore, #tpu.memory_space<semaphore_mem>>
        %dma_start3A_344 = tpu.memref_squeeze %dma_start3A_343 : memref<1x!tpu.dma_semaphore, #tpu.memory_space<semaphore_mem>> -> memref<!tpu.dma_semaphore, #tpu.memory_space<semaphore_mem>>
        tpu.enqueue_indirect_dma source(%dma_start3A_342 : memref<10000x64xf32, #tpu.memory_space<hbm>>) target(%dma_start3A_336 : memref<200x64xf32, #tpu.memory_space<vmem>>) offsets(%dma_start3A_339 : memref<200xi32, #tpu.memory_space<vmem>>) semaphore(%dma_start3A_344 : memref<!tpu.dma_semaphore, #tpu.memory_space<semaphore_mem>>)
      } else {
      }
    }
    %scan3A_52 = arith.constant 12 : i32
    %dma_wait3A = arith.constant 48 : i32
    %dma_wait3A_53 = arith.constant 0 : i32
    %dma_wait3A_54 = arith.constant 0 : i32
    %dma_wait3A_55 = arith.constant 0 : i32
    %dma_wait3A_56 = arith.constant 0 : i32
    %dma_wait3A_57 = tpu.memref_slice %arg8[%dma_wait3A_53, %dma_wait3A_55, %dma_wait3A_56] : memref<4x200x64xf32, #tpu.memory_space<vmem>> -> memref<1x200x64xf32, #tpu.memory_space<vmem>>
    %dma_wait3A_58 = tpu.memref_squeeze %dma_wait3A_57 : memref<1x200x64xf32, #tpu.memory_space<vmem>> -> memref<200x64xf32, #tpu.memory_space<vmem>>
    %dma_wait3A_59 = arith.constant 0 : i32
    %dma_wait3A_60 = tpu.memref_slice %arg6[%dma_wait3A, %dma_wait3A_59] : memref<50x200xi32, #tpu.memory_space<vmem>> -> memref<1x200xi32, #tpu.memory_space<vmem>>
    %dma_wait3A_61 = tpu.memref_squeeze %dma_wait3A_60 : memref<1x200xi32, #tpu.memory_space<vmem>> -> memref<200xi32, #tpu.memory_space<vmem>>
    %dma_wait3A_62 = arith.constant 0 : i32
    %dma_wait3A_63 = arith.constant 0 : i32
    %dma_wait3A_64 = tpu.memref_slice %arg2[%dma_wait3A_62, %dma_wait3A_63] : memref<10000x64xf32, #tpu.memory_space<hbm>> -> memref<10000x64xf32, #tpu.memory_space<hbm>>
    %dma_wait3A_65 = tpu.memref_slice %arg10[%dma_wait3A_54] : memref<4x!tpu.dma_semaphore, #tpu.memory_space<semaphore_mem>> -> memref<1x!tpu.dma_semaphore, #tpu.memory_space<semaphore_mem>>
    %dma_wait3A_66 = tpu.memref_squeeze %dma_wait3A_65 : memref<1x!tpu.dma_semaphore, #tpu.memory_space<semaphore_mem>> -> memref<!tpu.dma_semaphore, #tpu.memory_space<semaphore_mem>>
    tpu.wait_indirect_dma semaphore(%dma_wait3A_66 : memref<!tpu.dma_semaphore, #tpu.memory_space<semaphore_mem>>) src(%dma_wait3A_64 : memref<10000x64xf32, #tpu.memory_space<hbm>>) dst(%dma_wait3A_58 : memref<200x64xf32, #tpu.memory_space<vmem>>)
    %dma_wait3A_67 = arith.constant 3 : i32
    %dma_wait3A_68 = arith.constant 48 : i32
    %dma_wait3A_69 = arith.constant 3 : i32
    %dma_wait3A_70 = arith.constant 0 : i32
    %dma_wait3A_71 = arith.constant 0 : i32
    %dma_wait3A_72 = tpu.memref_slice %arg8[%dma_wait3A_67, %dma_wait3A_70, %dma_wait3A_71] : memref<4x200x64xf32, #tpu.memory_space<vmem>> -> memref<1x200x64xf32, #tpu.memory_space<vmem>>
    %dma_wait3A_73 = tpu.memref_squeeze %dma_wait3A_72 : memref<1x200x64xf32, #tpu.memory_space<vmem>> -> memref<200x64xf32, #tpu.memory_space<vmem>>
    %dma_wait3A_74 = arith.constant 0 : i32
    %dma_wait3A_75 = tpu.memref_slice %arg7[%dma_wait3A_68, %dma_wait3A_74] : memref<50x200xi32, #tpu.memory_space<vmem>> -> memref<1x200xi32, #tpu.memory_space<vmem>>
    %dma_wait3A_76 = tpu.memref_squeeze %dma_wait3A_75 : memref<1x200xi32, #tpu.memory_space<vmem>> -> memref<200xi32, #tpu.memory_space<vmem>>
    %dma_wait3A_77 = arith.constant 0 : i32
    %dma_wait3A_78 = arith.constant 0 : i32
    %dma_wait3A_79 = tpu.memref_slice %arg9[%dma_wait3A_77, %dma_wait3A_78] : memref<10112x64xf32, #tpu.memory_space<vmem_shared>> -> memref<10112x64xf32, #tpu.memory_space<vmem_shared>>
    %dma_wait3A_80 = tpu.memref_slice %arg11[%dma_wait3A_69] : memref<4x!tpu.dma_semaphore, #tpu.memory_space<semaphore_mem>> -> memref<1x!tpu.dma_semaphore, #tpu.memory_space<semaphore_mem>>
    %dma_wait3A_81 = tpu.memref_squeeze %dma_wait3A_80 : memref<1x!tpu.dma_semaphore, #tpu.memory_space<semaphore_mem>> -> memref<!tpu.dma_semaphore, #tpu.memory_space<semaphore_mem>>
    tpu.wait_indirect_dma semaphore(%dma_wait3A_81 : memref<!tpu.dma_semaphore, #tpu.memory_space<semaphore_mem>>) src(%dma_wait3A_73 : memref<200x64xf32, #tpu.memory_space<vmem>>) dst(%dma_wait3A_79 : memref<10112x64xf32, #tpu.memory_space<vmem_shared>>)
    %dma_start3A_82 = arith.constant 0 : i32
    %dma_start3A_83 = arith.constant 48 : i32
    %dma_start3A_84 = arith.constant 0 : i32
    %dma_start3A_85 = arith.constant 0 : i32
    %dma_start3A_86 = arith.constant 0 : i32
    %dma_start3A_87 = tpu.memref_slice %arg8[%dma_start3A_82, %dma_start3A_85, %dma_start3A_86] : memref<4x200x64xf32, #tpu.memory_space<vmem>> -> memref<1x200x64xf32, #tpu.memory_space<vmem>>
    %dma_start3A_88 = tpu.memref_squeeze %dma_start3A_87 : memref<1x200x64xf32, #tpu.memory_space<vmem>> -> memref<200x64xf32, #tpu.memory_space<vmem>>
    %dma_start3A_89 = arith.constant 0 : i32
    %dma_start3A_90 = tpu.memref_slice %arg7[%dma_start3A_83, %dma_start3A_89] : memref<50x200xi32, #tpu.memory_space<vmem>> -> memref<1x200xi32, #tpu.memory_space<vmem>>
    %dma_start3A_91 = tpu.memref_squeeze %dma_start3A_90 : memref<1x200xi32, #tpu.memory_space<vmem>> -> memref<200xi32, #tpu.memory_space<vmem>>
    %dma_start3A_92 = arith.constant 0 : i32
    %dma_start3A_93 = arith.constant 0 : i32
    %dma_start3A_94 = tpu.memref_slice %arg9[%dma_start3A_92, %dma_start3A_93] : memref<10112x64xf32, #tpu.memory_space<vmem_shared>> -> memref<10112x64xf32, #tpu.memory_space<vmem_shared>>
    %dma_start3A_95 = tpu.memref_slice %arg11[%dma_start3A_84] : memref<4x!tpu.dma_semaphore, #tpu.memory_space<semaphore_mem>> -> memref<1x!tpu.dma_semaphore, #tpu.memory_space<semaphore_mem>>
    %dma_start3A_96 = tpu.memref_squeeze %dma_start3A_95 : memref<1x!tpu.dma_semaphore, #tpu.memory_space<semaphore_mem>> -> memref<!tpu.dma_semaphore, #tpu.memory_space<semaphore_mem>>
    tpu.enqueue_indirect_dma source(%dma_start3A_88 : memref<200x64xf32, #tpu.memory_space<vmem>>) target(%dma_start3A_94 : memref<10112x64xf32, #tpu.memory_space<vmem_shared>>) offsets(%dma_start3A_91 : memref<200xi32, #tpu.memory_space<vmem>>) semaphore(%dma_start3A_96 : memref<!tpu.dma_semaphore, #tpu.memory_space<semaphore_mem>>) {add = true}
    %dma_wait3A_97 = arith.constant 49 : i32
    %dma_wait3A_98 = arith.constant 1 : i32
    %dma_wait3A_99 = arith.constant 1 : i32
    %dma_wait3A_100 = arith.constant 0 : i32
    %dma_wait3A_101 = arith.constant 0 : i32
    %dma_wait3A_102 = tpu.memref_slice %arg8[%dma_wait3A_98, %dma_wait3A_100, %dma_wait3A_101] : memref<4x200x64xf32, #tpu.memory_space<vmem>> -> memref<1x200x64xf32, #tpu.memory_space<vmem>>
    %dma_wait3A_103 = tpu.memref_squeeze %dma_wait3A_102 : memref<1x200x64xf32, #tpu.memory_space<vmem>> -> memref<200x64xf32, #tpu.memory_space<vmem>>
    %dma_wait3A_104 = arith.constant 0 : i32
    %dma_wait3A_105 = tpu.memref_slice %arg6[%dma_wait3A_97, %dma_wait3A_104] : memref<50x200xi32, #tpu.memory_space<vmem>> -> memref<1x200xi32, #tpu.memory_space<vmem>>
    %dma_wait3A_106 = tpu.memref_squeeze %dma_wait3A_105 : memref<1x200xi32, #tpu.memory_space<vmem>> -> memref<200xi32, #tpu.memory_space<vmem>>
    %dma_wait3A_107 = arith.constant 0 : i32
    %dma_wait3A_108 = arith.constant 0 : i32
    %dma_wait3A_109 = tpu.memref_slice %arg2[%dma_wait3A_107, %dma_wait3A_108] : memref<10000x64xf32, #tpu.memory_space<hbm>> -> memref<10000x64xf32, #tpu.memory_space<hbm>>
    %dma_wait3A_110 = tpu.memref_slice %arg10[%dma_wait3A_99] : memref<4x!tpu.dma_semaphore, #tpu.memory_space<semaphore_mem>> -> memref<1x!tpu.dma_semaphore, #tpu.memory_space<semaphore_mem>>
    %dma_wait3A_111 = tpu.memref_squeeze %dma_wait3A_110 : memref<1x!tpu.dma_semaphore, #tpu.memory_space<semaphore_mem>> -> memref<!tpu.dma_semaphore, #tpu.memory_space<semaphore_mem>>
    tpu.wait_indirect_dma semaphore(%dma_wait3A_111 : memref<!tpu.dma_semaphore, #tpu.memory_space<semaphore_mem>>) src(%dma_wait3A_109 : memref<10000x64xf32, #tpu.memory_space<hbm>>) dst(%dma_wait3A_103 : memref<200x64xf32, #tpu.memory_space<vmem>>)
    %dma_wait3A_112 = arith.constant 0 : i32
    %dma_wait3A_113 = arith.constant 49 : i32
    %dma_wait3A_114 = arith.constant 0 : i32
    %dma_wait3A_115 = arith.constant 0 : i32
    %dma_wait3A_116 = arith.constant 0 : i32
    %dma_wait3A_117 = tpu.memref_slice %arg8[%dma_wait3A_112, %dma_wait3A_115, %dma_wait3A_116] : memref<4x200x64xf32, #tpu.memory_space<vmem>> -> memref<1x200x64xf32, #tpu.memory_space<vmem>>
    %dma_wait3A_118 = tpu.memref_squeeze %dma_wait3A_117 : memref<1x200x64xf32, #tpu.memory_space<vmem>> -> memref<200x64xf32, #tpu.memory_space<vmem>>
    %dma_wait3A_119 = arith.constant 0 : i32
    %dma_wait3A_120 = tpu.memref_slice %arg7[%dma_wait3A_113, %dma_wait3A_119] : memref<50x200xi32, #tpu.memory_space<vmem>> -> memref<1x200xi32, #tpu.memory_space<vmem>>
    %dma_wait3A_121 = tpu.memref_squeeze %dma_wait3A_120 : memref<1x200xi32, #tpu.memory_space<vmem>> -> memref<200xi32, #tpu.memory_space<vmem>>
    %dma_wait3A_122 = arith.constant 0 : i32
    %dma_wait3A_123 = arith.constant 0 : i32
    %dma_wait3A_124 = tpu.memref_slice %arg9[%dma_wait3A_122, %dma_wait3A_123] : memref<10112x64xf32, #tpu.memory_space<vmem_shared>> -> memref<10112x64xf32, #tpu.memory_space<vmem_shared>>
    %dma_wait3A_125 = tpu.memref_slice %arg11[%dma_wait3A_114] : memref<4x!tpu.dma_semaphore, #tpu.memory_space<semaphore_mem>> -> memref<1x!tpu.dma_semaphore, #tpu.memory_space<semaphore_mem>>
    %dma_wait3A_126 = tpu.memref_squeeze %dma_wait3A_125 : memref<1x!tpu.dma_semaphore, #tpu.memory_space<semaphore_mem>> -> memref<!tpu.dma_semaphore, #tpu.memory_space<semaphore_mem>>
    tpu.wait_indirect_dma semaphore(%dma_wait3A_126 : memref<!tpu.dma_semaphore, #tpu.memory_space<semaphore_mem>>) src(%dma_wait3A_118 : memref<200x64xf32, #tpu.memory_space<vmem>>) dst(%dma_wait3A_124 : memref<10112x64xf32, #tpu.memory_space<vmem_shared>>)
    %dma_start3A_127 = arith.constant 1 : i32
    %dma_start3A_128 = arith.constant 49 : i32
    %dma_start3A_129 = arith.constant 1 : i32
    %dma_start3A_130 = arith.constant 0 : i32
    %dma_start3A_131 = arith.constant 0 : i32
    %dma_start3A_132 = tpu.memref_slice %arg8[%dma_start3A_127, %dma_start3A_130, %dma_start3A_131] : memref<4x200x64xf32, #tpu.memory_space<vmem>> -> memref<1x200x64xf32, #tpu.memory_space<vmem>>
    %dma_start3A_133 = tpu.memref_squeeze %dma_start3A_132 : memref<1x200x64xf32, #tpu.memory_space<vmem>> -> memref<200x64xf32, #tpu.memory_space<vmem>>
    %dma_start3A_134 = arith.constant 0 : i32
    %dma_start3A_135 = tpu.memref_slice %arg7[%dma_start3A_128, %dma_start3A_134] : memref<50x200xi32, #tpu.memory_space<vmem>> -> memref<1x200xi32, #tpu.memory_space<vmem>>
    %dma_start3A_136 = tpu.memref_squeeze %dma_start3A_135 : memref<1x200xi32, #tpu.memory_space<vmem>> -> memref<200xi32, #tpu.memory_space<vmem>>
    %dma_start3A_137 = arith.constant 0 : i32
    %dma_start3A_138 = arith.constant 0 : i32
    %dma_start3A_139 = tpu.memref_slice %arg9[%dma_start3A_137, %dma_start3A_138] : memref<10112x64xf32, #tpu.memory_space<vmem_shared>> -> memref<10112x64xf32, #tpu.memory_space<vmem_shared>>
    %dma_start3A_140 = tpu.memref_slice %arg11[%dma_start3A_129] : memref<4x!tpu.dma_semaphore, #tpu.memory_space<semaphore_mem>> -> memref<1x!tpu.dma_semaphore, #tpu.memory_space<semaphore_mem>>
    %dma_start3A_141 = tpu.memref_squeeze %dma_start3A_140 : memref<1x!tpu.dma_semaphore, #tpu.memory_space<semaphore_mem>> -> memref<!tpu.dma_semaphore, #tpu.memory_space<semaphore_mem>>
    tpu.enqueue_indirect_dma source(%dma_start3A_133 : memref<200x64xf32, #tpu.memory_space<vmem>>) target(%dma_start3A_139 : memref<10112x64xf32, #tpu.memory_space<vmem_shared>>) offsets(%dma_start3A_136 : memref<200xi32, #tpu.memory_space<vmem>>) semaphore(%dma_start3A_141 : memref<!tpu.dma_semaphore, #tpu.memory_space<semaphore_mem>>) {add = true}
    %dma_wait3A_142 = arith.constant 1 : i32
    %dma_wait3A_143 = arith.constant 0 : i32
    %dma_wait3A_144 = arith.constant 1 : i32
    %dma_wait3A_145 = arith.constant 0 : i32
    %dma_wait3A_146 = arith.constant 0 : i32
    %dma_wait3A_147 = tpu.memref_slice %arg8[%dma_wait3A_142, %dma_wait3A_145, %dma_wait3A_146] : memref<4x200x64xf32, #tpu.memory_space<vmem>> -> memref<1x200x64xf32, #tpu.memory_space<vmem>>
    %dma_wait3A_148 = tpu.memref_squeeze %dma_wait3A_147 : memref<1x200x64xf32, #tpu.memory_space<vmem>> -> memref<200x64xf32, #tpu.memory_space<vmem>>
    %dma_wait3A_149 = arith.constant 0 : i32
    %dma_wait3A_150 = tpu.memref_slice %arg7[%dma_wait3A_143, %dma_wait3A_149] : memref<50x200xi32, #tpu.memory_space<vmem>> -> memref<1x200xi32, #tpu.memory_space<vmem>>
    %dma_wait3A_151 = tpu.memref_squeeze %dma_wait3A_150 : memref<1x200xi32, #tpu.memory_space<vmem>> -> memref<200xi32, #tpu.memory_space<vmem>>
    %dma_wait3A_152 = arith.constant 0 : i32
    %dma_wait3A_153 = arith.constant 0 : i32
    %dma_wait3A_154 = tpu.memref_slice %arg9[%dma_wait3A_152, %dma_wait3A_153] : memref<10112x64xf32, #tpu.memory_space<vmem_shared>> -> memref<10112x64xf32, #tpu.memory_space<vmem_shared>>
    %dma_wait3A_155 = tpu.memref_slice %arg11[%dma_wait3A_144] : memref<4x!tpu.dma_semaphore, #tpu.memory_space<semaphore_mem>> -> memref<1x!tpu.dma_semaphore, #tpu.memory_space<semaphore_mem>>
    %dma_wait3A_156 = tpu.memref_squeeze %dma_wait3A_155 : memref<1x!tpu.dma_semaphore, #tpu.memory_space<semaphore_mem>> -> memref<!tpu.dma_semaphore, #tpu.memory_space<semaphore_mem>>
    tpu.wait_indirect_dma semaphore(%dma_wait3A_156 : memref<!tpu.dma_semaphore, #tpu.memory_space<semaphore_mem>>) src(%dma_wait3A_148 : memref<200x64xf32, #tpu.memory_space<vmem>>) dst(%dma_wait3A_154 : memref<10112x64xf32, #tpu.memory_space<vmem_shared>>)
    %barrier3A_157 = arith.constant 0 : index
    tpu.barrier barrier_id(%barrier3A_157)
    "tpu.region"() ({
      %run_scoped3A = tpu.sem_alloc : memref<!tpu.dma_semaphore, #tpu.memory_space<semaphore_mem>>
      %dma_start3A_158 = arith.constant 0 : i32
      %dma_start3A_159 = tpu.memref_slice %arg5[%arg0, %mul3A_2, %dma_start3A_158] : memref<2x10112x64xf32, #tpu.memory_space<hbm>> -> memref<1x632x64xf32, #tpu.memory_space<hbm>>
      %dma_start3A_160 = tpu.memref_squeeze %dma_start3A_159 : memref<1x632x64xf32, #tpu.memory_space<hbm>> -> memref<632x64xf32, #tpu.memory_space<hbm>>
      %dma_start3A_161 = arith.constant 0 : i32
      %dma_start3A_162 = tpu.memref_slice %arg9[%mul3A_2, %dma_start3A_161] : memref<10112x64xf32, #tpu.memory_space<vmem_shared>> -> memref<632x64xf32, #tpu.memory_space<vmem_shared>>
      tpu.enqueue_dma source(%dma_start3A_162 : memref<632x64xf32, #tpu.memory_space<vmem_shared>>) target(%dma_start3A_160 : memref<632x64xf32, #tpu.memory_space<hbm>>) target_semaphore(%run_scoped3A : memref<!tpu.dma_semaphore, #tpu.memory_space<semaphore_mem>>)
      %dma_wait3A_163 = arith.constant 0 : i32
      %dma_wait3A_164 = tpu.memref_slice %arg5[%arg0, %mul3A_2, %dma_wait3A_163] : memref<2x10112x64xf32, #tpu.memory_space<hbm>> -> memref<1x632x64xf32, #tpu.memory_space<hbm>>
      %dma_wait3A_165 = tpu.memref_squeeze %dma_wait3A_164 : memref<1x632x64xf32, #tpu.memory_space<hbm>> -> memref<632x64xf32, #tpu.memory_space<hbm>>
      %dma_wait3A_166 = arith.constant 0 : i32
      %dma_wait3A_167 = tpu.memref_slice %arg9[%mul3A_2, %dma_wait3A_166] : memref<10112x64xf32, #tpu.memory_space<vmem_shared>> -> memref<632x64xf32, #tpu.memory_space<vmem_shared>>
      tpu.wait_dma2 semaphore(%run_scoped3A : memref<!tpu.dma_semaphore, #tpu.memory_space<semaphore_mem>>) src(%dma_wait3A_167 : memref<632x64xf32, #tpu.memory_space<vmem_shared>>) dst(%dma_wait3A_165 : memref<632x64xf32, #tpu.memory_space<hbm>>)
      tpu.yield
    }) : () -> ()
    return
  }
}

module attributes {stable_mosaic.version = 14 : i64} {
  func.func @body(%arg0: i32, %arg1: memref<2000x128xf32, #tpu.memory_space<vmem>>, %arg2: memref<128x64xf32, #tpu.memory_space<vmem>>, %arg3: memref<2000x64xf32, #tpu.memory_space<vmem>>) attributes {dimension_semantics = [#tpu.dimension_semantics<parallel>], iteration_bounds = array<i64: 5>, scalar_prefetch = 0 : i64, scratch_operands = 0 : i64, tpu.core_type = #tpu.core_type<tc>, window_params = [{transform_indices = @transform_0, window_bounds = array<i64: 2000, 128>}, {pipeline_mode = #tpu.pipeline_mode<synchronous>, transform_indices = @transform_1, window_bounds = array<i64: 128, 64>}, {transform_indices = @transform_2, window_bounds = array<i64: 2000, 64>}]} {
    %get3A = arith.constant 0 : index
    %get3A_0 = arith.constant 0 : index
    %get3A_1 = vector.load %arg1[%get3A, %get3A_0] : memref<2000x128xf32, #tpu.memory_space<vmem>>, vector<2000x128xf32>
    %get3A_2 = arith.constant 0 : index
    %get3A_3 = arith.constant 0 : index
    %get3A_4 = vector.load %arg2[%get3A_2, %get3A_3] : memref<128x64xf32, #tpu.memory_space<vmem>>, vector<128x64xf32>
    %dot_general3A = arith.constant dense<0.000000e+00> : vector<2000x64xf32>
    %dot_general3A_5 = tpu.matmul %get3A_1, %get3A_4, %dot_general3A {dimension_numbers = #tpu.dot_dimension_numbers<[1], [0], [0], [1], [0, 0, 1, 1], [], []>, precision = #tpu.contract_precision<fp32>, transpose_lhs_hint = false} : vector<2000x128xf32>, vector<128x64xf32>, vector<2000x64xf32> -> vector<2000x64xf32>
    %swap3A = arith.constant 0 : index
    %swap3A_6 = arith.constant 0 : index
    %swap3A_7 = vector.load %arg3[%swap3A, %swap3A_6] : memref<2000x64xf32, #tpu.memory_space<vmem>>, vector<2000x64xf32>
    tpu.vector_store %arg3[%swap3A, %swap3A_6], %dot_general3A_5 {strides = array<i32>} : memref<2000x64xf32, #tpu.memory_space<vmem>>, vector<2000x64xf32>,
    return
  }
  func.func @transform_0(%arg0: i32) -> (i32, i32) {
    %c0_i32 = arith.constant 0 : i32
    %c0_i32_0 = arith.constant 0 : i32
    return %arg0, %c0_i32 : i32, i32
  }
  func.func @transform_1(%arg0: i32) -> (i32, i32) {
    %c0_i32 = arith.constant 0 : i32
    %c0_i32_0 = arith.constant 0 : i32
    %c0_i32_1 = arith.constant 0 : i32
    return %c0_i32, %c0_i32_0 : i32, i32
  }
  func.func @transform_2(%arg0: i32) -> (i32, i32) {
    %c0_i32 = arith.constant 0 : i32
    %c0_i32_0 = arith.constant 0 : i32
    return %arg0, %c0_i32 : i32, i32
  }
}

module attributes {stable_mosaic.version = 14 : i64} {
  func.func @body(%arg0: i32, %arg1: memref<2000x128xf32, #tpu.memory_space<vmem>>, %arg2: memref<128x64xf32, #tpu.memory_space<vmem>>, %arg3: memref<1x64xf32, #tpu.memory_space<vmem>>, %arg4: memref<2000x64xf32, #tpu.memory_space<vmem>>) attributes {dimension_semantics = [#tpu.dimension_semantics<parallel>], iteration_bounds = array<i64: 5>, scalar_prefetch = 0 : i64, scratch_operands = 0 : i64, tpu.core_type = #tpu.core_type<tc>, window_params = [{transform_indices = @transform_0, window_bounds = array<i64: 2000, 128>}, {pipeline_mode = #tpu.pipeline_mode<synchronous>, transform_indices = @transform_1, window_bounds = array<i64: 128, 64>}, {pipeline_mode = #tpu.pipeline_mode<synchronous>, transform_indices = @transform_2, window_bounds = array<i64: 1, 64>}, {transform_indices = @transform_3, window_bounds = array<i64: 2000, 64>}]} {
    %get3A = arith.constant 0 : index
    %get3A_0 = arith.constant 0 : index
    %get3A_1 = vector.load %arg1[%get3A, %get3A_0] : memref<2000x128xf32, #tpu.memory_space<vmem>>, vector<2000x128xf32>
    %get3A_2 = arith.constant 0 : index
    %get3A_3 = arith.constant 0 : index
    %get3A_4 = vector.load %arg2[%get3A_2, %get3A_3] : memref<128x64xf32, #tpu.memory_space<vmem>>, vector<128x64xf32>
    %dot_general3A = arith.constant dense<0.000000e+00> : vector<2000x64xf32>
    %dot_general3A_5 = tpu.matmul %get3A_1, %get3A_4, %dot_general3A {dimension_numbers = #tpu.dot_dimension_numbers<[1], [0], [0], [1], [0, 0, 1, 1], [], []>, precision = #tpu.contract_precision<fp32>, transpose_lhs_hint = false} : vector<2000x128xf32>, vector<128x64xf32>, vector<2000x64xf32> -> vector<2000x64xf32>
    %get3A_6 = arith.constant 0 : index
    %get3A_7 = arith.constant 0 : index
    %get3A_8 = vector.load %arg3[%get3A_6, %get3A_7] : memref<1x64xf32, #tpu.memory_space<vmem>>, vector<1x64xf32>
    %add3A = vector.broadcast %get3A_8 : vector<1x64xf32> to vector<2000x64xf32>
    %add3A_9 = arith.addf %dot_general3A_5, %add3A : vector<2000x64xf32>
    %swap3A = arith.constant 0 : index
    %swap3A_10 = arith.constant 0 : index
    %swap3A_11 = vector.load %arg4[%swap3A, %swap3A_10] : memref<2000x64xf32, #tpu.memory_space<vmem>>, vector<2000x64xf32>
    tpu.vector_store %arg4[%swap3A, %swap3A_10], %add3A_9 {strides = array<i32>} : memref<2000x64xf32, #tpu.memory_space<vmem>>, vector<2000x64xf32>,
    return
  }
  func.func @transform_0(%arg0: i32) -> (i32, i32) {
    %c0_i32 = arith.constant 0 : i32
    %c0_i32_0 = arith.constant 0 : i32
    return %arg0, %c0_i32 : i32, i32
  }
  func.func @transform_1(%arg0: i32) -> (i32, i32) {
    %c0_i32 = arith.constant 0 : i32
    %c0_i32_0 = arith.constant 0 : i32
    %c0_i32_1 = arith.constant 0 : i32
    return %c0_i32, %c0_i32_0 : i32, i32
  }
  func.func @transform_2(%arg0: i32) -> (i32, i32) {
    %c0_i32 = arith.constant 0 : i32
    %c0_i32_0 = arith.constant 0 : i32
    %c0_i32_1 = arith.constant 0 : i32
    return %c0_i32, %c0_i32_0 : i32, i32
  }
  func.func @transform_3(%arg0: i32) -> (i32, i32) {
    %c0_i32 = arith.constant 0 : i32
    %c0_i32_0 = arith.constant 0 : i32
    return %arg0, %c0_i32 : i32, i32
  }
}

module attributes {stable_mosaic.version = 14 : i64} {
  func.func @body(%arg0: i32, %arg1: memref<2x2000x64xf32, #tpu.memory_space<vmem>>, %arg2: memref<2x2000x16xf32, #tpu.memory_space<vmem>>, %arg3: memref<2000x64xf32, #tpu.memory_space<vmem>>, %arg4: memref<64x32xf32, #tpu.memory_space<vmem>>, %arg5: memref<2000x64xf32, #tpu.memory_space<vmem>>, %arg6: memref<2000x32xf32, #tpu.memory_space<vmem>>) attributes {dimension_semantics = [#tpu.dimension_semantics<parallel>], iteration_bounds = array<i64: 5>, scalar_prefetch = 0 : i64, scratch_operands = 0 : i64, tpu.core_type = #tpu.core_type<tc>, window_params = [{transform_indices = @transform_0, window_bounds = array<i64: 2, 2000, 64>}, {transform_indices = @transform_1, window_bounds = array<i64: 2, 2000, 16>}, {transform_indices = @transform_2, window_bounds = array<i64: 2000, 64>}, {pipeline_mode = #tpu.pipeline_mode<synchronous>, transform_indices = @transform_3, window_bounds = array<i64: 64, 32>}, {transform_indices = @transform_4, window_bounds = array<i64: 2000, 64>}, {transform_indices = @transform_5, window_bounds = array<i64: 2000, 32>}]} {
    %get3A = arith.constant 0 : index
    %get3A_0 = arith.constant 0 : index
    %get3A_1 = arith.constant 0 : index
    %get3A_2 = vector.load %arg2[%get3A, %get3A_0, %get3A_1] : memref<2x2000x16xf32, #tpu.memory_space<vmem>>, vector<1x2000x1xf32>
    %get3A_3 = vector.shape_cast %get3A_2 : vector<1x2000x1xf32> to vector<2000x1xf32>
    %get3A_4 = arith.constant 1 : index
    %get3A_5 = arith.constant 0 : index
    %get3A_6 = arith.constant 0 : index
    %get3A_7 = vector.load %arg2[%get3A_4, %get3A_5, %get3A_6] : memref<2x2000x16xf32, #tpu.memory_space<vmem>>, vector<1x2000x1xf32>
    %get3A_8 = vector.shape_cast %get3A_7 : vector<1x2000x1xf32> to vector<2000x1xf32>
    %add3A = arith.addf %get3A_3, %get3A_8 : vector<2000x1xf32>
    %max3A = arith.constant 1.000000e+00 : f32
    %max3A_9 = vector.broadcast %max3A : f32 to vector<2000x1xf32>
    %max3A_10 = arith.maximumf %add3A, %max3A_9 : vector<2000x1xf32>
    %get3A_11 = arith.constant 0 : index
    %get3A_12 = arith.constant 0 : index
    %get3A_13 = arith.constant 0 : index
    %get3A_14 = vector.load %arg1[%get3A_11, %get3A_12, %get3A_13] : memref<2x2000x64xf32, #tpu.memory_space<vmem>>, vector<1x2000x64xf32>
    %get3A_15 = vector.shape_cast %get3A_14 : vector<1x2000x64xf32> to vector<2000x64xf32>
    %get3A_16 = arith.constant 1 : index
    %get3A_17 = arith.constant 0 : index
    %get3A_18 = arith.constant 0 : index
    %get3A_19 = vector.load %arg1[%get3A_16, %get3A_17, %get3A_18] : memref<2x2000x64xf32, #tpu.memory_space<vmem>>, vector<1x2000x64xf32>
    %get3A_20 = vector.shape_cast %get3A_19 : vector<1x2000x64xf32> to vector<2000x64xf32>
    %add3A_21 = arith.addf %get3A_15, %get3A_20 : vector<2000x64xf32>
    %div3A = vector.broadcast %max3A_10 : vector<2000x1xf32> to vector<2000x64xf32>
    %div3A_22 = arith.divf %add3A_21, %div3A : vector<2000x64xf32>
    %get3A_23 = arith.constant 0 : index
    %get3A_24 = arith.constant 0 : index
    %get3A_25 = vector.load %arg3[%get3A_23, %get3A_24] : memref<2000x64xf32, #tpu.memory_space<vmem>>, vector<2000x64xf32>
    %add3A_26 = arith.addf %div3A_22, %get3A_25 : vector<2000x64xf32>
    %max3A_27 = arith.constant 0.000000e+00 : f32
    %max3A_28 = vector.broadcast %max3A_27 : f32 to vector<2000x64xf32>
    %max3A_29 = arith.maximumf %add3A_26, %max3A_28 : vector<2000x64xf32>
    %swap3A = arith.constant 0 : index
    %swap3A_30 = arith.constant 0 : index
    %swap3A_31 = vector.load %arg5[%swap3A, %swap3A_30] : memref<2000x64xf32, #tpu.memory_space<vmem>>, vector<2000x64xf32>
    tpu.vector_store %arg5[%swap3A, %swap3A_30], %max3A_29 {strides = array<i32>} : memref<2000x64xf32, #tpu.memory_space<vmem>>, vector<2000x64xf32>,
    %get3A_32 = arith.constant 0 : index
    %get3A_33 = arith.constant 0 : index
    %get3A_34 = vector.load %arg4[%get3A_32, %get3A_33] : memref<64x32xf32, #tpu.memory_space<vmem>>, vector<64x32xf32>
    %dot_general3A = arith.constant dense<0.000000e+00> : vector<2000x32xf32>
    %dot_general3A_35 = tpu.matmul %max3A_29, %get3A_34, %dot_general3A {dimension_numbers = #tpu.dot_dimension_numbers<[1], [0], [0], [1], [0, 0, 1, 1], [], []>, precision = #tpu.contract_precision<fp32>, transpose_lhs_hint = false} : vector<2000x64xf32>, vector<64x32xf32>, vector<2000x32xf32> -> vector<2000x32xf32>
    %swap3A_36 = arith.constant 0 : index
    %swap3A_37 = arith.constant 0 : index
    %swap3A_38 = vector.load %arg6[%swap3A_36, %swap3A_37] : memref<2000x32xf32, #tpu.memory_space<vmem>>, vector<2000x32xf32>
    tpu.vector_store %arg6[%swap3A_36, %swap3A_37], %dot_general3A_35 {strides = array<i32>} : memref<2000x32xf32, #tpu.memory_space<vmem>>, vector<2000x32xf32>,
    return
  }
  func.func @transform_0(%arg0: i32) -> (i32, i32, i32) {
    %c0_i32 = arith.constant 0 : i32
    %c0_i32_0 = arith.constant 0 : i32
    %c0_i32_1 = arith.constant 0 : i32
    return %c0_i32, %arg0, %c0_i32_0 : i32, i32, i32
  }
  func.func @transform_1(%arg0: i32) -> (i32, i32, i32) {
    %c0_i32 = arith.constant 0 : i32
    %c0_i32_0 = arith.constant 0 : i32
    %c0_i32_1 = arith.constant 0 : i32
    return %c0_i32, %arg0, %c0_i32_0 : i32, i32, i32
  }
  func.func @transform_2(%arg0: i32) -> (i32, i32) {
    %c0_i32 = arith.constant 0 : i32
    %c0_i32_0 = arith.constant 0 : i32
    return %arg0, %c0_i32 : i32, i32
  }
  func.func @transform_3(%arg0: i32) -> (i32, i32) {
    %c0_i32 = arith.constant 0 : i32
    %c0_i32_0 = arith.constant 0 : i32
    %c0_i32_1 = arith.constant 0 : i32
    return %c0_i32, %c0_i32_0 : i32, i32
  }
  func.func @transform_4(%arg0: i32) -> (i32, i32) {
    %c0_i32 = arith.constant 0 : i32
    %c0_i32_0 = arith.constant 0 : i32
    return %arg0, %c0_i32 : i32, i32
  }
  func.func @transform_5(%arg0: i32) -> (i32, i32) {
    %c0_i32 = arith.constant 0 : i32
    %c0_i32_0 = arith.constant 0 : i32
    return %arg0, %c0_i32 : i32, i32
  }
}

module attributes {stable_mosaic.version = 14 : i64} {
  func.func @body(%arg0: i32, %arg1: memref<2000x64xf32, #tpu.memory_space<vmem>>, %arg2: memref<64x32xf32, #tpu.memory_space<vmem>>, %arg3: memref<1x32xf32, #tpu.memory_space<vmem>>, %arg4: memref<2000x32xf32, #tpu.memory_space<vmem>>) attributes {dimension_semantics = [#tpu.dimension_semantics<parallel>], iteration_bounds = array<i64: 5>, scalar_prefetch = 0 : i64, scratch_operands = 0 : i64, tpu.core_type = #tpu.core_type<tc>, window_params = [{transform_indices = @transform_0, window_bounds = array<i64: 2000, 64>}, {pipeline_mode = #tpu.pipeline_mode<synchronous>, transform_indices = @transform_1, window_bounds = array<i64: 64, 32>}, {pipeline_mode = #tpu.pipeline_mode<synchronous>, transform_indices = @transform_2, window_bounds = array<i64: 1, 32>}, {transform_indices = @transform_3, window_bounds = array<i64: 2000, 32>}]} {
    %get3A = arith.constant 0 : index
    %get3A_0 = arith.constant 0 : index
    %get3A_1 = vector.load %arg1[%get3A, %get3A_0] : memref<2000x64xf32, #tpu.memory_space<vmem>>, vector<2000x64xf32>
    %get3A_2 = arith.constant 0 : index
    %get3A_3 = arith.constant 0 : index
    %get3A_4 = vector.load %arg2[%get3A_2, %get3A_3] : memref<64x32xf32, #tpu.memory_space<vmem>>, vector<64x32xf32>
    %dot_general3A = arith.constant dense<0.000000e+00> : vector<2000x32xf32>
    %dot_general3A_5 = tpu.matmul %get3A_1, %get3A_4, %dot_general3A {dimension_numbers = #tpu.dot_dimension_numbers<[1], [0], [0], [1], [0, 0, 1, 1], [], []>, precision = #tpu.contract_precision<fp32>, transpose_lhs_hint = false} : vector<2000x64xf32>, vector<64x32xf32>, vector<2000x32xf32> -> vector<2000x32xf32>
    %get3A_6 = arith.constant 0 : index
    %get3A_7 = arith.constant 0 : index
    %get3A_8 = vector.load %arg3[%get3A_6, %get3A_7] : memref<1x32xf32, #tpu.memory_space<vmem>>, vector<1x32xf32>
    %add3A = vector.broadcast %get3A_8 : vector<1x32xf32> to vector<2000x32xf32>
    %add3A_9 = arith.addf %dot_general3A_5, %add3A : vector<2000x32xf32>
    %swap3A = arith.constant 0 : index
    %swap3A_10 = arith.constant 0 : index
    %swap3A_11 = vector.load %arg4[%swap3A, %swap3A_10] : memref<2000x32xf32, #tpu.memory_space<vmem>>, vector<2000x32xf32>
    tpu.vector_store %arg4[%swap3A, %swap3A_10], %add3A_9 {strides = array<i32>} : memref<2000x32xf32, #tpu.memory_space<vmem>>, vector<2000x32xf32>,
    return
  }
  func.func @transform_0(%arg0: i32) -> (i32, i32) {
    %c0_i32 = arith.constant 0 : i32
    %c0_i32_0 = arith.constant 0 : i32
    return %arg0, %c0_i32 : i32, i32
  }
  func.func @transform_1(%arg0: i32) -> (i32, i32) {
    %c0_i32 = arith.constant 0 : i32
    %c0_i32_0 = arith.constant 0 : i32
    %c0_i32_1 = arith.constant 0 : i32
    return %c0_i32, %c0_i32_0 : i32, i32
  }
  func.func @transform_2(%arg0: i32) -> (i32, i32) {
    %c0_i32 = arith.constant 0 : i32
    %c0_i32_0 = arith.constant 0 : i32
    %c0_i32_1 = arith.constant 0 : i32
    return %c0_i32, %c0_i32_0 : i32, i32
  }
  func.func @transform_3(%arg0: i32) -> (i32, i32) {
    %c0_i32 = arith.constant 0 : i32
    %c0_i32_0 = arith.constant 0 : i32
    return %arg0, %c0_i32 : i32, i32
  }
}

module attributes {stable_mosaic.version = 14 : i64} {
  func.func @body(%arg0: i32, %arg1: memref<2x2000x32xf32, #tpu.memory_space<vmem>>, %arg2: memref<2x2000x16xf32, #tpu.memory_space<vmem>>, %arg3: memref<2000x32xf32, #tpu.memory_space<vmem>>, %arg4: memref<2000x32xf32, #tpu.memory_space<vmem>>) attributes {dimension_semantics = [#tpu.dimension_semantics<parallel>], iteration_bounds = array<i64: 5>, scalar_prefetch = 0 : i64, scratch_operands = 0 : i64, tpu.core_type = #tpu.core_type<tc>, window_params = [{transform_indices = @transform_0, window_bounds = array<i64: 2, 2000, 32>}, {transform_indices = @transform_1, window_bounds = array<i64: 2, 2000, 16>}, {transform_indices = @transform_2, window_bounds = array<i64: 2000, 32>}, {transform_indices = @transform_3, window_bounds = array<i64: 2000, 32>}]} {
    %get3A = arith.constant 0 : index
    %get3A_0 = arith.constant 0 : index
    %get3A_1 = arith.constant 0 : index
    %get3A_2 = vector.load %arg2[%get3A, %get3A_0, %get3A_1] : memref<2x2000x16xf32, #tpu.memory_space<vmem>>, vector<1x2000x1xf32>
    %get3A_3 = vector.shape_cast %get3A_2 : vector<1x2000x1xf32> to vector<2000x1xf32>
    %get3A_4 = arith.constant 1 : index
    %get3A_5 = arith.constant 0 : index
    %get3A_6 = arith.constant 0 : index
    %get3A_7 = vector.load %arg2[%get3A_4, %get3A_5, %get3A_6] : memref<2x2000x16xf32, #tpu.memory_space<vmem>>, vector<1x2000x1xf32>
    %get3A_8 = vector.shape_cast %get3A_7 : vector<1x2000x1xf32> to vector<2000x1xf32>
    %add3A = arith.addf %get3A_3, %get3A_8 : vector<2000x1xf32>
    %max3A = arith.constant 1.000000e+00 : f32
    %max3A_9 = vector.broadcast %max3A : f32 to vector<2000x1xf32>
    %max3A_10 = arith.maximumf %add3A, %max3A_9 : vector<2000x1xf32>
    %get3A_11 = arith.constant 0 : index
    %get3A_12 = arith.constant 0 : index
    %get3A_13 = arith.constant 0 : index
    %get3A_14 = vector.load %arg1[%get3A_11, %get3A_12, %get3A_13] : memref<2x2000x32xf32, #tpu.memory_space<vmem>>, vector<1x2000x32xf32>
    %get3A_15 = vector.shape_cast %get3A_14 : vector<1x2000x32xf32> to vector<2000x32xf32>
    %get3A_16 = arith.constant 1 : index
    %get3A_17 = arith.constant 0 : index
    %get3A_18 = arith.constant 0 : index
    %get3A_19 = vector.load %arg1[%get3A_16, %get3A_17, %get3A_18] : memref<2x2000x32xf32, #tpu.memory_space<vmem>>, vector<1x2000x32xf32>
    %get3A_20 = vector.shape_cast %get3A_19 : vector<1x2000x32xf32> to vector<2000x32xf32>
    %add3A_21 = arith.addf %get3A_15, %get3A_20 : vector<2000x32xf32>
    %div3A = vector.broadcast %max3A_10 : vector<2000x1xf32> to vector<2000x32xf32>
    %div3A_22 = arith.divf %add3A_21, %div3A : vector<2000x32xf32>
    %get3A_23 = arith.constant 0 : index
    %get3A_24 = arith.constant 0 : index
    %get3A_25 = vector.load %arg3[%get3A_23, %get3A_24] : memref<2000x32xf32, #tpu.memory_space<vmem>>, vector<2000x32xf32>
    %add3A_26 = arith.addf %div3A_22, %get3A_25 : vector<2000x32xf32>
    %swap3A = arith.constant 0 : index
    %swap3A_27 = arith.constant 0 : index
    %swap3A_28 = vector.load %arg4[%swap3A, %swap3A_27] : memref<2000x32xf32, #tpu.memory_space<vmem>>, vector<2000x32xf32>
    tpu.vector_store %arg4[%swap3A, %swap3A_27], %add3A_26 {strides = array<i32>} : memref<2000x32xf32, #tpu.memory_space<vmem>>, vector<2000x32xf32>,
    return
  }
  func.func @transform_0(%arg0: i32) -> (i32, i32, i32) {
    %c0_i32 = arith.constant 0 : i32
    %c0_i32_0 = arith.constant 0 : i32
    %c0_i32_1 = arith.constant 0 : i32
    return %c0_i32, %arg0, %c0_i32_0 : i32, i32, i32
  }
  func.func @transform_1(%arg0: i32) -> (i32, i32, i32) {
    %c0_i32 = arith.constant 0 : i32
    %c0_i32_0 = arith.constant 0 : i32
    %c0_i32_1 = arith.constant 0 : i32
    return %c0_i32, %arg0, %c0_i32_0 : i32, i32, i32
  }
  func.func @transform_2(%arg0: i32) -> (i32, i32) {
    %c0_i32 = arith.constant 0 : i32
    %c0_i32_0 = arith.constant 0 : i32
    return %arg0, %c0_i32 : i32, i32
  }
  func.func @transform_3(%arg0: i32) -> (i32, i32) {
    %c0_i32 = arith.constant 0 : i32
    %c0_i32_0 = arith.constant 0 : i32
    return %arg0, %c0_i32 : i32, i32
  }
}

</mosaic_0001>

<sc_bundles>
// kernel: kernel.10.cloned.1.call-start
scs
__scs_entry_jumppad:
0x0: {  	(pc) =	sbr.rel $0x88, $3  }
0x1: {  	(tag) =	ssettag $0x0;
	lr =	simm.s32 $0x1  }
0x2: {  	[smem:$0x3F99] =	sst lr;
	_ =	strace $0xD0000000  }
0x3: {  	_ = 	snop  }
0x4: {  	_ = 	snop  }
0x5: {  	_ = 	snop  }
0x6: {  	_ = 	snop  }
0x7: {  	_ = 	snop  }
__scs_overlays_trampoline_lowered:
0x8: {  	[smem:$0x3FA8] =	sst s0  }
0x9: {  	[smem:$0x3FA9] =	sst s1  }
0xa: {  	[smem:$0x3FAA] =	sst s2  }
0xb: {  	[smem:$0x3FAB] =	sst s3  }
0xc: {  	[smem:$0x3FAC] =	sst s4  }
0xd: {  	[smem:$0x3FAD] =	sst s5  }
0xe: {  	[smem:$0x3FAE] =	sst s6  }
0xf: {  	[smem:$0x3FAF] =	sst s7  }
0x10: {  	[smem:$0x3FB0] =	sst s8  }
0x11: {  	[smem:$0x3FB1] =	sst s9;
	s0 =	simm.s32 @!p0 $0x0  }
0x12: {  	s1 =	sld [smem:$0x3F97];
	s0 =	simm.s32 @p0 $0x1  }
0x13: {  	[smem:$0x3FB2] =	sst s0;
	s0 =	simm.s32 @!p1 $0x0  }
0x14: {  	s2 =	sld [smem:$0x3F96];
	s0 =	simm.s32 @p1 $0x1  }
0x15: {  	[smem:$0x3FB3] =	sst s0;
	s0 =	simm.s32 @!p2 $0x0  }
0x16: {  	s3 =	sld [smem:$0x3FDB];
	s0 =	simm.s32 @p2 $0x1  }
0x17: {  	s4 =	simm.s32 $0x1BF5;
	[smem:$0x3FB5] =	sst s0  }
0x18: {  	s0 =	sld [smem:$0x3F98];
	_ =	swait.ge [sflag:s4], $0x0  }
0x19: {  	s7 =	sld [smem:$0x3F99]  }
0x1a: {  	s8 =	sadd.s32 $0xFFFFE003, lr  }
0x1b: {  	s9 =	sadd.s32 $0xFFFFFEF7, lr;
	s5 =	simm.s32 $0xFFFFFFFF;
	p2 =	slt.u32 s8, $0xFFFFF086  }
0x1c: {  	p1 =	slt.u32 s9, $0xF7A;
	s5 =	simm.s32 @!p2 $0x0  }
0x1d: {  	s5 =	simm.s32 @p1 $0x1;
	p0 =	seq.s32 s7, s2  }
0x1e: {  	s7 =	smul.u32 @!p0 $0xF7A, s2;
	p2 =	seq.s32 @!p0 s5, $0x0  }
0x1f: {  	s9 =	smul.u32 $0xF7A, s1;
	s8 =	simm.s32 @!p0 $0x1BF5;
	p2 =	por !p2, p0  }
0x20: {  	[sflag:s8] =	ssyncset.s32 @!p0 $0xFFFFF086;
	s6 =	sadd.s32 @!p0 s3, s7;
	s7 =	simm.s32 @!p0 $0x108  }
0x21: {  	s3 =	sadd.s32 s3, s9;
	s6 =	sadd.s32 @!p0 $0x88, s6;
	s7 =	simm.s32 @p2 $0x1082  }
0x22: {  	[simem:s7], [sflag:s8] =	dma.local @!p0 [hbm:s6], $0xF7A  }
0x23: {  	s9 =	sor.u32 $0xD0000000, s2;
	s6 =	simm.s32 $0x108;
	_ =	swait.ge @!p0 [sflag:s8], $0x0  }
0x24: {  	s3 =	sadd.s32 $0x88, s3;
	s6 =	simm.s32 @!p1 $0x1082;
	[sflag:s4] =	ssyncset.s32 $0xFFFFF086  }
0x25: {  	[simem:s6], [sflag:s4] =	dma.local [hbm:s3], $0xF7A  }
0x26: {  	[smem:$0x3F99] =	sst s1;
	(tag) =	ssettag s2;
	_ =	strace s9  }
0x27: {  	s1 =	sld [smem:$0x3FA9]  }
0x28: {  	s2 =	sld [smem:$0x3FAA]  }
0x29: {  	s4 =	sld [smem:$0x3FAC]  }
0x2a: {  	p0 =	seq.s32 s5, $0x0;
	s5 =	sld [smem:$0x3FAD]  }
0x2b: {  	s6 =	sld [smem:$0x3FAE]  }
0x2c: {  	s7 =	sld [smem:$0x3FAF]  }
0x2d: {  	s3 =	simm.s32 $0x108;
	s8 =	sld [smem:$0x3FB0]  }
0x2e: {  	s3 =	simm.s32 @!p0 $0x1082;
	s9 =	sld [smem:$0x3FB1]  }
0x2f: {  	lr =	sadd.s32 s0, s3;
	s0 =	sld [smem:$0x3FA8]  }
0x30: {  	s3 =	sld [smem:$0x3FAB]  }
0x31: {  	[smem:$0x3FB4] =	sst s10  }
0x32: {  	s10 =	sld [smem:$0x3FB2];
	_ =	sdelay $0x3  }
0x33: {  	p0 =	seq.s32 s10, $0x1;
	s10 =	sld [smem:$0x3FB4];
	_ =	sdelay $0x3  }
0x34: {  	[smem:$0x3FB4] =	sst s10  }
0x35: {  	s10 =	sld [smem:$0x3FB3];
	_ =	sdelay $0x3  }
0x36: {  	p1 =	seq.s32 s10, $0x1;
	s10 =	sld [smem:$0x3FB4];
	_ =	sdelay $0x3  }
0x37: {  	[smem:$0x3FB4] =	sst s10  }
0x38: {  	s10 =	sld [smem:$0x3FB5]  }
0x39: {  	_ = 	snop;
	(pc) =	sbr.ind lr, $3  }
0x3a: {  	_ = 	snop  }
0x3b: {  	_ = 	snop  }
0x3c: {  	p2 =	seq.s32 s10, $0x1;
	s10 =	sld [smem:$0x3FB4]  }
0x3d: {  	_ =	shalt  }
0x3e: {  	_ =	shalt  }
0x3f: {  	_ =	shalt  }
0x40: {  	_ =	shalt  }
0x41: {  	_ =	shalt  }
0x42: {  	_ =	shalt  }
0x43: {  	_ =	shalt  }
0x44: {  	_ =	shalt  }
0x45: {  	_ =	shalt  }
0x46: {  	_ =	shalt  }
0x47: {  	_ =	shalt  }
0x48: {  	_ =	shalt  }
0x49: {  	_ =	shalt  }
0x4a: {  	_ =	shalt  }
0x4b: {  	_ =	shalt  }
0x4c: {  	_ =	shalt  }
0x4d: {  	_ =	shalt  }
0x4e: {  	_ =	shalt  }
0x4f: {  	_ =	shalt  }
0x50: {  	_ =	shalt  }
0x51: {  	_ =	shalt  }
0x52: {  	_ =	shalt  }
0x53: {  	_ =	shalt  }
0x54: {  	_ =	shalt  }
0x55: {  	_ =	shalt  }
0x56: {  	_ =	shalt  }
0x57: {  	_ =	shalt  }
0x58: {  	_ =	shalt  }
0x59: {  	_ =	shalt  }
0x5a: {  	_ =	shalt  }
0x5b: {  	_ =	shalt  }
0x5c: {  	_ =	shalt  }
0x5d: {  	_ =	shalt  }
0x5e: {  	_ =	shalt  }
0x5f: {  	_ =	shalt  }
0x60: {  	_ =	shalt  }
0x61: {  	_ =	shalt  }
0x62: {  	_ =	shalt  }
0x63: {  	_ =	shalt  }
0x64: {  	_ =	shalt  }
0x65: {  	_ =	shalt  }
0x66: {  	_ =	shalt  }
0x67: {  	_ =	shalt  }
0x68: {  	_ =	shalt  }
0x69: {  	_ =	shalt  }
0x6a: {  	_ =	shalt  }
0x6b: {  	_ =	shalt  }
0x6c: {  	_ =	shalt  }
0x6d: {  	_ =	shalt  }
0x6e: {  	_ =	shalt  }
0x6f: {  	_ =	shalt  }
0x70: {  	_ =	shalt  }
0x71: {  	_ =	shalt  }
0x72: {  	_ =	shalt  }
0x73: {  	_ =	shalt  }
0x74: {  	_ =	shalt  }
0x75: {  	_ =	shalt  }
0x76: {  	_ =	shalt  }
0x77: {  	_ =	shalt  }
0x78: {  	_ =	shalt  }
0x79: {  	_ =	shalt  }
0x7a: {  	_ =	shalt  }
0x7b: {  	_ =	shalt  }
0x7c: {  	_ =	shalt  }
0x7d: {  	_ =	shalt  }
0x7e: {  	_ =	shalt  }
0x7f: {  	_ =	shalt  }
0x80: {  	_ =	shalt  }
0x81: {  	_ =	shalt  }
0x82: {  	_ =	shalt  }
0x83: {  	_ =	shalt  }
0x84: {  	_ =	shalt  }
0x85: {  	_ =	shalt  }
0x86: {  	_ =	shalt  }
0x87: {  	_ =	shalt  }
.Lfunc_end0:
.L_simem_size_0:
called_computation_lowered:
.L_overlay_start_0:
0x88: {  	s2 =	sld [smem:$0x3FD9]  }
0x89: {  	s3 =	sld [smem:$0x3FFE];
	_ =	sdelay $0x1  }
0x8a: {  	s1 =	srdreg.scid  }
0x8b: {  	s0 =	sand.u32 $0x1, s1  }
0x8c: {  	s17 =	sshll.u32 s0, $0xA;
	s2 =	sadd.s32 s3, s2  }
0x8d: {  	s2 =	sadd.s32 s2, s17  }
0x8e: {  	[smem:$0x3FC0] =	sst s2  }
0x8f: {  	_ = 	snop  }
0x90: {  	s2 =	sld [smem:$0x3FD0];
	(tm) =	ssettm $0x1  }
0x91: {  	s18 =	sld [smem:$0x3FFB];
	_ =	sdelay $0x3  }
0x92: {  	_ =	strace s18  }
0x93: {  	s3 =	sld [smem:$0x3FFC];
	_ =	sdelay $0x3  }
0x94: {  	_ =	strace s3  }
0x95: {  	s3 =	sld [smem:$0x3FFD];
	_ =	sdelay $0x3  }
0x96: {  	_ =	strace s3  }
0x97: {  	_ =	strace $0x8FFFFFFF  }
0x98: {  	s19 =	sld [smem:$0x3FDB];
	_ =	sdelay $0x1  }
0x99: {  	s4 =	simm.s32 $_scs_section_size  }
0x9a: {  	s5 =	simm.s32 $_size__tile_overlayer_lowered;
	s6 =	simm.s32 $_tile_overlayer_lowered  }
0x9b: {  	s22 =	simm.s32 $0x1BFF;
	s21 =	sshll.u32 s6, $0x1;
	s3 =	sadd.s32 s4, s19  }
0x9c: {  	s7 =	simm.s32 $0x0;
	s20 =	sshll.u32 s5, $0x1;
	s5 =	sadd.s32 s21, s3  }
0x9d: {  	[timem:s7], [sflag:s22] =	dma.local [hbm:s5], s20  }
0x9e: {  	_ =	swait.ge [sflag:s22], s20  }
0x9f: {  	s4 =	ssub.s32 $0x0, s20;
	[sflag:s22] =	ssyncset.done $0x0  }
0xa0: {  	[sflag:s22] =	ssyncadd.s32 s4;
	_ =	sdelay $0x1  }
0xa1: {  	s23 =	simm.s32 $0x1B8B  }
0xa2: {  	_ =	swait.ge [sflag:s23], $0x1  }
0xa3: {  	[sflag:s23] =	ssyncset.done $0x0  }
0xa4: {  	s25 =	simm.s32 $0x1B8E;
	s24 =	sld [smem:$0x3FFE];
	[sflag:s23] =	ssyncadd.s32 $0xFFFFFFFF  }
0xa5: {  	s26 =	simm.s32 $execute0_lowered;
	[smem:$0x3FD2] =	sst s25  }
0xa6: {  	s5 =	sshll.u32 s26, $0x1;
	_ =	strace $0x80000046;
	[dreg:$0x1] =	wrdreg $0xFFFFFFFF  }
0xa7: {  	s28 =	simm.s32 $_size_execute0_lowered;
	s3 =	sadd.s32 s3, s5;
	[dreg:$0x0] =	wrdreg $0x0  }
0xa8: {  	s5 =	sshll.u32 s28, $0x1;
	[dreg:$0x2] =	wrdreg s3  }
0xa9: {  	[dreg:$0x3] =	wrdreg s5  }
0xaa: {  	[dreg:$0x4] =	wrdreg $0xC0  }
0xab: {  	_ =	task [dreg:s7], $0x5FFFF  }
0xac: {  	[dreg:$0x1] =	wrdreg $0xFFFFFFFF  }
0xad: {  	[dreg:$0x0] =	wrdreg $0x60  }
0xae: {  	[dreg:$0x2] =	wrdreg s24  }
0xaf: {  	[dreg:$0x3] =	wrdreg s2  }
0xb0: {  	[dreg:$0x4] =	wrdreg $0x33900  }
0xb1: {  	[dreg:$0x5] =	wrdreg $0x9  }
0xb2: {  	_ =	task.clear_ibuf [dreg:s7], $0x6FFFF;
	_ =	strace $0x90000046  }
0xb3: {  	s29 =	simm.s32 $0x9;
	_ =	strace $0x80000048  }
0xb4: {  	_ =	swait.ge [sflag:s29], $0x1  }
0xb5: {  	[sflag:s29] =	ssyncadd.s32 $0xFFFFFFFF  }
0xb6: {  	_ =	strace $0x90000048  }
0xb7: {  	_ =	sfence  }
0xb8: {  	s30 =	sld [smem:$0x0];
	_ =	sdelay $0x2  }
0xb9: {  	s31 =	sshll.u32 s1, $0xD;
	s1 =	sshrl.u32 s1, $0x2  }
0xba: {  	s3 =	sand.u32 $0x4000, s31;
	s1 =	sadd.s32 s1, s30  }
0xbb: {  	s0 =	sor.u32 s3, s0;
	s1 =	sshll.u32 s1, $0x11  }
0xbc: {  	s0 =	sor.u32 s1, s0  }
0xbd: {  	s0 =	sadd.s32 $0x8F2B, s0  }
0xbe: {  	[sflag:s0] =	ssyncadd.remote.s32 $0x1  }
0xbf: {  	_ =	sfence.sel $0xFFFF  }
0xc0: {  	[dreg:$0x0] =	wrdreg $0xFFFFFFFF;
	(pc) =	sbr.abs _section_cstart, $3  }
0xc1: {  	[dreg:$0x1] =	wrdreg $0xFFFFFFFF  }
0xc2: {  	_ =	task.clear_ibuf [dreg:s7], $0x2FFFF;
	_ =	strace $0x9FFFFFFF  }
0xc3: {  	(tm) =	ssettm $0x7FFFFFFF  }
tec
execute0_lowered:
.L_overlay_start_1:
0x0: {  	(tag) =	ssettag $0x1  }
0x1: {  	s6 =	rddreg [dreg:$0x0]  }
0x2: {  	s8 =	rddreg [dreg:$0x1]  }
0x3: {  	s1 =	rddreg [dreg:$0x2]  }
0x4: {  	s0 =	rddreg [dreg:$0x3];
	s3 =	simm.s32 $0x0;
	s2 =	stileid.u32  }
0x5: {  	s4 =	srdreg.scid;
	s14 =	simm.s32 $0x1;
	s15 =	simm.s32 $0x2  }
0x6: {  	s16 =	simm.s32 $0x0;
	[smem:$0x7FF] =	sst s3;
	s7 =	smul.u32 $0x2780, s2  }
0x7: {  	s5 =	sand.u32 $0x1, s4;
	s9 =	sshll.u32 s2, $0x1;
	s4 =	sadd.s32 $0x1AC00, s6  }
0x8: {  	s30 =	sshll.u32 s2, $0x6;
	_ =	strace $0x80000047;
	s10 =	ssub.s32 $0x2, s5  }
0x9: {  	s9 =	sor.u32 s5, s9;
	s29 =	smul.u32 $0x27800, s5;
	s11 =	sshrl.u32 s7, $0x3  }
0xa: {  	s12 =	sshrl.u32 s10, $0x1;
	s9 =	smul.u32 $0x2710, s9;
	s13 =	sadd.s32 s7, s1  }
0xb: {  	s11 =	sadd.s32 s11, s6;
	s10 =	ssub.s32 s10, s12;
	s12 =	sadd.s32 s7, s29  }
0xc: {  	s5 =	sadd.s32 $0x15C00, s11;
	s9 =	sshrl.u32 s9, $0x3;
	s31 =	sshrl.u32 s12, $0x3  }
0xd: {  	s11 =	simm.s32 $0x3;
	s12 =	simm.s32 $0x2710;
	s9 =	sadd.s32 s6, s9  }
0xe: {  	s6 =	sor.u32 $0x1C03, s30;
	s8 =	sadd.s32 s8, s31;
	s7 =	sadd.s32 $0xBE40, s9  }
0xf: {  	s9 =	smax.u32 s10, $0x1;
	s10 =	sshrl.u32 s13, $0x3;
	s13 =	simm.s32 $0xC8  }
.LBB2_1:
0x10: {  	[spmem:s10], [sflag:s6] =	dma.local [hbm:s5], $0x4F0  }
0x11: {  	_ =	swait.ge [sflag:s11], $0x4F0  }
0x12: {  	[sflag:s11] =	ssyncset.done $0x0  }
0x13: {  	[sflag:s11] =	ssyncadd.s32 $0xFFFFFB10  }
0x14: {  	[tilespmem:s12], [sflag:$0x3] =	stream.linear.gather [hbm4b:s4+s3], $0xC80, $0x38;
	[tilespmem:$0x5B10] =	vst v63  }
0x15: {  	_ =	swait.ge [sflag:s11], $0xC80  }
0x16: {  	[sflag:s11] =	ssyncset.done $0x0  }
0x17: {  	[sflag:s11] =	ssyncadd.s32 $0xFFFFF380  }
0x18: {  	[tilespmem:s3], [sflag:$0x3] =	stream.linear.gather [hbm4b:s7+s3], $0x2710, $0x38;
	[tilespmem:$0x5B10] =	vst v63  }
0x19: {  	_ =	swait.ge [sflag:s11], $0x2710  }
0x1a: {  	[sflag:s11] =	ssyncset.done $0x0  }
0x1b: {  	[sflag:s11] =	ssyncadd.s32 $0xFFFFD8F0  }
0x1c: {  	[bflag:$0x0] =	sbarrier.arrive $0xFFFF  }
0x1d: {  	[spmem:s1] =	stream.indirect.scatter.add.f32 [tilespmem:s12], [sflag:$0x1], $0x10, s3, s13, $0xb8;
	[tilespmem:$0x5B10] =	vst v63  }
0x1e: {  	_ =	swait.ge [sflag:s14], $0xC80  }
0x1f: {  	[sflag:s14] =	ssyncset.done $0x0  }
0x20: {  	[sflag:s14] =	ssyncadd.s32 $0xFFFFF380  }
0x21: {  	[spmem:s1] =	stream.indirect.scatter.add.f32 [tilespmem:s12], [sflag:$0x2], $0x10, s13, s13, $0xb8;
	[tilespmem:$0x5B10] =	vst v63  }
0x22: {  	_ =	swait.ge [sflag:s15], $0xC80  }
0x23: {  	[sflag:s15] =	ssyncset.done $0x0  }
0x24: {  	s17 =	simm.s32 $0x190;
	[sflag:s15] =	ssyncadd.s32 $0xFFFFF380  }
0x25: {  	[spmem:s1] =	stream.indirect.scatter.add.f32 [tilespmem:s12], [sflag:$0x1], $0x10, s17, s13, $0xb8;
	[tilespmem:$0x5B10] =	vst v63  }
0x26: {  	_ =	swait.ge [sflag:s14], $0xC80  }
0x27: {  	[sflag:s14] =	ssyncset.done $0x0  }
0x28: {  	s18 =	simm.s32 $0x258;
	s17 =	simm.s32 $0xFFFF7040;
	[sflag:s14] =	ssyncadd.s32 $0xFFFFF380  }
.LBB2_2:
0x29: {  	[spmem:s1] =	stream.indirect.scatter.add.f32 [tilespmem:s12], [sflag:$0x2], $0x10, s18, s13, $0xb8;
	[tilespmem:$0x5B10] =	vst v63  }
0x2a: {  	s18 =	smov.u32 s17  }
0x2b: {  	p0 =	sne.s32 s17, $0xFFFFF9C0;
	s17 =	sadd.s32 $0x640, s17;
	_ =	swait.ge [sflag:s15], $0xC80  }
0x2c: {  	s18 =	sshra.s32 s18, $0x2;
	[sflag:s15] =	ssyncset.done $0x0  }
.Ltmp0:
0x2d: {  	s19 =	sadd.s32 $0x2710, s18;
	[sflag:s15] =	ssyncadd.s32 $0xFFFFF380;
	(pc) =	sbr.rel @p0 .LBB2_2-.Ltmp0, $4  }
0x2e: {  	[spmem:s1] =	stream.indirect.scatter.add.f32 [tilespmem:s12], [sflag:$0x1], $0x10, s19, s13, $0xb8;
	[tilespmem:$0x5B10] =	vst v63  }
0x2f: {  	_ =	swait.ge [sflag:s14], $0xC80  }
0x30: {  	[sflag:s14] =	ssyncset.done $0x0  }
0x31: {  	s18 =	sadd.s32 $0x27D8, s18;
	[sflag:s14] =	ssyncadd.s32 $0xFFFFF380  }
0x32: {  	[spmem:s1] =	stream.indirect.scatter.add.f32 [tilespmem:s12], [sflag:$0x2], $0x10, s18, s13, $0xb8;
	[tilespmem:$0x5B10] =	vst v63  }
0x33: {  	_ =	swait.ge [sflag:s15], $0xC80  }
0x34: {  	s16 =	sadd.s32 $0x1, s16;
	[sflag:s15] =	ssyncset.done $0x0  }
0x35: {  	p0 =	sne.s32 s16, s9;
	[sflag:s15] =	ssyncadd.s32 $0xFFFFF380  }
.Ltmp1:
0x36: {  	[bflag:$0x0] =	sbarrier.arrive $0xFFFF;
	(pc) =	sbr.rel @p0 .LBB2_1-.Ltmp1, $4  }
0x37: {  	[hbm:s8], [sflag:s6] =	dma.local [spmem:s10], $0x4F0  }
0x38: {  	_ =	swait.ge [sflag:s11], $0x4F0  }
0x39: {  	[sflag:s11] =	ssyncset.done $0x0  }
0x3a: {  	[sflag:s11] =	ssyncadd.s32 $0xFFFFFB10  }
0x3b: {  	_ =	sfence.sel $0x180000  }
0x3c: {  	[bflag:$0x0] =	sbarrier.arrive $0xFFFF  }
0x3d: {  	p0 =	sne.s32 s2, $0x0;
	_ =	strace $0x90000047  }
0x3e: {  	s0 =	sadd.s32 @!p0 $0x100000, s0;
	[bflag:$0x2] =	sbarrier.arrive $0xFFFF  }
0x3f: {  	[sflag:s0] =	ssyncadd.tile.s32 @!p0 $0x1;
	_ =	shalt  }
.Lfunc_end2:
_tile_overlayer_lowered:
.L_overlay_start_2:
0x40: {  	(tag) =	ssettag $0x2  }
0x41: {  	s0 =	rddreg [dreg:$0x0];
	s2 =	stileid.u32  }
0x42: {  	s1 =	rddreg [dreg:$0x1];
	p0 =	sne.s32 s2, $0x0  }
0x43: {  	s3 =	rddreg [dreg:$0x2];
	[bflag:$0x3] =	sbarrier.arrive $0xFFFF;
	s2 =	simm.s32 @!p0 $0x1C03  }
0x44: {  	[timem:s3], [sflag:s2] =	dma.local @!p0 [hbm:s0], s1  }
0x45: {  	s0 =	simm.s32 @!p0 $0x3  }
0x46: {  	_ =	swait.ge @!p0 [sflag:s0], s1  }
0x47: {  	s1 =	ssub.s32 @!p0 $0x0, s1;
	[sflag:s0] =	ssyncset.done @!p0 $0x0  }
0x48: {  	[sflag:s0] =	ssyncadd.s32 @!p0 s1  }
0x49: {  	[bflag:$0x3] =	sbarrier.arrive $0xFFFF  }
0x4a: {  	_ =	shalt  }

// kernel: kernel.13.cloned.1.call-start
scs
__scs_entry_jumppad:
0x0: {  	(pc) =	sbr.rel $0x88, $3  }
0x1: {  	(tag) =	ssettag $0x0;
	lr =	simm.s32 $0x1  }
0x2: {  	[smem:$0x3F99] =	sst lr;
	_ =	strace $0xD0000000  }
0x3: {  	_ = 	snop  }
0x4: {  	_ = 	snop  }
0x5: {  	_ = 	snop  }
0x6: {  	_ = 	snop  }
0x7: {  	_ = 	snop  }
__scs_overlays_trampoline_lowered:
0x8: {  	[smem:$0x3FA8] =	sst s0  }
0x9: {  	[smem:$0x3FA9] =	sst s1  }
0xa: {  	[smem:$0x3FAA] =	sst s2  }
0xb: {  	[smem:$0x3FAB] =	sst s3  }
0xc: {  	[smem:$0x3FAC] =	sst s4  }
0xd: {  	[smem:$0x3FAD] =	sst s5  }
0xe: {  	[smem:$0x3FAE] =	sst s6  }
0xf: {  	[smem:$0x3FAF] =	sst s7  }
0x10: {  	[smem:$0x3FB0] =	sst s8  }
0x11: {  	[smem:$0x3FB1] =	sst s9;
	s0 =	simm.s32 @!p0 $0x0  }
0x12: {  	s1 =	sld [smem:$0x3F97];
	s0 =	simm.s32 @p0 $0x1  }
0x13: {  	[smem:$0x3FB2] =	sst s0;
	s0 =	simm.s32 @!p1 $0x0  }
0x14: {  	s2 =	sld [smem:$0x3F96];
	s0 =	simm.s32 @p1 $0x1  }
0x15: {  	[smem:$0x3FB3] =	sst s0;
	s0 =	simm.s32 @!p2 $0x0  }
0x16: {  	s3 =	sld [smem:$0x3FDB];
	s0 =	simm.s32 @p2 $0x1  }
0x17: {  	s4 =	simm.s32 $0x1BF5;
	[smem:$0x3FB5] =	sst s0  }
0x18: {  	s0 =	sld [smem:$0x3F98];
	_ =	swait.ge [sflag:s4], $0x0  }
0x19: {  	s7 =	sld [smem:$0x3F99]  }
0x1a: {  	s8 =	sadd.s32 $0xFFFFE003, lr  }
0x1b: {  	s9 =	sadd.s32 $0xFFFFFEF7, lr;
	s5 =	simm.s32 $0xFFFFFFFF;
	p2 =	slt.u32 s8, $0xFFFFF086  }
0x1c: {  	p1 =	slt.u32 s9, $0xF7A;
	s5 =	simm.s32 @!p2 $0x0  }
0x1d: {  	s5 =	simm.s32 @p1 $0x1;
	p0 =	seq.s32 s7, s2  }
0x1e: {  	s7 =	smul.u32 @!p0 $0xF7A, s2;
	p2 =	seq.s32 @!p0 s5, $0x0  }
0x1f: {  	s9 =	smul.u32 $0xF7A, s1;
	s8 =	simm.s32 @!p0 $0x1BF5;
	p2 =	por !p2, p0  }
0x20: {  	[sflag:s8] =	ssyncset.s32 @!p0 $0xFFFFF086;
	s6 =	sadd.s32 @!p0 s3, s7;
	s7 =	simm.s32 @!p0 $0x108  }
0x21: {  	s3 =	sadd.s32 s3, s9;
	s6 =	sadd.s32 @!p0 $0x88, s6;
	s7 =	simm.s32 @p2 $0x1082  }
0x22: {  	[simem:s7], [sflag:s8] =	dma.local @!p0 [hbm:s6], $0xF7A  }
0x23: {  	s9 =	sor.u32 $0xD0000000, s2;
	s6 =	simm.s32 $0x108;
	_ =	swait.ge @!p0 [sflag:s8], $0x0  }
0x24: {  	s3 =	sadd.s32 $0x88, s3;
	s6 =	simm.s32 @!p1 $0x1082;
	[sflag:s4] =	ssyncset.s32 $0xFFFFF086  }
0x25: {  	[simem:s6], [sflag:s4] =	dma.local [hbm:s3], $0xF7A  }
0x26: {  	[smem:$0x3F99] =	sst s1;
	(tag) =	ssettag s2;
	_ =	strace s9  }
0x27: {  	s1 =	sld [smem:$0x3FA9]  }
0x28: {  	s2 =	sld [smem:$0x3FAA]  }
0x29: {  	s4 =	sld [smem:$0x3FAC]  }
0x2a: {  	p0 =	seq.s32 s5, $0x0;
	s5 =	sld [smem:$0x3FAD]  }
0x2b: {  	s6 =	sld [smem:$0x3FAE]  }
0x2c: {  	s7 =	sld [smem:$0x3FAF]  }
0x2d: {  	s3 =	simm.s32 $0x108;
	s8 =	sld [smem:$0x3FB0]  }
0x2e: {  	s3 =	simm.s32 @!p0 $0x1082;
	s9 =	sld [smem:$0x3FB1]  }
0x2f: {  	lr =	sadd.s32 s0, s3;
	s0 =	sld [smem:$0x3FA8]  }
0x30: {  	s3 =	sld [smem:$0x3FAB]  }
0x31: {  	[smem:$0x3FB4] =	sst s10  }
0x32: {  	s10 =	sld [smem:$0x3FB2];
	_ =	sdelay $0x3  }
0x33: {  	p0 =	seq.s32 s10, $0x1;
	s10 =	sld [smem:$0x3FB4];
	_ =	sdelay $0x3  }
0x34: {  	[smem:$0x3FB4] =	sst s10  }
0x35: {  	s10 =	sld [smem:$0x3FB3];
	_ =	sdelay $0x3  }
0x36: {  	p1 =	seq.s32 s10, $0x1;
	s10 =	sld [smem:$0x3FB4];
	_ =	sdelay $0x3  }
0x37: {  	[smem:$0x3FB4] =	sst s10  }
0x38: {  	s10 =	sld [smem:$0x3FB5]  }
0x39: {  	_ = 	snop;
	(pc) =	sbr.ind lr, $3  }
0x3a: {  	_ = 	snop  }
0x3b: {  	_ = 	snop  }
0x3c: {  	p2 =	seq.s32 s10, $0x1;
	s10 =	sld [smem:$0x3FB4]  }
0x3d: {  	_ =	shalt  }
0x3e: {  	_ =	shalt  }
0x3f: {  	_ =	shalt  }
0x40: {  	_ =	shalt  }
0x41: {  	_ =	shalt  }
0x42: {  	_ =	shalt  }
0x43: {  	_ =	shalt  }
0x44: {  	_ =	shalt  }
0x45: {  	_ =	shalt  }
0x46: {  	_ =	shalt  }
0x47: {  	_ =	shalt  }
0x48: {  	_ =	shalt  }
0x49: {  	_ =	shalt  }
0x4a: {  	_ =	shalt  }
0x4b: {  	_ =	shalt  }
0x4c: {  	_ =	shalt  }
0x4d: {  	_ =	shalt  }
0x4e: {  	_ =	shalt  }
0x4f: {  	_ =	shalt  }
0x50: {  	_ =	shalt  }
0x51: {  	_ =	shalt  }
0x52: {  	_ =	shalt  }
0x53: {  	_ =	shalt  }
0x54: {  	_ =	shalt  }
0x55: {  	_ =	shalt  }
0x56: {  	_ =	shalt  }
0x57: {  	_ =	shalt  }
0x58: {  	_ =	shalt  }
0x59: {  	_ =	shalt  }
0x5a: {  	_ =	shalt  }
0x5b: {  	_ =	shalt  }
0x5c: {  	_ =	shalt  }
0x5d: {  	_ =	shalt  }
0x5e: {  	_ =	shalt  }
0x5f: {  	_ =	shalt  }
0x60: {  	_ =	shalt  }
0x61: {  	_ =	shalt  }
0x62: {  	_ =	shalt  }
0x63: {  	_ =	shalt  }
0x64: {  	_ =	shalt  }
0x65: {  	_ =	shalt  }
0x66: {  	_ =	shalt  }
0x67: {  	_ =	shalt  }
0x68: {  	_ =	shalt  }
0x69: {  	_ =	shalt  }
0x6a: {  	_ =	shalt  }
0x6b: {  	_ =	shalt  }
0x6c: {  	_ =	shalt  }
0x6d: {  	_ =	shalt  }
0x6e: {  	_ =	shalt  }
0x6f: {  	_ =	shalt  }
0x70: {  	_ =	shalt  }
0x71: {  	_ =	shalt  }
0x72: {  	_ =	shalt  }
0x73: {  	_ =	shalt  }
0x74: {  	_ =	shalt  }
0x75: {  	_ =	shalt  }
0x76: {  	_ =	shalt  }
0x77: {  	_ =	shalt  }
0x78: {  	_ =	shalt  }
0x79: {  	_ =	shalt  }
0x7a: {  	_ =	shalt  }
0x7b: {  	_ =	shalt  }
0x7c: {  	_ =	shalt  }
0x7d: {  	_ =	shalt  }
0x7e: {  	_ =	shalt  }
0x7f: {  	_ =	shalt  }
0x80: {  	_ =	shalt  }
0x81: {  	_ =	shalt  }
0x82: {  	_ =	shalt  }
0x83: {  	_ =	shalt  }
0x84: {  	_ =	shalt  }
0x85: {  	_ =	shalt  }
0x86: {  	_ =	shalt  }
0x87: {  	_ =	shalt  }
.Lfunc_end0:
.L_simem_size_0:
called_computation.1_lowered:
.L_overlay_start_0:
0x88: {  	s2 =	sld [smem:$0x3FD9]  }
0x89: {  	s3 =	sld [smem:$0x3FFE];
	_ =	sdelay $0x1  }
0x8a: {  	s1 =	srdreg.scid  }
0x8b: {  	s0 =	sand.u32 $0x1, s1  }
0x8c: {  	s17 =	sshll.u32 s0, $0xA;
	s2 =	sadd.s32 s3, s2  }
0x8d: {  	s2 =	sadd.s32 s2, s17  }
0x8e: {  	[smem:$0x3FC0] =	sst s2  }
0x8f: {  	_ = 	snop  }
0x90: {  	(tm) =	ssettm $0x1  }
0x91: {  	s18 =	sld [smem:$0x3FFB];
	_ =	sdelay $0x3  }
0x92: {  	_ =	strace s18  }
0x93: {  	s2 =	sld [smem:$0x3FFC];
	_ =	sdelay $0x3  }
0x94: {  	_ =	strace s2  }
0x95: {  	s2 =	sld [smem:$0x3FFD];
	_ =	sdelay $0x3  }
0x96: {  	_ =	strace s2  }
0x97: {  	_ =	strace $0x8FFFFFFF  }
0x98: {  	s19 =	sld [smem:$0x3FDB];
	_ =	sdelay $0x1  }
0x99: {  	s20 =	simm.s32 $_scs_section_size  }
0x9a: {  	s4 =	simm.s32 $_size__tile_overlayer_lowered;
	s5 =	simm.s32 $_tile_overlayer_lowered  }
0x9b: {  	s6 =	simm.s32 $0x1BFF;
	s21 =	sshll.u32 s5, $0x1;
	s3 =	sadd.s32 s20, s19  }
0x9c: {  	s22 =	simm.s32 $0x0;
	s4 =	sshll.u32 s4, $0x1;
	s5 =	sadd.s32 s21, s3  }
0x9d: {  	[timem:s22], [sflag:s6] =	dma.local [hbm:s5], s4  }
0x9e: {  	_ =	swait.ge [sflag:s6], s4  }
0x9f: {  	s4 =	ssub.s32 $0x0, s4;
	[sflag:s6] =	ssyncset.done $0x0  }
0xa0: {  	[sflag:s6] =	ssyncadd.s32 s4;
	_ =	sdelay $0x1  }
0xa1: {  	s23 =	simm.s32 $0x1B8B  }
0xa2: {  	_ =	swait.ge [sflag:s23], $0x1  }
0xa3: {  	[sflag:s23] =	ssyncset.done $0x0  }
0xa4: {  	[sflag:s23] =	ssyncadd.s32 $0xFFFFFFFF  }
0xa5: {  	s4 =	sld [smem:$0x0]  }
0xa6: {  	s5 =	sand.u32 $0xFFFFFFFE, s1  }
0xa7: {  	p0 =	sne.s32 s1, s5  }
0xa8: {  	s5 =	sshll.u32 @p0 s5, $0xE  }
0xa9: {  	s5 =	sadd.s32 @p0 $0x11B8D, s5;
	s6 =	sshll.u32 @p0 s4, $0x11  }
0xaa: {  	s5 =	sor.u32 @p0 s6, s5  }
0xab: {  	[sflag:s5] =	ssyncadd.remote.s32 @p0 $0x1;
	_ =	sdelay $0x1  }
0xac: {  	s5 =	simm.s32 @p0 $0x1B8D  }
0xad: {  	_ =	swait.eq @p0 [sflag:s5], $0x1  }
0xae: {  	[sflag:s5] =	ssyncadd.s32 @p0 $0xFFFFFFFF  }
0xaf: {  	s6 =	sshll.u32 @!p0 s1, $0xE  }
0xb0: {  	s6 =	sor.u32 @!p0 $0x4000, s6;
	s5 =	simm.s32 @!p0 $0x1B8D  }
0xb1: {  	s4 =	sshll.u32 @!p0 s4, $0x11;
	s6 =	sadd.s32 @!p0 $0x11B8D, s6;
	_ =	swait.eq @!p0 [sflag:s5], $0x1  }
0xb2: {  	s4 =	sor.u32 @!p0 s4, s6;
	[sflag:s5] =	ssyncadd.s32 @!p0 $0xFFFFFFFF  }
0xb3: {  	s25 =	simm.s32 $0x1B8E;
	s24 =	sld [smem:$0x3FFE];
	[sflag:s4] =	ssyncadd.remote.s32 @!p0 $0x1  }
0xb4: {  	s26 =	simm.s32 $execute0_lowered;
	[smem:$0x3FD2] =	sst s25  }
0xb5: {  	s5 =	sshll.u32 s26, $0x1;
	_ =	strace $0x80000049;
	[dreg:$0x1] =	wrdreg $0xFFFFFFFF  }
0xb6: {  	s28 =	simm.s32 $_size_execute0_lowered;
	s3 =	sadd.s32 s3, s5;
	[dreg:$0x0] =	wrdreg $0x0  }
0xb7: {  	s5 =	sshll.u32 s28, $0x1;
	[dreg:$0x2] =	wrdreg s3  }
0xb8: {  	[dreg:$0x3] =	wrdreg s5  }
0xb9: {  	[dreg:$0x4] =	wrdreg $0xC0  }
0xba: {  	_ =	task [dreg:s22], $0x5FFFF  }
0xbb: {  	[dreg:$0x1] =	wrdreg $0xFFFFFFFF  }
0xbc: {  	[dreg:$0x0] =	wrdreg $0x60  }
0xbd: {  	[dreg:$0x2] =	wrdreg s24  }
0xbe: {  	[dreg:$0x3] =	wrdreg $0x116200  }
0xbf: {  	[dreg:$0x4] =	wrdreg $0xA  }
0xc0: {  	_ =	task.clear_ibuf [dreg:s22], $0x5FFFF;
	_ =	strace $0x90000049  }
0xc1: {  	s29 =	simm.s32 $0xA;
	_ =	strace $0x8000004B  }
0xc2: {  	_ =	swait.ge [sflag:s29], $0x1  }
0xc3: {  	[sflag:s29] =	ssyncadd.s32 $0xFFFFFFFF  }
0xc4: {  	_ =	strace $0x9000004B  }
0xc5: {  	_ =	sfence  }
0xc6: {  	s30 =	sld [smem:$0x0];
	_ =	sdelay $0x2  }
0xc7: {  	s31 =	sshll.u32 s1, $0xD;
	s1 =	sshrl.u32 s1, $0x2  }
0xc8: {  	s4 =	sand.u32 $0x4000, s31;
	s1 =	sadd.s32 s1, s30  }
0xc9: {  	s0 =	sor.u32 s4, s0;
	s1 =	sshll.u32 s1, $0x11  }
0xca: {  	s0 =	sor.u32 s1, s0  }
0xcb: {  	s0 =	sadd.s32 $0x8F2B, s0  }
0xcc: {  	[sflag:s0] =	ssyncadd.remote.s32 $0x1  }
0xcd: {  	_ =	sfence.sel $0xFFFF  }
0xce: {  	[dreg:$0x0] =	wrdreg $0xFFFFFFFF;
	(pc) =	sbr.abs _section_cstart, $3  }
0xcf: {  	[dreg:$0x1] =	wrdreg $0xFFFFFFFF  }
0xd0: {  	_ =	task.clear_ibuf [dreg:s22], $0x2FFFF;
	_ =	strace $0x9FFFFFFF  }
0xd1: {  	(tm) =	ssettm $0x7FFFFFFF  }
tec
execute0_lowered:
.L_overlay_start_1:
0x0: {  	(tag) =	ssettag $0x1  }
0x1: {  	s0 =	rddreg [dreg:$0x0]  }
0x2: {  	s2 =	rddreg [dreg:$0x1];
	s3 =	simm.s32 $0x0  }
0x3: {  	s12 =	stileid.u32;
	s1 =	srdreg.scid;
	s13 =	simm.s32 $0x2710  }
0x4: {  	s14 =	simm.s32 $0xC8;
	s15 =	simm.s32 $0x4E20;
	s16 =	simm.s32 $0x8020  }
0x5: {  	s18 =	simm.s32 $0xB220;
	s19 =	simm.s32 $0x1;
	s21 =	simm.s32 $0xE420  }
0x6: {  	s22 =	simm.s32 $0x2;
	s23 =	simm.s32 $0x5;
	s28 =	simm.s32 $0x6  }
0x7: {  	s31 =	simm.s32 $0x4;
	s20 =	simm.s32 $0x8;
	s24 =	simm.s32 $0x4C90  }
0x8: {  	s29 =	simm.s32 $0x0;
	[smem:$0x7FF] =	sst s3;
	s5 =	smul.u32 $0x9E00, s12  }
0x9: {  	s1 =	sand.u32 $0x1, s1;
	s4 =	sadd.s32 $0x1AE00, s0;
	s8 =	sadd.s32 $0x2200, s0  }
0xa: {  	s9 =	sshll.u32 s12, $0x1;
	s26 =	sshll.u32 s12, $0x6;
	s12 =	simm.s32 $0x9  }
0xb: {  	s6 =	smul.u32 $0x9E000, s1;
	s10 =	ssub.s32 $0x2, s1;
	s1 =	sor.u32 s1, s9  }
0xc: {  	_ =	strace $0x8000004A;
	s7 =	sshrl.u32 s5, $0x3;
	s9 =	smul.u32 $0x2710, s1  }
0xd: {  	s25 =	sshrl.u32 s10, $0x1;
	s11 =	sadd.s32 s5, s2;
	s1 =	smul.u32 $0x4E2, s1  }
0xe: {  	s7 =	sadd.s32 s7, s0;
	s6 =	sadd.s32 s5, s6;
	s10 =	ssub.s32 s10, s25  }
.Ltmp0:
0xf: {  	s11 =	sshrl.u32 s11, $0x3;
	s25 =	simm.s32 $0x4D58;
	(pc) =	sbr.rel .LBB2_1-.Ltmp0, $4  }
0x10: {  	s6 =	sshrl.u32 s6, $0x3;
	s5 =	sadd.s32 $0x2E800, s7;
	s9 =	sshrl.u32 s9, $0x3  }
0x11: {  	s7 =	sadd.s32 s8, s1;
	s10 =	smax.u32 s10, $0x1;
	s0 =	sadd.s32 s6, s0  }
0x12: {  	s6 =	sor.u32 $0x1C09, s26;
	s30 =	sadd.s32 s8, s9;
	s26 =	simm.s32 $0x3  }
0x13: {  	s8 =	sadd.s32 $0x9C40, s30;
	s9 =	sadd.s32 $0x42400, s0;
	s0 =	simm.s32 $0x7  }
.LBB2_4:
0x14: {  	_ =	swait.ge [sflag:s19], $0x3200  }
0x15: {  	[sflag:s19] =	ssyncset.done $0x0  }
0x16: {  	[sflag:s19] =	ssyncadd.s32 $0xFFFFCE00  }
0x17: {  	_ =	swait.ge [sflag:s20], $0x3200  }
0x18: {  	[sflag:s20] =	ssyncset.done $0x0  }
0x19: {  	[sflag:s20] =	ssyncadd.s32 $0xFFFFCE00  }
0x1a: {  	[spmem:s2] =	stream.indirect.scatter.add.f32 [tilespmem:s15], [sflag:$0x5], $0x40, s24, s14, $0xb8;
	[tilespmem:$0x1B420] =	vst v63  }
0x1b: {  	_ =	swait.ge [sflag:s22], $0x3200  }
0x1c: {  	[sflag:s22] =	ssyncset.done $0x0  }
0x1d: {  	[sflag:s22] =	ssyncadd.s32 $0xFFFFCE00  }
0x1e: {  	_ =	swait.ge [sflag:s23], $0x3200  }
0x1f: {  	[sflag:s23] =	ssyncset.done $0x0  }
0x20: {  	[sflag:s23] =	ssyncadd.s32 $0xFFFFCE00  }
0x21: {  	[spmem:s2] =	stream.indirect.scatter.add.f32 [tilespmem:s16], [sflag:$0x6], $0x40, s25, s14, $0xb8;
	[tilespmem:$0x1B420] =	vst v63  }
0x22: {  	_ =	swait.ge [sflag:s28], $0x3200  }
0x23: {  	s29 =	sadd.s32 $0x1, s29;
	[sflag:s28] =	ssyncset.done $0x0  }
0x24: {  	p0 =	sne.s32 s29, s10;
	[sflag:s28] =	ssyncadd.s32 $0xFFFFCE00  }
.Ltmp1:
0x25: {  	[bflag:$0x0] =	sbarrier.arrive $0xFFFF;
	(pc) =	sbr.rel @!p0 .LBB2_5-.Ltmp1, $4  }
0x26: {  	[hbm:s9], [sflag:s6] =	dma.local [spmem:s11], $0x13C0  }
0x27: {  	_ =	swait.ge [sflag:s12], $0x13C0  }
0x28: {  	[sflag:s12] =	ssyncset.done $0x0  }
0x29: {  	[sflag:s12] =	ssyncadd.s32 $0xFFFFEC40  }
.LBB2_1:
0x2a: {  	[spmem:s11], [sflag:s6] =	dma.local [hbm:s5], $0x13C0  }
0x2b: {  	_ =	swait.ge [sflag:s12], $0x13C0  }
0x2c: {  	[sflag:s12] =	ssyncset.done $0x0  }
0x2d: {  	[sflag:s12] =	ssyncadd.s32 $0xFFFFEC40  }
0x2e: {  	[tilespmem:s3], [sflag:$0x9] =	stream.linear.gather [hbm4b:s7+s3], $0x2710, $0x38;
	[tilespmem:$0x1B420] =	vst v63  }
0x2f: {  	_ =	swait.ge [sflag:s12], $0x2710  }
0x30: {  	[sflag:s12] =	ssyncset.done $0x0  }
0x31: {  	[sflag:s12] =	ssyncadd.s32 $0xFFFFD8F0  }
0x32: {  	[tilespmem:s13], [sflag:$0x9] =	stream.linear.gather [hbm4b:s8+s3], $0x2710, $0x38;
	[tilespmem:$0x1B420] =	vst v63  }
0x33: {  	_ =	swait.ge [sflag:s12], $0x2710  }
0x34: {  	[sflag:s12] =	ssyncset.done $0x0  }
0x35: {  	[sflag:s12] =	ssyncadd.s32 $0xFFFFD8F0  }
0x36: {  	[bflag:$0x0] =	sbarrier.arrive $0xFFFF  }
0x37: {  	[tilespmem:s15], [sflag:$0x1] =	stream.indirect.gather [hbm4b:s4+s14], $0x40, s3, s14, $0xb8;
	[tilespmem:$0x1B420] =	vst v63  }
0x38: {  	_ = 	snop  }
0x39: {  	[tilespmem:s16], [sflag:$0x2] =	stream.indirect.gather [hbm4b:s4+s14], $0x40, s14, s14, $0xb8;
	[tilespmem:$0x1B420] =	vst v63  }
0x3a: {  	s1 =	simm.s32 $0x190  }
0x3b: {  	[tilespmem:s18], [sflag:$0x3] =	stream.indirect.gather [hbm4b:s4+s14], $0x40, s1, s14, $0xb8;
	[tilespmem:$0x1B420] =	vst v63  }
0x3c: {  	_ =	swait.ge [sflag:s19], $0x3200  }
0x3d: {  	[sflag:s19] =	ssyncset.done $0x0  }
0x3e: {  	[sflag:s19] =	ssyncadd.s32 $0xFFFFCE00  }
0x3f: {  	[spmem:s2] =	stream.indirect.scatter.add.f32 [tilespmem:s15], [sflag:$0x5], $0x40, s13, s14, $0xb8;
	[tilespmem:$0x1B420] =	vst v63  }
0x40: {  	s17 =	simm.s32 $0x258  }
0x41: {  	[tilespmem:s21], [sflag:$0x4] =	stream.indirect.gather [hbm4b:s4+s14], $0x40, s17, s14, $0xb8;
	[tilespmem:$0x1B420] =	vst v63  }
0x42: {  	_ =	swait.ge [sflag:s22], $0x3200  }
0x43: {  	[sflag:s22] =	ssyncset.done $0x0  }
0x44: {  	[sflag:s22] =	ssyncadd.s32 $0xFFFFCE00  }
0x45: {  	_ =	swait.ge [sflag:s23], $0x3200  }
0x46: {  	[sflag:s23] =	ssyncset.done $0x0  }
0x47: {  	s17 =	simm.s32 $0x27D8;
	[sflag:s23] =	ssyncadd.s32 $0xFFFFCE00  }
0x48: {  	[spmem:s2] =	stream.indirect.scatter.add.f32 [tilespmem:s16], [sflag:$0x6], $0x40, s17, s14, $0xb8;
	[tilespmem:$0x1B420] =	vst v63  }
0x49: {  	s17 =	simm.s32 $0x320  }
0x4a: {  	[tilespmem:s15], [sflag:$0x1] =	stream.indirect.gather [hbm4b:s4+s14], $0x40, s17, s14, $0xb8;
	[tilespmem:$0x1B420] =	vst v63  }
0x4b: {  	_ =	swait.ge [sflag:s26], $0x3200  }
0x4c: {  	[sflag:s26] =	ssyncset.done $0x0  }
0x4d: {  	[sflag:s26] =	ssyncadd.s32 $0xFFFFCE00  }
0x4e: {  	_ =	swait.ge [sflag:s28], $0x3200  }
0x4f: {  	[sflag:s28] =	ssyncset.done $0x0  }
0x50: {  	s17 =	simm.s32 $0x28A0;
	[sflag:s28] =	ssyncadd.s32 $0xFFFFCE00  }
0x51: {  	[spmem:s2] =	stream.indirect.scatter.add.f32 [tilespmem:s18], [sflag:$0x7], $0x40, s17, s14, $0xb8;
	[tilespmem:$0x1B420] =	vst v63  }
0x52: {  	s17 =	simm.s32 $0x3E8  }
0x53: {  	[tilespmem:s16], [sflag:$0x2] =	stream.indirect.gather [hbm4b:s4+s14], $0x40, s17, s14, $0xb8;
	[tilespmem:$0x1B420] =	vst v63  }
0x54: {  	_ =	swait.ge [sflag:s31], $0x3200  }
0x55: {  	[sflag:s31] =	ssyncset.done $0x0  }
0x56: {  	[sflag:s31] =	ssyncadd.s32 $0xFFFFCE00  }
0x57: {  	_ =	swait.ge [sflag:s0], $0x3200  }
0x58: {  	[sflag:s0] =	ssyncset.done $0x0  }
0x59: {  	s17 =	simm.s32 $0x2968;
	[sflag:s0] =	ssyncadd.s32 $0xFFFFCE00  }
0x5a: {  	[spmem:s2] =	stream.indirect.scatter.add.f32 [tilespmem:s21], [sflag:$0x8], $0x40, s17, s14, $0xb8;
	[tilespmem:$0x1B420] =	vst v63  }
0x5b: {  	s30 =	simm.s32 $0x0;
	s17 =	simm.s32 $0x4B0  }
0x5c: {  	[tilespmem:s18], [sflag:$0x3] =	stream.indirect.gather [hbm4b:s4+s14], $0x40, s17, s14, $0xb8;
	[tilespmem:$0x1B420] =	vst v63  }
.LBB2_2:
0x5d: {  	_ =	swait.ge [sflag:s19], $0x3200  }
0x5e: {  	[sflag:s19] =	ssyncset.done $0x0  }
0x5f: {  	[sflag:s19] =	ssyncadd.s32 $0xFFFFCE00  }
0x60: {  	_ =	swait.ge [sflag:s20], $0x3200  }
0x61: {  	s1 =	sshra.s32 s30, $0x2;
	[sflag:s20] =	ssyncset.done $0x0  }
0x62: {  	s17 =	sadd.s32 $0x2A30, s1;
	[sflag:s20] =	ssyncadd.s32 $0xFFFFCE00  }
0x63: {  	[spmem:s2] =	stream.indirect.scatter.add.f32 [tilespmem:s15], [sflag:$0x5], $0x40, s17, s14, $0xb8;
	[tilespmem:$0x1B420] =	vst v63  }
0x64: {  	s17 =	sadd.s32 $0x578, s1  }
0x65: {  	[tilespmem:s21], [sflag:$0x4] =	stream.indirect.gather [hbm4b:s4+s14], $0x40, s17, s14, $0xb8;
	[tilespmem:$0x1B420] =	vst v63  }
0x66: {  	_ =	swait.ge [sflag:s22], $0x3200  }
0x67: {  	[sflag:s22] =	ssyncset.done $0x0  }
0x68: {  	[sflag:s22] =	ssyncadd.s32 $0xFFFFCE00  }
0x69: {  	_ =	swait.ge [sflag:s23], $0x3200  }
0x6a: {  	[sflag:s23] =	ssyncset.done $0x0  }
0x6b: {  	s17 =	sadd.s32 $0x2AF8, s1;
	[sflag:s23] =	ssyncadd.s32 $0xFFFFCE00  }
0x6c: {  	[spmem:s2] =	stream.indirect.scatter.add.f32 [tilespmem:s16], [sflag:$0x6], $0x40, s17, s14, $0xb8;
	[tilespmem:$0x1B420] =	vst v63  }
0x6d: {  	s17 =	sadd.s32 $0x640, s1  }
0x6e: {  	[tilespmem:s15], [sflag:$0x1] =	stream.indirect.gather [hbm4b:s4+s14], $0x40, s17, s14, $0xb8;
	[tilespmem:$0x1B420] =	vst v63  }
0x6f: {  	_ =	swait.ge [sflag:s26], $0x3200  }
0x70: {  	[sflag:s26] =	ssyncset.done $0x0  }
0x71: {  	[sflag:s26] =	ssyncadd.s32 $0xFFFFCE00  }
0x72: {  	_ =	swait.ge [sflag:s28], $0x3200  }
0x73: {  	[sflag:s28] =	ssyncset.done $0x0  }
0x74: {  	s17 =	sadd.s32 $0x2BC0, s1;
	[sflag:s28] =	ssyncadd.s32 $0xFFFFCE00  }
0x75: {  	[spmem:s2] =	stream.indirect.scatter.add.f32 [tilespmem:s18], [sflag:$0x7], $0x40, s17, s14, $0xb8;
	[tilespmem:$0x1B420] =	vst v63  }
0x76: {  	s17 =	sadd.s32 $0x708, s1  }
0x77: {  	[tilespmem:s16], [sflag:$0x2] =	stream.indirect.gather [hbm4b:s4+s14], $0x40, s17, s14, $0xb8;
	[tilespmem:$0x1B420] =	vst v63  }
0x78: {  	_ =	swait.ge [sflag:s31], $0x3200  }
0x79: {  	p0 =	seq.s32 s30, $0x7D00;
	[sflag:s31] =	ssyncset.done $0x0  }
.Ltmp2:
0x7a: {  	[sflag:s31] =	ssyncadd.s32 $0xFFFFCE00;
	(pc) =	sbr.rel @p0 .LBB2_4-.Ltmp2, $4  }
0x7b: {  	_ =	swait.ge [sflag:s0], $0x3200  }
0x7c: {  	[sflag:s0] =	ssyncset.done $0x0  }
0x7d: {  	s17 =	sadd.s32 $0x2C88, s1;
	[sflag:s0] =	ssyncadd.s32 $0xFFFFCE00  }
0x7e: {  	[spmem:s2] =	stream.indirect.scatter.add.f32 [tilespmem:s21], [sflag:$0x8], $0x40, s17, s14, $0xb8;
	[tilespmem:$0x1B420] =	vst v63  }
.Ltmp3:
0x7f: {  	(pc) =	sbr.rel .LBB2_2-.Ltmp3, $3  }
0x80: {  	_ =	sdelay $0x1  }
0x81: {  	s1 =	sadd.s32 $0x7D0, s1;
	s30 =	sadd.s32 $0xC80, s30  }
0x82: {  	[tilespmem:s18], [sflag:$0x3] =	stream.indirect.gather [hbm4b:s4+s14], $0x40, s1, s14, $0xb8;
	[tilespmem:$0x1B420] =	vst v63  }
.LBB2_5:
0x83: {  	_ =	sfence.sel $0x180000  }
0x84: {  	[bflag:$0x0] =	sbarrier.arrive $0xFFFF  }
0x85: {  	_ =	strace $0x9000004A  }
0x86: {  	s0 =	stileid.u32;
	[bflag:$0x2] =	sbarrier.arrive $0xFFFF  }
0x87: {  	p0 =	sne.s32 s0, $0x0;
	s0 =	rddreg [dreg:$0x2]  }
0x88: {  	s0 =	sadd.s32 @!p0 $0x100000, s0  }
0x89: {  	[sflag:s0] =	ssyncadd.tile.s32 @!p0 $0x1;
	_ =	shalt  }
.Lfunc_end2:
_tile_overlayer_lowered:
.L_overlay_start_2:
0x8a: {  	(tag) =	ssettag $0x2  }
0x8b: {  	s0 =	rddreg [dreg:$0x0];
	s2 =	stileid.u32  }
0x8c: {  	s1 =	rddreg [dreg:$0x1];
	p0 =	sne.s32 s2, $0x0  }
0x8d: {  	s3 =	rddreg [dreg:$0x2];
	[bflag:$0x3] =	sbarrier.arrive $0xFFFF;
	s2 =	simm.s32 @!p0 $0x1C09  }
0x8e: {  	[timem:s3], [sflag:s2] =	dma.local @!p0 [hbm:s0], s1  }
0x8f: {  	s0 =	simm.s32 @!p0 $0x9  }
0x90: {  	_ =	swait.ge @!p0 [sflag:s0], s1  }
0x91: {  	s1 =	ssub.s32 @!p0 $0x0, s1;
	[sflag:s0] =	ssyncset.done @!p0 $0x0  }
0x92: {  	[sflag:s0] =	ssyncadd.s32 @!p0 s1  }
0x93: {  	[bflag:$0x3] =	sbarrier.arrive $0xFFFF  }
0x94: {  	_ =	shalt  }

// kernel: kernel.16.cloned.1.call-start
scs
__scs_entry_jumppad:
0x0: {  	(pc) =	sbr.rel $0x88, $3  }
0x1: {  	(tag) =	ssettag $0x0;
	lr =	simm.s32 $0x1  }
0x2: {  	[smem:$0x3F99] =	sst lr;
	_ =	strace $0xD0000000  }
0x3: {  	_ = 	snop  }
0x4: {  	_ = 	snop  }
0x5: {  	_ = 	snop  }
0x6: {  	_ = 	snop  }
0x7: {  	_ = 	snop  }
__scs_overlays_trampoline_lowered:
0x8: {  	[smem:$0x3FA8] =	sst s0  }
0x9: {  	[smem:$0x3FA9] =	sst s1  }
0xa: {  	[smem:$0x3FAA] =	sst s2  }
0xb: {  	[smem:$0x3FAB] =	sst s3  }
0xc: {  	[smem:$0x3FAC] =	sst s4  }
0xd: {  	[smem:$0x3FAD] =	sst s5  }
0xe: {  	[smem:$0x3FAE] =	sst s6  }
0xf: {  	[smem:$0x3FAF] =	sst s7  }
0x10: {  	[smem:$0x3FB0] =	sst s8  }
0x11: {  	[smem:$0x3FB1] =	sst s9;
	s0 =	simm.s32 @!p0 $0x0  }
0x12: {  	s1 =	sld [smem:$0x3F97];
	s0 =	simm.s32 @p0 $0x1  }
0x13: {  	[smem:$0x3FB2] =	sst s0;
	s0 =	simm.s32 @!p1 $0x0  }
0x14: {  	s2 =	sld [smem:$0x3F96];
	s0 =	simm.s32 @p1 $0x1  }
0x15: {  	[smem:$0x3FB3] =	sst s0;
	s0 =	simm.s32 @!p2 $0x0  }
0x16: {  	s3 =	sld [smem:$0x3FDB];
	s0 =	simm.s32 @p2 $0x1  }
0x17: {  	s4 =	simm.s32 $0x1BF5;
	[smem:$0x3FB5] =	sst s0  }
0x18: {  	s0 =	sld [smem:$0x3F98];
	_ =	swait.ge [sflag:s4], $0x0  }
0x19: {  	s7 =	sld [smem:$0x3F99]  }
0x1a: {  	s8 =	sadd.s32 $0xFFFFE003, lr  }
0x1b: {  	s9 =	sadd.s32 $0xFFFFFEF7, lr;
	s5 =	simm.s32 $0xFFFFFFFF;
	p2 =	slt.u32 s8, $0xFFFFF086  }
0x1c: {  	p1 =	slt.u32 s9, $0xF7A;
	s5 =	simm.s32 @!p2 $0x0  }
0x1d: {  	s5 =	simm.s32 @p1 $0x1;
	p0 =	seq.s32 s7, s2  }
0x1e: {  	s7 =	smul.u32 @!p0 $0xF7A, s2;
	p2 =	seq.s32 @!p0 s5, $0x0  }
0x1f: {  	s9 =	smul.u32 $0xF7A, s1;
	s8 =	simm.s32 @!p0 $0x1BF5;
	p2 =	por !p2, p0  }
0x20: {  	[sflag:s8] =	ssyncset.s32 @!p0 $0xFFFFF086;
	s6 =	sadd.s32 @!p0 s3, s7;
	s7 =	simm.s32 @!p0 $0x108  }
0x21: {  	s3 =	sadd.s32 s3, s9;
	s6 =	sadd.s32 @!p0 $0x88, s6;
	s7 =	simm.s32 @p2 $0x1082  }
0x22: {  	[simem:s7], [sflag:s8] =	dma.local @!p0 [hbm:s6], $0xF7A  }
0x23: {  	s9 =	sor.u32 $0xD0000000, s2;
	s6 =	simm.s32 $0x108;
	_ =	swait.ge @!p0 [sflag:s8], $0x0  }
0x24: {  	s3 =	sadd.s32 $0x88, s3;
	s6 =	simm.s32 @!p1 $0x1082;
	[sflag:s4] =	ssyncset.s32 $0xFFFFF086  }
0x25: {  	[simem:s6], [sflag:s4] =	dma.local [hbm:s3], $0xF7A  }
0x26: {  	[smem:$0x3F99] =	sst s1;
	(tag) =	ssettag s2;
	_ =	strace s9  }
0x27: {  	s1 =	sld [smem:$0x3FA9]  }
0x28: {  	s2 =	sld [smem:$0x3FAA]  }
0x29: {  	s4 =	sld [smem:$0x3FAC]  }
0x2a: {  	p0 =	seq.s32 s5, $0x0;
	s5 =	sld [smem:$0x3FAD]  }
0x2b: {  	s6 =	sld [smem:$0x3FAE]  }
0x2c: {  	s7 =	sld [smem:$0x3FAF]  }
0x2d: {  	s3 =	simm.s32 $0x108;
	s8 =	sld [smem:$0x3FB0]  }
0x2e: {  	s3 =	simm.s32 @!p0 $0x1082;
	s9 =	sld [smem:$0x3FB1]  }
0x2f: {  	lr =	sadd.s32 s0, s3;
	s0 =	sld [smem:$0x3FA8]  }
0x30: {  	s3 =	sld [smem:$0x3FAB]  }
0x31: {  	[smem:$0x3FB4] =	sst s10  }
0x32: {  	s10 =	sld [smem:$0x3FB2];
	_ =	sdelay $0x3  }
0x33: {  	p0 =	seq.s32 s10, $0x1;
	s10 =	sld [smem:$0x3FB4];
	_ =	sdelay $0x3  }
0x34: {  	[smem:$0x3FB4] =	sst s10  }
0x35: {  	s10 =	sld [smem:$0x3FB3];
	_ =	sdelay $0x3  }
0x36: {  	p1 =	seq.s32 s10, $0x1;
	s10 =	sld [smem:$0x3FB4];
	_ =	sdelay $0x3  }
0x37: {  	[smem:$0x3FB4] =	sst s10  }
0x38: {  	s10 =	sld [smem:$0x3FB5]  }
0x39: {  	_ = 	snop;
	(pc) =	sbr.ind lr, $3  }
0x3a: {  	_ = 	snop  }
0x3b: {  	_ = 	snop  }
0x3c: {  	p2 =	seq.s32 s10, $0x1;
	s10 =	sld [smem:$0x3FB4]  }
0x3d: {  	_ =	shalt  }
0x3e: {  	_ =	shalt  }
0x3f: {  	_ =	shalt  }
0x40: {  	_ =	shalt  }
0x41: {  	_ =	shalt  }
0x42: {  	_ =	shalt  }
0x43: {  	_ =	shalt  }
0x44: {  	_ =	shalt  }
0x45: {  	_ =	shalt  }
0x46: {  	_ =	shalt  }
0x47: {  	_ =	shalt  }
0x48: {  	_ =	shalt  }
0x49: {  	_ =	shalt  }
0x4a: {  	_ =	shalt  }
0x4b: {  	_ =	shalt  }
0x4c: {  	_ =	shalt  }
0x4d: {  	_ =	shalt  }
0x4e: {  	_ =	shalt  }
0x4f: {  	_ =	shalt  }
0x50: {  	_ =	shalt  }
0x51: {  	_ =	shalt  }
0x52: {  	_ =	shalt  }
0x53: {  	_ =	shalt  }
0x54: {  	_ =	shalt  }
0x55: {  	_ =	shalt  }
0x56: {  	_ =	shalt  }
0x57: {  	_ =	shalt  }
0x58: {  	_ =	shalt  }
0x59: {  	_ =	shalt  }
0x5a: {  	_ =	shalt  }
0x5b: {  	_ =	shalt  }
0x5c: {  	_ =	shalt  }
0x5d: {  	_ =	shalt  }
0x5e: {  	_ =	shalt  }
0x5f: {  	_ =	shalt  }
0x60: {  	_ =	shalt  }
0x61: {  	_ =	shalt  }
0x62: {  	_ =	shalt  }
0x63: {  	_ =	shalt  }
0x64: {  	_ =	shalt  }
0x65: {  	_ =	shalt  }
0x66: {  	_ =	shalt  }
0x67: {  	_ =	shalt  }
0x68: {  	_ =	shalt  }
0x69: {  	_ =	shalt  }
0x6a: {  	_ =	shalt  }
0x6b: {  	_ =	shalt  }
0x6c: {  	_ =	shalt  }
0x6d: {  	_ =	shalt  }
0x6e: {  	_ =	shalt  }
0x6f: {  	_ =	shalt  }
0x70: {  	_ =	shalt  }
0x71: {  	_ =	shalt  }
0x72: {  	_ =	shalt  }
0x73: {  	_ =	shalt  }
0x74: {  	_ =	shalt  }
0x75: {  	_ =	shalt  }
0x76: {  	_ =	shalt  }
0x77: {  	_ =	shalt  }
0x78: {  	_ =	shalt  }
0x79: {  	_ =	shalt  }
0x7a: {  	_ =	shalt  }
0x7b: {  	_ =	shalt  }
0x7c: {  	_ =	shalt  }
0x7d: {  	_ =	shalt  }
0x7e: {  	_ =	shalt  }
0x7f: {  	_ =	shalt  }
0x80: {  	_ =	shalt  }
0x81: {  	_ =	shalt  }
0x82: {  	_ =	shalt  }
0x83: {  	_ =	shalt  }
0x84: {  	_ =	shalt  }
0x85: {  	_ =	shalt  }
0x86: {  	_ =	shalt  }
0x87: {  	_ =	shalt  }
.Lfunc_end0:
.L_simem_size_0:
called_computation.2_lowered:
.L_overlay_start_0:
0x88: {  	s2 =	sld [smem:$0x3FD9]  }
0x89: {  	s3 =	sld [smem:$0x3FFE];
	_ =	sdelay $0x1  }
0x8a: {  	s1 =	srdreg.scid  }
0x8b: {  	s0 =	sand.u32 $0x1, s1  }
0x8c: {  	s17 =	sshll.u32 s0, $0xA;
	s2 =	sadd.s32 s3, s2  }
0x8d: {  	s2 =	sadd.s32 s2, s17  }
0x8e: {  	[smem:$0x3FC0] =	sst s2  }
0x8f: {  	_ = 	snop  }
0x90: {  	s2 =	sld [smem:$0x3FD0];
	(tm) =	ssettm $0x1  }
0x91: {  	s18 =	sld [smem:$0x3FFB];
	_ =	sdelay $0x3  }
0x92: {  	_ =	strace s18  }
0x93: {  	s3 =	sld [smem:$0x3FFC];
	_ =	sdelay $0x3  }
0x94: {  	_ =	strace s3  }
0x95: {  	s3 =	sld [smem:$0x3FFD];
	_ =	sdelay $0x3  }
0x96: {  	_ =	strace s3  }
0x97: {  	_ =	strace $0x8FFFFFFF  }
0x98: {  	s19 =	sld [smem:$0x3FDB];
	_ =	sdelay $0x1  }
0x99: {  	s4 =	simm.s32 $_scs_section_size  }
0x9a: {  	s5 =	simm.s32 $_size__tile_overlayer_lowered;
	s6 =	simm.s32 $_tile_overlayer_lowered  }
0x9b: {  	s22 =	simm.s32 $0x1BFF;
	s21 =	sshll.u32 s6, $0x1;
	s3 =	sadd.s32 s4, s19  }
0x9c: {  	s7 =	simm.s32 $0x0;
	s20 =	sshll.u32 s5, $0x1;
	s5 =	sadd.s32 s21, s3  }
0x9d: {  	[timem:s7], [sflag:s22] =	dma.local [hbm:s5], s20  }
0x9e: {  	_ =	swait.ge [sflag:s22], s20  }
0x9f: {  	s4 =	ssub.s32 $0x0, s20;
	[sflag:s22] =	ssyncset.done $0x0  }
0xa0: {  	[sflag:s22] =	ssyncadd.s32 s4;
	_ =	sdelay $0x1  }
0xa1: {  	s23 =	simm.s32 $0x1B8B  }
0xa2: {  	_ =	swait.ge [sflag:s23], $0x1  }
0xa3: {  	[sflag:s23] =	ssyncset.done $0x0  }
0xa4: {  	s25 =	simm.s32 $0x1B8E;
	s24 =	sld [smem:$0x3FFE];
	[sflag:s23] =	ssyncadd.s32 $0xFFFFFFFF  }
0xa5: {  	s26 =	simm.s32 $execute0_lowered;
	[smem:$0x3FD2] =	sst s25  }
0xa6: {  	s5 =	sshll.u32 s26, $0x1;
	_ =	strace $0x8000004C;
	[dreg:$0x1] =	wrdreg $0xFFFFFFFF  }
0xa7: {  	s28 =	simm.s32 $_size_execute0_lowered;
	s3 =	sadd.s32 s3, s5;
	[dreg:$0x0] =	wrdreg $0x0  }
0xa8: {  	s5 =	sshll.u32 s28, $0x1;
	[dreg:$0x2] =	wrdreg s3  }
0xa9: {  	[dreg:$0x3] =	wrdreg s5  }
0xaa: {  	[dreg:$0x4] =	wrdreg $0xC0  }
0xab: {  	_ =	task [dreg:s7], $0x5FFFF  }
0xac: {  	[dreg:$0x1] =	wrdreg $0xFFFFFFFF  }
0xad: {  	[dreg:$0x0] =	wrdreg $0x60  }
0xae: {  	[dreg:$0x2] =	wrdreg s24  }
0xaf: {  	[dreg:$0x3] =	wrdreg s2  }
0xb0: {  	[dreg:$0x4] =	wrdreg $0xB2200  }
0xb1: {  	[dreg:$0x5] =	wrdreg $0x9  }
0xb2: {  	_ =	task.clear_ibuf [dreg:s7], $0x6FFFF;
	_ =	strace $0x9000004C  }
0xb3: {  	s29 =	simm.s32 $0x9;
	_ =	strace $0x8000004E  }
0xb4: {  	_ =	swait.ge [sflag:s29], $0x1  }
0xb5: {  	[sflag:s29] =	ssyncadd.s32 $0xFFFFFFFF  }
0xb6: {  	_ =	strace $0x9000004E  }
0xb7: {  	_ =	sfence  }
0xb8: {  	s30 =	sld [smem:$0x0];
	_ =	sdelay $0x2  }
0xb9: {  	s31 =	sshll.u32 s1, $0xD;
	s1 =	sshrl.u32 s1, $0x2  }
0xba: {  	s3 =	sand.u32 $0x4000, s31;
	s1 =	sadd.s32 s1, s30  }
0xbb: {  	s0 =	sor.u32 s3, s0;
	s1 =	sshll.u32 s1, $0x11  }
0xbc: {  	s0 =	sor.u32 s1, s0  }
0xbd: {  	s0 =	sadd.s32 $0x8F2B, s0  }
0xbe: {  	[sflag:s0] =	ssyncadd.remote.s32 $0x1  }
0xbf: {  	_ =	sfence.sel $0xFFFF  }
0xc0: {  	[dreg:$0x0] =	wrdreg $0xFFFFFFFF;
	(pc) =	sbr.abs _section_cstart, $3  }
0xc1: {  	[dreg:$0x1] =	wrdreg $0xFFFFFFFF  }
0xc2: {  	_ =	task.clear_ibuf [dreg:s7], $0x2FFFF;
	_ =	strace $0x9FFFFFFF  }
0xc3: {  	(tm) =	ssettm $0x7FFFFFFF  }
tec
execute0_lowered:
.L_overlay_start_1:
0x0: {  	(tag) =	ssettag $0x1  }
0x1: {  	s0 =	rddreg [dreg:$0x0]  }
0x2: {  	s1 =	rddreg [dreg:$0x1]  }
0x3: {  	s2 =	rddreg [dreg:$0x2]  }
0x4: {  	s4 =	srdreg.scid;
	s12 =	stileid.u32;
	s3 =	simm.s32 $0x0  }
0x5: {  	s13 =	simm.s32 $0x2710;
	s14 =	simm.s32 $0xC8;
	s15 =	simm.s32 $0x4E20  }
0x6: {  	s16 =	simm.s32 $0x6720;
	s18 =	simm.s32 $0x8020;
	s19 =	simm.s32 $0x1  }
0x7: {  	s28 =	simm.s32 $0x6;
	s31 =	simm.s32 $0x4;
	s20 =	simm.s32 $0x8  }
0x8: {  	s29 =	simm.s32 $0x0;
	s5 =	sand.u32 $0x1, s4;
	s6 =	smul.u32 $0x4F00, s12  }
0x9: {  	[smem:$0x7FF] =	sst s3;
	s4 =	sadd.s32 $0x15C00, s0;
	s8 =	sadd.s32 $0x2200, s0  }
0xa: {  	s10 =	sshll.u32 s12, $0x1;
	s25 =	sshll.u32 s12, $0x6;
	s12 =	simm.s32 $0x9  }
0xb: {  	s7 =	smul.u32 $0x4F000, s5;
	s9 =	ssub.s32 $0x2, s5;
	s5 =	sor.u32 s5, s10  }
0xc: {  	_ =	strace $0x8000004D;
	s11 =	sshrl.u32 s9, $0x1;
	s22 =	smul.u32 $0x2710, s5  }
0xd: {  	s23 =	sadd.s32 s6, s2;
	s24 =	smul.u32 $0x4E2, s5;
	s7 =	sadd.s32 s6, s7  }
0xe: {  	s21 =	ssub.s32 s9, s11;
	s6 =	sshrl.u32 s6, $0x3;
	s11 =	sshrl.u32 s23, $0x3  }
0xf: {  	s23 =	simm.s32 $0x5;
	s7 =	sshrl.u32 s7, $0x3;
	s5 =	sadd.s32 s1, s6  }
.Ltmp0:
0x10: {  	s26 =	sshrl.u32 s22, $0x3;
	s6 =	sor.u32 $0x1C09, s25;
	(pc) =	sbr.rel .LBB2_1-.Ltmp0, $4  }
0x11: {  	s10 =	smax.u32 s21, $0x1;
	s21 =	simm.s32 $0x9920;
	s22 =	simm.s32 $0x2  }
0x12: {  	s25 =	simm.s32 $0x4D58;
	s0 =	sadd.s32 s7, s0;
	s7 =	sadd.s32 s8, s24  }
0x13: {  	s30 =	sadd.s32 s8, s26;
	s26 =	simm.s32 $0x3;
	s24 =	simm.s32 $0x4C90  }
0x14: {  	s8 =	sadd.s32 $0x9C40, s30;
	s9 =	sadd.s32 $0x1FA00, s0;
	s0 =	simm.s32 $0x7  }
.LBB2_4:
0x15: {  	_ =	swait.ge [sflag:s19], $0x1900  }
0x16: {  	[sflag:s19] =	ssyncset.done $0x0  }
0x17: {  	[sflag:s19] =	ssyncadd.s32 $0xFFFFE700  }
0x18: {  	_ =	swait.ge [sflag:s20], $0x1900  }
0x19: {  	[sflag:s20] =	ssyncset.done $0x0  }
0x1a: {  	[sflag:s20] =	ssyncadd.s32 $0xFFFFE700  }
0x1b: {  	[spmem:s2] =	stream.indirect.scatter.add.f32 [tilespmem:s15], [sflag:$0x5], $0x20, s24, s14, $0xb8;
	[tilespmem:$0x10120] =	vst v63  }
0x1c: {  	_ =	swait.ge [sflag:s22], $0x1900  }
0x1d: {  	[sflag:s22] =	ssyncset.done $0x0  }
0x1e: {  	[sflag:s22] =	ssyncadd.s32 $0xFFFFE700  }
0x1f: {  	_ =	swait.ge [sflag:s23], $0x1900  }
0x20: {  	[sflag:s23] =	ssyncset.done $0x0  }
0x21: {  	[sflag:s23] =	ssyncadd.s32 $0xFFFFE700  }
0x22: {  	[spmem:s2] =	stream.indirect.scatter.add.f32 [tilespmem:s16], [sflag:$0x6], $0x20, s25, s14, $0xb8;
	[tilespmem:$0x10120] =	vst v63  }
0x23: {  	_ =	swait.ge [sflag:s28], $0x1900  }
0x24: {  	s29 =	sadd.s32 $0x1, s29;
	[sflag:s28] =	ssyncset.done $0x0  }
0x25: {  	p0 =	sne.s32 s29, s10;
	[sflag:s28] =	ssyncadd.s32 $0xFFFFE700  }
.Ltmp1:
0x26: {  	[bflag:$0x0] =	sbarrier.arrive $0xFFFF;
	(pc) =	sbr.rel @!p0 .LBB2_5-.Ltmp1, $4  }
0x27: {  	[hbm:s9], [sflag:s6] =	dma.local [spmem:s11], $0x9E0  }
0x28: {  	_ =	swait.ge [sflag:s12], $0x9E0  }
0x29: {  	[sflag:s12] =	ssyncset.done $0x0  }
0x2a: {  	[sflag:s12] =	ssyncadd.s32 $0xFFFFF620  }
.LBB2_1:
0x2b: {  	[spmem:s11], [sflag:s6] =	dma.local [hbm:s5], $0x9E0  }
0x2c: {  	_ =	swait.ge [sflag:s12], $0x9E0  }
0x2d: {  	[sflag:s12] =	ssyncset.done $0x0  }
0x2e: {  	[sflag:s12] =	ssyncadd.s32 $0xFFFFF620  }
0x2f: {  	[tilespmem:s3], [sflag:$0x9] =	stream.linear.gather [hbm4b:s7+s3], $0x2710, $0x38;
	[tilespmem:$0x10120] =	vst v63  }
0x30: {  	_ =	swait.ge [sflag:s12], $0x2710  }
0x31: {  	[sflag:s12] =	ssyncset.done $0x0  }
0x32: {  	[sflag:s12] =	ssyncadd.s32 $0xFFFFD8F0  }
0x33: {  	[tilespmem:s13], [sflag:$0x9] =	stream.linear.gather [hbm4b:s8+s3], $0x2710, $0x38;
	[tilespmem:$0x10120] =	vst v63  }
0x34: {  	_ =	swait.ge [sflag:s12], $0x2710  }
0x35: {  	[sflag:s12] =	ssyncset.done $0x0  }
0x36: {  	[sflag:s12] =	ssyncadd.s32 $0xFFFFD8F0  }
0x37: {  	[bflag:$0x0] =	sbarrier.arrive $0xFFFF  }
0x38: {  	[tilespmem:s15], [sflag:$0x1] =	stream.indirect.gather [hbm4b:s4+s14], $0x20, s3, s14, $0xb8;
	[tilespmem:$0x10120] =	vst v63  }
0x39: {  	_ = 	snop  }
0x3a: {  	[tilespmem:s16], [sflag:$0x2] =	stream.indirect.gather [hbm4b:s4+s14], $0x20, s14, s14, $0xb8;
	[tilespmem:$0x10120] =	vst v63  }
0x3b: {  	s1 =	simm.s32 $0x190  }
0x3c: {  	[tilespmem:s18], [sflag:$0x3] =	stream.indirect.gather [hbm4b:s4+s14], $0x20, s1, s14, $0xb8;
	[tilespmem:$0x10120] =	vst v63  }
0x3d: {  	_ =	swait.ge [sflag:s19], $0x1900  }
0x3e: {  	[sflag:s19] =	ssyncset.done $0x0  }
0x3f: {  	[sflag:s19] =	ssyncadd.s32 $0xFFFFE700  }
0x40: {  	[spmem:s2] =	stream.indirect.scatter.add.f32 [tilespmem:s15], [sflag:$0x5], $0x20, s13, s14, $0xb8;
	[tilespmem:$0x10120] =	vst v63  }
0x41: {  	s17 =	simm.s32 $0x258  }
0x42: {  	[tilespmem:s21], [sflag:$0x4] =	stream.indirect.gather [hbm4b:s4+s14], $0x20, s17, s14, $0xb8;
	[tilespmem:$0x10120] =	vst v63  }
0x43: {  	_ =	swait.ge [sflag:s22], $0x1900  }
0x44: {  	[sflag:s22] =	ssyncset.done $0x0  }
0x45: {  	[sflag:s22] =	ssyncadd.s32 $0xFFFFE700  }
0x46: {  	_ =	swait.ge [sflag:s23], $0x1900  }
0x47: {  	[sflag:s23] =	ssyncset.done $0x0  }
0x48: {  	s17 =	simm.s32 $0x27D8;
	[sflag:s23] =	ssyncadd.s32 $0xFFFFE700  }
0x49: {  	[spmem:s2] =	stream.indirect.scatter.add.f32 [tilespmem:s16], [sflag:$0x6], $0x20, s17, s14, $0xb8;
	[tilespmem:$0x10120] =	vst v63  }
0x4a: {  	s17 =	simm.s32 $0x320  }
0x4b: {  	[tilespmem:s15], [sflag:$0x1] =	stream.indirect.gather [hbm4b:s4+s14], $0x20, s17, s14, $0xb8;
	[tilespmem:$0x10120] =	vst v63  }
0x4c: {  	_ =	swait.ge [sflag:s26], $0x1900  }
0x4d: {  	[sflag:s26] =	ssyncset.done $0x0  }
0x4e: {  	[sflag:s26] =	ssyncadd.s32 $0xFFFFE700  }
0x4f: {  	_ =	swait.ge [sflag:s28], $0x1900  }
0x50: {  	[sflag:s28] =	ssyncset.done $0x0  }
0x51: {  	s17 =	simm.s32 $0x28A0;
	[sflag:s28] =	ssyncadd.s32 $0xFFFFE700  }
0x52: {  	[spmem:s2] =	stream.indirect.scatter.add.f32 [tilespmem:s18], [sflag:$0x7], $0x20, s17, s14, $0xb8;
	[tilespmem:$0x10120] =	vst v63  }
0x53: {  	s17 =	simm.s32 $0x3E8  }
0x54: {  	[tilespmem:s16], [sflag:$0x2] =	stream.indirect.gather [hbm4b:s4+s14], $0x20, s17, s14, $0xb8;
	[tilespmem:$0x10120] =	vst v63  }
0x55: {  	_ =	swait.ge [sflag:s31], $0x1900  }
0x56: {  	[sflag:s31] =	ssyncset.done $0x0  }
0x57: {  	[sflag:s31] =	ssyncadd.s32 $0xFFFFE700  }
0x58: {  	_ =	swait.ge [sflag:s0], $0x1900  }
0x59: {  	[sflag:s0] =	ssyncset.done $0x0  }
0x5a: {  	s17 =	simm.s32 $0x2968;
	[sflag:s0] =	ssyncadd.s32 $0xFFFFE700  }
0x5b: {  	[spmem:s2] =	stream.indirect.scatter.add.f32 [tilespmem:s21], [sflag:$0x8], $0x20, s17, s14, $0xb8;
	[tilespmem:$0x10120] =	vst v63  }
0x5c: {  	s30 =	simm.s32 $0x0;
	s17 =	simm.s32 $0x4B0  }
0x5d: {  	[tilespmem:s18], [sflag:$0x3] =	stream.indirect.gather [hbm4b:s4+s14], $0x20, s17, s14, $0xb8;
	[tilespmem:$0x10120] =	vst v63  }
.LBB2_2:
0x5e: {  	_ =	swait.ge [sflag:s19], $0x1900  }
0x5f: {  	[sflag:s19] =	ssyncset.done $0x0  }
0x60: {  	[sflag:s19] =	ssyncadd.s32 $0xFFFFE700  }
0x61: {  	_ =	swait.ge [sflag:s20], $0x1900  }
0x62: {  	s1 =	sshra.s32 s30, $0x2;
	[sflag:s20] =	ssyncset.done $0x0  }
0x63: {  	s17 =	sadd.s32 $0x2A30, s1;
	[sflag:s20] =	ssyncadd.s32 $0xFFFFE700  }
0x64: {  	[spmem:s2] =	stream.indirect.scatter.add.f32 [tilespmem:s15], [sflag:$0x5], $0x20, s17, s14, $0xb8;
	[tilespmem:$0x10120] =	vst v63  }
0x65: {  	s17 =	sadd.s32 $0x578, s1  }
0x66: {  	[tilespmem:s21], [sflag:$0x4] =	stream.indirect.gather [hbm4b:s4+s14], $0x20, s17, s14, $0xb8;
	[tilespmem:$0x10120] =	vst v63  }
0x67: {  	_ =	swait.ge [sflag:s22], $0x1900  }
0x68: {  	[sflag:s22] =	ssyncset.done $0x0  }
0x69: {  	[sflag:s22] =	ssyncadd.s32 $0xFFFFE700  }
0x6a: {  	_ =	swait.ge [sflag:s23], $0x1900  }
0x6b: {  	[sflag:s23] =	ssyncset.done $0x0  }
0x6c: {  	s17 =	sadd.s32 $0x2AF8, s1;
	[sflag:s23] =	ssyncadd.s32 $0xFFFFE700  }
0x6d: {  	[spmem:s2] =	stream.indirect.scatter.add.f32 [tilespmem:s16], [sflag:$0x6], $0x20, s17, s14, $0xb8;
	[tilespmem:$0x10120] =	vst v63  }
0x6e: {  	s17 =	sadd.s32 $0x640, s1  }
0x6f: {  	[tilespmem:s15], [sflag:$0x1] =	stream.indirect.gather [hbm4b:s4+s14], $0x20, s17, s14, $0xb8;
	[tilespmem:$0x10120] =	vst v63  }
0x70: {  	_ =	swait.ge [sflag:s26], $0x1900  }
0x71: {  	[sflag:s26] =	ssyncset.done $0x0  }
0x72: {  	[sflag:s26] =	ssyncadd.s32 $0xFFFFE700  }
0x73: {  	_ =	swait.ge [sflag:s28], $0x1900  }
0x74: {  	[sflag:s28] =	ssyncset.done $0x0  }
0x75: {  	s17 =	sadd.s32 $0x2BC0, s1;
	[sflag:s28] =	ssyncadd.s32 $0xFFFFE700  }
0x76: {  	[spmem:s2] =	stream.indirect.scatter.add.f32 [tilespmem:s18], [sflag:$0x7], $0x20, s17, s14, $0xb8;
	[tilespmem:$0x10120] =	vst v63  }
0x77: {  	s17 =	sadd.s32 $0x708, s1  }
0x78: {  	[tilespmem:s16], [sflag:$0x2] =	stream.indirect.gather [hbm4b:s4+s14], $0x20, s17, s14, $0xb8;
	[tilespmem:$0x10120] =	vst v63  }
0x79: {  	_ =	swait.ge [sflag:s31], $0x1900  }
0x7a: {  	p0 =	seq.s32 s30, $0x7D00;
	[sflag:s31] =	ssyncset.done $0x0  }
.Ltmp2:
0x7b: {  	[sflag:s31] =	ssyncadd.s32 $0xFFFFE700;
	(pc) =	sbr.rel @p0 .LBB2_4-.Ltmp2, $4  }
0x7c: {  	_ =	swait.ge [sflag:s0], $0x1900  }
0x7d: {  	[sflag:s0] =	ssyncset.done $0x0  }
0x7e: {  	s17 =	sadd.s32 $0x2C88, s1;
	[sflag:s0] =	ssyncadd.s32 $0xFFFFE700  }
0x7f: {  	[spmem:s2] =	stream.indirect.scatter.add.f32 [tilespmem:s21], [sflag:$0x8], $0x20, s17, s14, $0xb8;
	[tilespmem:$0x10120] =	vst v63  }
.Ltmp3:
0x80: {  	(pc) =	sbr.rel .LBB2_2-.Ltmp3, $3  }
0x81: {  	_ =	sdelay $0x1  }
0x82: {  	s1 =	sadd.s32 $0x7D0, s1;
	s30 =	sadd.s32 $0xC80, s30  }
0x83: {  	[tilespmem:s18], [sflag:$0x3] =	stream.indirect.gather [hbm4b:s4+s14], $0x20, s1, s14, $0xb8;
	[tilespmem:$0x10120] =	vst v63  }
.LBB2_5:
0x84: {  	_ =	sfence.sel $0x180000  }
0x85: {  	[bflag:$0x0] =	sbarrier.arrive $0xFFFF  }
0x86: {  	_ =	strace $0x9000004D  }
0x87: {  	s0 =	stileid.u32;
	[bflag:$0x2] =	sbarrier.arrive $0xFFFF  }
0x88: {  	p0 =	sne.s32 s0, $0x0;
	s0 =	rddreg [dreg:$0x3]  }
0x89: {  	s0 =	sadd.s32 @!p0 $0x100000, s0  }
0x8a: {  	[sflag:s0] =	ssyncadd.tile.s32 @!p0 $0x1;
	_ =	shalt  }
.Lfunc_end2:
_tile_overlayer_lowered:
.L_overlay_start_2:
0x8b: {  	(tag) =	ssettag $0x2  }
0x8c: {  	s0 =	rddreg [dreg:$0x0];
	s2 =	stileid.u32  }
0x8d: {  	s1 =	rddreg [dreg:$0x1];
	p0 =	sne.s32 s2, $0x0  }
0x8e: {  	s3 =	rddreg [dreg:$0x2];
	[bflag:$0x3] =	sbarrier.arrive $0xFFFF;
	s2 =	simm.s32 @!p0 $0x1C09  }
0x8f: {  	[timem:s3], [sflag:s2] =	dma.local @!p0 [hbm:s0], s1  }
0x90: {  	s0 =	simm.s32 @!p0 $0x9  }
0x91: {  	_ =	swait.ge @!p0 [sflag:s0], s1  }
0x92: {  	s1 =	ssub.s32 @!p0 $0x0, s1;
	[sflag:s0] =	ssyncset.done @!p0 $0x0  }
0x93: {  	[sflag:s0] =	ssyncadd.s32 @!p0 s1  }
0x94: {  	[bflag:$0x3] =	sbarrier.arrive $0xFFFF  }
0x95: {  	_ =	shalt  }

</sc_bundles>
